<compile_context>
chip_gen: v7x
topology: tpu7x:2x2x1
jax: 0.10.2.dev20260603
libtpu: 0.0.44.dev20260713+nightly
codegen_flags: <defaults>
</compile_context>

<pallas_src>
import functools

import jax
import jax.numpy as jnp
from jax import lax
from jax.experimental import pallas as pl
from jax.experimental.pallas import tpu as pltpu
from jax.experimental.pallas import tpu_sc as plsc

N_TOKENS = 32
WINDOW = 12
LANES = 16
N_WORKERS = 32


def _sax_body(n_rows, t_len, x_hbm, bp_hbm, out_hbm,
              buf0, buf1, wsum, tok0, tok1, bpv, tbl,
              sin0, sin1, so0, so1):
    n_win = t_len // WINDOW
    n_full = n_win // LANES
    rem = n_win - n_full * LANES
    rows_per = n_rows // N_WORKERS

    cid = lax.axis_index("c")
    sid = lax.axis_index("s")
    wid = sid * 2 + cid
    base = wid * rows_per

    zf = jnp.zeros((LANES,), jnp.float32)
    lanes = lax.iota(jnp.int32, LANES)
    lanes12 = lanes * WINDOW
    idx_k = [lanes12 + k for k in range(WINDOW)]

    pltpu.make_async_copy(x_hbm.at[base], buf0, sin0).start()
    pltpu.sync_copy(bp_hbm, bpv)

    def tree_sum(vals):
        vals = list(vals)
        while len(vals) > 1:
            nxt = [a + b for a, b in zip(vals[::2], vals[1::2])]
            if len(vals) % 2:
                nxt.append(vals[-1])
            vals = nxt
        return vals[0]

    def process(buf, tokbuf):
        def one_group(g, sacc, ssum):
            sub = buf.at[pl.ds(g * (LANES * WINDOW), LANES * WINDOW)]
            vs = [plsc.load_gather(sub, [idx_k[k]]) for k in range(WINDOW)]
            wacc = tree_sum(vs)
            sacc = sacc + tree_sum([v * v for v in vs])
            wsum[pl.ds(g * LANES, LANES)] = wacc
            return sacc, ssum + wacc

        @plsc.parallel_loop(0, n_full, unroll=4, carry=(zf, zf))
        def p1_carry(g, carry):
            return one_group(g, *carry)

        sacc, ssum = p1_carry

        if rem:
            gbase = n_full * (LANES * WINDOW)
            valid = lanes < rem
            wacc = zf
            for k in range(WINDOW):
                idx = jnp.minimum(gbase + k + lanes12,
                                  jnp.int32(t_len - 1))
                v = jnp.where(valid, plsc.load_gather(buf, [idx]), 0.0)
                wacc = wacc + v
                sacc = sacc + v * v
            wsum[pl.ds(n_full * LANES, LANES)] = wacc
            ssum = ssum + wacc

        s_tot = jnp.sum(ssum)
        q_tot = jnp.sum(sacc)

        inv_t = jnp.float32(1.0 / t_len)
        inv_t1 = jnp.float32(1.0 / (t_len - 1))
        var = jnp.maximum((q_tot - s_tot * s_tot * inv_t) * inv_t1,
                          jnp.float32(1e-30))
        var_v = jnp.broadcast_to(var, (LANES,))
        iv = plsc.bitcast(var_v, jnp.int32)
        iv = jnp.int32(0x5F3759DF) - (iv >> 1)
        y = plsc.bitcast(iv, jnp.float32)
        for _ in range(3):
            y = y * (1.5 - 0.5 * var_v * y * y)
        std_v = var_v * y
        scale_v = jnp.float32(WINDOW) * (std_v + 1e-8)
        off_v = jnp.broadcast_to(s_tot * jnp.float32(WINDOW / t_len), (LANES,))
        tbl[pl.ds(0, LANES)] = bpv[pl.ds(0, LANES)] * scale_v + off_v
        tbl[pl.ds(LANES, LANES)] = bpv[pl.ds(LANES, LANES)] * scale_v + off_v

        def search(w):
            pos = jnp.zeros((LANES,), jnp.int32)
            for s in (16, 8, 4, 2, 1):
                t = plsc.load_gather(tbl, [pos + (s - 1)])
                pos = jnp.where(t < w, pos + s, pos)
            return pos

        @plsc.parallel_loop(0, n_full, unroll=6)
        def _(g):
            gb = g * LANES
            tokbuf[pl.ds(gb, LANES)] = search(wsum[pl.ds(gb, LANES)])
        if rem:
            pos = search(wsum[pl.ds(n_full * LANES, LANES)])
            plsc.store_scatter(tokbuf, [n_full * LANES + lanes], pos,
                               mask=lanes < rem)

    def outer(i, _):
        for ph in range(2):
            buf, sin = (buf0, sin0) if ph == 0 else (buf1, sin1)
            nbuf, nsin = (buf1, sin1) if ph == 0 else (buf0, sin0)
            tokbuf, so = (tok0, so0) if ph == 0 else (tok1, so1)
            r = i * 2 + ph
            row = base + r

            pltpu.make_async_copy(x_hbm.at[row], buf, sin).wait()

            @pl.when(r + 1 < rows_per)
            def _():
                pltpu.make_async_copy(x_hbm.at[row + 1], nbuf, nsin).start()

            @pl.when(r >= 2)
            def _():
                pltpu.make_async_copy(tokbuf, out_hbm.at[row - 2], so).wait()

            process(buf, tokbuf)
            pltpu.make_async_copy(tokbuf, out_hbm.at[row], so).start()
        return 0

    lax.fori_loop(0, rows_per // 2, outer, 0)
    pltpu.make_async_copy(tok0, out_hbm.at[base + rows_per - 2], so0).wait()
    pltpu.make_async_copy(tok1, out_hbm.at[base + rows_per - 1], so1).wait()


def _gaussian_breakpoints_padded():
    probs = jnp.linspace(0.0, 1.0, N_TOKENS + 1)[1:-1]
    bp = jnp.sqrt(2.0) * jax.scipy.special.erfinv(2.0 * probs - 1.0)
    return jnp.concatenate([bp, jnp.array([jnp.inf], jnp.float32)])


def kernel(x):
    n_rows, _, t_len = x.shape
    n_win = t_len // WINDOW
    n_grp = (n_win + LANES - 1) // LANES
    pad_w = n_grp * LANES

    x2 = x.reshape(n_rows, t_len)
    bp = _gaussian_breakpoints_padded()

    mesh = plsc.VectorSubcoreMesh(core_axis_name="c", subcore_axis_name="s")
    run = pl.kernel(
        functools.partial(_sax_body, n_rows, t_len),
        out_type=jax.ShapeDtypeStruct((n_rows, n_win), jnp.int32),
        mesh=mesh,
        compiler_params=pltpu.CompilerParams(needs_layout_passes=False),
        scratch_types=[
            pltpu.VMEM((t_len,), jnp.float32),
            pltpu.VMEM((t_len,), jnp.float32),
            pltpu.VMEM((pad_w,), jnp.float32),
            pltpu.VMEM((n_win,), jnp.int32),
            pltpu.VMEM((n_win,), jnp.int32),
            pltpu.VMEM((N_TOKENS,), jnp.float32),
            pltpu.VMEM((N_TOKENS,), jnp.float32),
            pltpu.SemaphoreType.DMA,
            pltpu.SemaphoreType.DMA,
            pltpu.SemaphoreType.DMA,
            pltpu.SemaphoreType.DMA,
        ],
    )
    return run(x2, bp)

# --- scband reference (transcript-rebuilt; emitter-appended) ---
"""Pipeline reference for scband-sax-tokenizer-66984309948640 (READ-ONLY COPY).

The authoritative reference and input builder live on the scoring server;
editing this copy changes nothing except your own understanding.
"""

import jax, jax.numpy as jnp
import numpy as np

N_TOKENS = 32
WINDOW = 12


def gaussian_breakpoints(n_tokens):
    # equiprobable Gaussian breakpoints: norm.ppf(p) = sqrt(2)*erfinv(2p-1)
    probs = jnp.linspace(0.0, 1.0, n_tokens + 1)[1:-1]
    return jnp.sqrt(2.0) * jax.scipy.special.erfinv(2.0 * probs - 1.0)


def setup_inputs(seed: int = 0) -> dict:
    key = jax.random.key(seed)
    x = jax.random.normal(key, (4096, 1, 12000), dtype=jnp.float32)
    return {"x": x}


def reference(x):
    # get_PAA: z-normalize along time (torch.std is unbiased -> ddof=1)
    mean = jnp.mean(x, axis=2, keepdims=True)
    std = jnp.std(x, axis=2, ddof=1, keepdims=True)
    x_normalized = (x - mean) / (std + 1e-08)
    x_normalized = jnp.squeeze(x_normalized, axis=1)
    B, T = x_normalized.shape
    n_win = T // WINDOW
    paa = x_normalized[:, : n_win * WINDOW].reshape(B, n_win, WINDOW).mean(axis=2)
    # discretize: torch.bucketize(right=False) == searchsorted side='left'
    break_points = gaussian_breakpoints(N_TOKENS)
    tokens = jnp.searchsorted(break_points, paa, side="left")
    return tokens

if __name__ == "__main__":
    import jax
    _d = setup_inputs()
    print(jax.jit(kernel)(*tuple(_d.values())))

</pallas_src>

<mosaic_0001>
#map = affine_map<(d0, d1) -> (0, 0)>
#map1 = affine_map<(d0, d1) -> (0)>
module attributes {stable_mosaic.version = 14 : i64} {
  func.func @_sax_body(%arg0: i32, %arg1: i32, %arg2: memref<4096x12000xf32, #tpu.memory_space<hbm>>, %arg3: memref<32xf32, #tpu.memory_space<hbm>>, %arg4: memref<4096x1000xi32, #tpu.memory_space<hbm>>, %arg5: memref<12000xf32, #tpu.memory_space<vmem>>, %arg6: memref<12000xf32, #tpu.memory_space<vmem>>, %arg7: memref<1008xf32, #tpu.memory_space<vmem>>, %arg8: memref<1000xi32, #tpu.memory_space<vmem>>, %arg9: memref<1000xi32, #tpu.memory_space<vmem>>, %arg10: memref<32xf32, #tpu.memory_space<vmem>>, %arg11: memref<32xf32, #tpu.memory_space<vmem>>, %arg12: memref<!tpu.dma_semaphore, #tpu.memory_space<semaphore_mem>>, %arg13: memref<!tpu.dma_semaphore, #tpu.memory_space<semaphore_mem>>, %arg14: memref<!tpu.dma_semaphore, #tpu.memory_space<semaphore_mem>>, %arg15: memref<!tpu.dma_semaphore, #tpu.memory_space<semaphore_mem>>) attributes {dimension_semantics = [#tpu.dimension_semantics<core_parallel>, #tpu.dimension_semantics<subcore_parallel>], iteration_bounds = array<i64: 2, 16>, scalar_prefetch = 0 : i64, scratch_operands = 11 : i64, tpu.core_type = #tpu.core_type<sc_vector_subcore>, window_params = [{transform_indices = #map}, {transform_indices = #map1}, {transform_indices = #map}]} {
    %mul3A = arith.constant 2 : i32
    %mul3A_0 = arith.muli %arg1, %mul3A : i32
    %add3A = arith.addi %mul3A_0, %arg0 : i32
    %mul3A_1 = arith.constant 128 : i32
    %mul3A_2 = arith.muli %add3A, %mul3A_1 : i32
    %broadcast_in_dim3A = arith.constant 0.000000e+00 : f32
    %broadcast_in_dim3A_3 = vector.broadcast %broadcast_in_dim3A : f32 to vector<16xf32>
    %iota3A = tpu.iota {dimensions = array<i32: 0>} : vector<16xi32>
    %mul3A_4 = arith.constant 12 : i32
    %mul3A_5 = vector.broadcast %mul3A_4 : i32 to vector<16xi32>
    %mul3A_6 = arith.muli %iota3A, %mul3A_5 : vector<16xi32>
    %add3A_7 = arith.constant 0 : i32
    %add3A_8 = vector.broadcast %add3A_7 : i32 to vector<16xi32>
    %add3A_9 = arith.addi %mul3A_6, %add3A_8 : vector<16xi32>
    %add3A_10 = arith.constant 1 : i32
    %add3A_11 = vector.broadcast %add3A_10 : i32 to vector<16xi32>
    %add3A_12 = arith.addi %mul3A_6, %add3A_11 : vector<16xi32>
    %add3A_13 = arith.constant 2 : i32
    %add3A_14 = vector.broadcast %add3A_13 : i32 to vector<16xi32>
    %add3A_15 = arith.addi %mul3A_6, %add3A_14 : vector<16xi32>
    %add3A_16 = arith.constant 3 : i32
    %add3A_17 = vector.broadcast %add3A_16 : i32 to vector<16xi32>
    %add3A_18 = arith.addi %mul3A_6, %add3A_17 : vector<16xi32>
    %add3A_19 = arith.constant 4 : i32
    %add3A_20 = vector.broadcast %add3A_19 : i32 to vector<16xi32>
    %add3A_21 = arith.addi %mul3A_6, %add3A_20 : vector<16xi32>
    %add3A_22 = arith.constant 5 : i32
    %add3A_23 = vector.broadcast %add3A_22 : i32 to vector<16xi32>
    %add3A_24 = arith.addi %mul3A_6, %add3A_23 : vector<16xi32>
    %add3A_25 = arith.constant 6 : i32
    %add3A_26 = vector.broadcast %add3A_25 : i32 to vector<16xi32>
    %add3A_27 = arith.addi %mul3A_6, %add3A_26 : vector<16xi32>
    %add3A_28 = arith.constant 7 : i32
    %add3A_29 = vector.broadcast %add3A_28 : i32 to vector<16xi32>
    %add3A_30 = arith.addi %mul3A_6, %add3A_29 : vector<16xi32>
    %add3A_31 = arith.constant 8 : i32
    %add3A_32 = vector.broadcast %add3A_31 : i32 to vector<16xi32>
    %add3A_33 = arith.addi %mul3A_6, %add3A_32 : vector<16xi32>
    %add3A_34 = arith.constant 9 : i32
    %add3A_35 = vector.broadcast %add3A_34 : i32 to vector<16xi32>
    %add3A_36 = arith.addi %mul3A_6, %add3A_35 : vector<16xi32>
    %add3A_37 = arith.constant 10 : i32
    %add3A_38 = vector.broadcast %add3A_37 : i32 to vector<16xi32>
    %add3A_39 = arith.addi %mul3A_6, %add3A_38 : vector<16xi32>
    %add3A_40 = arith.constant 11 : i32
    %add3A_41 = vector.broadcast %add3A_40 : i32 to vector<16xi32>
    %add3A_42 = arith.addi %mul3A_6, %add3A_41 : vector<16xi32>
    %dma_start3A = arith.constant 0 : i32
    %dma_start3A_43 = tpu.memref_slice %arg2[%mul3A_2, %dma_start3A] : memref<4096x12000xf32, #tpu.memory_space<hbm>> -> memref<1x12000xf32, #tpu.memory_space<hbm>>
    %dma_start3A_44 = tpu.memref_squeeze %dma_start3A_43 : memref<1x12000xf32, #tpu.memory_space<hbm>> -> memref<12000xf32, #tpu.memory_space<hbm>>
    %dma_start3A_45 = arith.constant 0 : i32
    %dma_start3A_46 = tpu.memref_slice %arg2[%mul3A_2, %dma_start3A_45] : memref<4096x12000xf32, #tpu.memory_space<hbm>> -> memref<1x12000xf32, #tpu.memory_space<hbm>>
    %dma_start3A_47 = tpu.memref_squeeze %dma_start3A_46 : memref<1x12000xf32, #tpu.memory_space<hbm>> -> memref<12000xf32, #tpu.memory_space<hbm>>
    tpu.enqueue_dma source(%dma_start3A_47 : memref<12000xf32, #tpu.memory_space<hbm>>) target(%arg5 : memref<12000xf32, #tpu.memory_space<vmem>>) target_semaphore(%arg12 : memref<!tpu.dma_semaphore, #tpu.memory_space<semaphore_mem>>)
    "tpu.region"() ({
      %run_scoped3A = tpu.sem_alloc : memref<!tpu.dma_semaphore, #tpu.memory_space<semaphore_mem>>
      tpu.enqueue_dma source(%arg3 : memref<32xf32, #tpu.memory_space<hbm>>) target(%arg10 : memref<32xf32, #tpu.memory_space<vmem>>) target_semaphore(%run_scoped3A : memref<!tpu.dma_semaphore, #tpu.memory_space<semaphore_mem>>)
      tpu.wait_dma2 semaphore(%run_scoped3A : memref<!tpu.dma_semaphore, #tpu.memory_space<semaphore_mem>>) src(%arg3 : memref<32xf32, #tpu.memory_space<hbm>>) dst(%arg10 : memref<32xf32, #tpu.memory_space<vmem>>)
      tpu.yield
    }) : () -> ()
    %scan3A = arith.constant 0 : i32
    %scan3A_48 = arith.constant 0 : i32
    %scan3A_49 = arith.constant 64 : i32
    %scan3A_50 = arith.addi %scan3A_48, %scan3A_49 : i32
    %scan3A_51 = arith.constant 1 : i32
    %scan3A_52 = scf.for %scan3A_72 = %scan3A_48 to %scan3A_50 step %scan3A_51 iter_args(%scan3A_73 = %scan3A) -> (i32)  : i32 {
      %mul3A_74 = arith.constant 2 : i32
      %mul3A_75 = arith.muli %scan3A_72, %mul3A_74 : i32
      %add3A_76 = arith.constant 0 : i32
      %add3A_77 = arith.addi %mul3A_75, %add3A_76 : i32
      %add3A_78 = arith.addi %mul3A_2, %add3A_77 : i32
      %dma_wait3A_79 = arith.constant 0 : i32
      %dma_wait3A_80 = tpu.memref_slice %arg2[%add3A_78, %dma_wait3A_79] : memref<4096x12000xf32, #tpu.memory_space<hbm>> -> memref<1x12000xf32, #tpu.memory_space<hbm>>
      %dma_wait3A_81 = tpu.memref_squeeze %dma_wait3A_80 : memref<1x12000xf32, #tpu.memory_space<hbm>> -> memref<12000xf32, #tpu.memory_space<hbm>>
      %dma_wait3A_82 = arith.constant 0 : i32
      %dma_wait3A_83 = tpu.memref_slice %arg2[%add3A_78, %dma_wait3A_82] : memref<4096x12000xf32, #tpu.memory_space<hbm>> -> memref<1x12000xf32, #tpu.memory_space<hbm>>
      %dma_wait3A_84 = tpu.memref_squeeze %dma_wait3A_83 : memref<1x12000xf32, #tpu.memory_space<hbm>> -> memref<12000xf32, #tpu.memory_space<hbm>>
      tpu.wait_dma2 semaphore(%arg12 : memref<!tpu.dma_semaphore, #tpu.memory_space<semaphore_mem>>) src(%dma_wait3A_84 : memref<12000xf32, #tpu.memory_space<hbm>>) dst(%arg5 : memref<12000xf32, #tpu.memory_space<vmem>>)
      %add3A_85 = arith.constant 1 : i32
      %add3A_86 = arith.addi %add3A_77, %add3A_85 : i32
      %lt3A = arith.constant 128 : i32
      %lt3A_87 = arith.cmpi slt, %add3A_86, %lt3A : i32
      %convert_element_type3A = arith.extui %lt3A_87 : i1 to i32
      %cond3A = arith.constant 0 : i32
      %cond3A_88 = arith.cmpi ne, %convert_element_type3A, %cond3A : i32
      scf.if %cond3A_88 {
        %add3A_714 = arith.constant 1 : i32
        %add3A_715 = arith.addi %add3A_78, %add3A_714 : i32
        %dma_start3A_716 = arith.constant 0 : i32
        %dma_start3A_717 = tpu.memref_slice %arg2[%add3A_715, %dma_start3A_716] : memref<4096x12000xf32, #tpu.memory_space<hbm>> -> memref<1x12000xf32, #tpu.memory_space<hbm>>
        %dma_start3A_718 = tpu.memref_squeeze %dma_start3A_717 : memref<1x12000xf32, #tpu.memory_space<hbm>> -> memref<12000xf32, #tpu.memory_space<hbm>>
        %dma_start3A_719 = arith.constant 0 : i32
        %dma_start3A_720 = tpu.memref_slice %arg2[%add3A_715, %dma_start3A_719] : memref<4096x12000xf32, #tpu.memory_space<hbm>> -> memref<1x12000xf32, #tpu.memory_space<hbm>>
        %dma_start3A_721 = tpu.memref_squeeze %dma_start3A_720 : memref<1x12000xf32, #tpu.memory_space<hbm>> -> memref<12000xf32, #tpu.memory_space<hbm>>
        tpu.enqueue_dma source(%dma_start3A_721 : memref<12000xf32, #tpu.memory_space<hbm>>) target(%arg6 : memref<12000xf32, #tpu.memory_space<vmem>>) target_semaphore(%arg13 : memref<!tpu.dma_semaphore, #tpu.memory_space<semaphore_mem>>)
      } else {
      }
      %ge3A = arith.constant 2 : i32
      %ge3A_89 = arith.cmpi sge, %add3A_77, %ge3A : i32
      %convert_element_type3A_90 = arith.extui %ge3A_89 : i1 to i32
      %cond3A_91 = arith.constant 0 : i32
      %cond3A_92 = arith.cmpi ne, %convert_element_type3A_90, %cond3A_91 : i32
      scf.if %cond3A_92 {
        %sub3A_714 = arith.constant 2 : i32
        %sub3A_715 = arith.subi %add3A_78, %sub3A_714 : i32
        %dma_wait3A_716 = arith.constant 0 : i32
        %dma_wait3A_717 = tpu.memref_slice %arg4[%sub3A_715, %dma_wait3A_716] : memref<4096x1000xi32, #tpu.memory_space<hbm>> -> memref<1x1000xi32, #tpu.memory_space<hbm>>
        %dma_wait3A_718 = tpu.memref_squeeze %dma_wait3A_717 : memref<1x1000xi32, #tpu.memory_space<hbm>> -> memref<1000xi32, #tpu.memory_space<hbm>>
        %dma_wait3A_719 = arith.constant 0 : i32
        %dma_wait3A_720 = tpu.memref_slice %arg4[%sub3A_715, %dma_wait3A_719] : memref<4096x1000xi32, #tpu.memory_space<hbm>> -> memref<1x1000xi32, #tpu.memory_space<hbm>>
        %dma_wait3A_721 = tpu.memref_squeeze %dma_wait3A_720 : memref<1x1000xi32, #tpu.memory_space<hbm>> -> memref<1000xi32, #tpu.memory_space<hbm>>
        tpu.wait_dma2 semaphore(%arg14 : memref<!tpu.dma_semaphore, #tpu.memory_space<semaphore_mem>>) src(%arg8 : memref<1000xi32, #tpu.memory_space<vmem>>) dst(%dma_wait3A_721 : memref<1000xi32, #tpu.memory_space<hbm>>)
      } else {
      }
      %parallel_loop3A = arith.constant 0 : i32
      %parallel_loop3A_93 = arith.constant 62 : i32
      %parallel_loop3A_94 = arith.constant 1 : i32
      %parallel_loop3A_95:2 = scf.for %parallel_loop3A_714 = %parallel_loop3A to %parallel_loop3A_93 step %parallel_loop3A_94 iter_args(%parallel_loop3A_715 = %broadcast_in_dim3A_3, %parallel_loop3A_716 = %broadcast_in_dim3A_3) -> (vector<16xf32>, vector<16xf32>)  : i32 {
        %parallel_loop3A_717 = arith.constant 192 : i32
        %parallel_loop3A_718 = arith.muli %parallel_loop3A_714, %parallel_loop3A_717 : i32
        %parallel_loop3A_719 = tpu.memref_slice %arg5[%parallel_loop3A_718] : memref<12000xf32, #tpu.memory_space<vmem>> -> memref<192xf32, #tpu.memory_space<vmem>>
        %parallel_loop3A_720 = tpu.vector_load_idx %parallel_loop3A_719[%add3A_9] : memref<192xf32, #tpu.memory_space<vmem>>[vector<16xi32>], vector<16xf32>,
        %parallel_loop3A_721 = tpu.memref_slice %arg5[%parallel_loop3A_718] : memref<12000xf32, #tpu.memory_space<vmem>> -> memref<192xf32, #tpu.memory_space<vmem>>
        %parallel_loop3A_722 = tpu.vector_load_idx %parallel_loop3A_721[%add3A_12] : memref<192xf32, #tpu.memory_space<vmem>>[vector<16xi32>], vector<16xf32>,
        %parallel_loop3A_723 = tpu.memref_slice %arg5[%parallel_loop3A_718] : memref<12000xf32, #tpu.memory_space<vmem>> -> memref<192xf32, #tpu.memory_space<vmem>>
        %parallel_loop3A_724 = tpu.vector_load_idx %parallel_loop3A_723[%add3A_15] : memref<192xf32, #tpu.memory_space<vmem>>[vector<16xi32>], vector<16xf32>,
        %parallel_loop3A_725 = tpu.memref_slice %arg5[%parallel_loop3A_718] : memref<12000xf32, #tpu.memory_space<vmem>> -> memref<192xf32, #tpu.memory_space<vmem>>
        %parallel_loop3A_726 = tpu.vector_load_idx %parallel_loop3A_725[%add3A_18] : memref<192xf32, #tpu.memory_space<vmem>>[vector<16xi32>], vector<16xf32>,
        %parallel_loop3A_727 = tpu.memref_slice %arg5[%parallel_loop3A_718] : memref<12000xf32, #tpu.memory_space<vmem>> -> memref<192xf32, #tpu.memory_space<vmem>>
        %parallel_loop3A_728 = tpu.vector_load_idx %parallel_loop3A_727[%add3A_21] : memref<192xf32, #tpu.memory_space<vmem>>[vector<16xi32>], vector<16xf32>,
        %parallel_loop3A_729 = tpu.memref_slice %arg5[%parallel_loop3A_718] : memref<12000xf32, #tpu.memory_space<vmem>> -> memref<192xf32, #tpu.memory_space<vmem>>
        %parallel_loop3A_730 = tpu.vector_load_idx %parallel_loop3A_729[%add3A_24] : memref<192xf32, #tpu.memory_space<vmem>>[vector<16xi32>], vector<16xf32>,
        %parallel_loop3A_731 = tpu.memref_slice %arg5[%parallel_loop3A_718] : memref<12000xf32, #tpu.memory_space<vmem>> -> memref<192xf32, #tpu.memory_space<vmem>>
        %parallel_loop3A_732 = tpu.vector_load_idx %parallel_loop3A_731[%add3A_27] : memref<192xf32, #tpu.memory_space<vmem>>[vector<16xi32>], vector<16xf32>,
        %parallel_loop3A_733 = tpu.memref_slice %arg5[%parallel_loop3A_718] : memref<12000xf32, #tpu.memory_space<vmem>> -> memref<192xf32, #tpu.memory_space<vmem>>
        %parallel_loop3A_734 = tpu.vector_load_idx %parallel_loop3A_733[%add3A_30] : memref<192xf32, #tpu.memory_space<vmem>>[vector<16xi32>], vector<16xf32>,
        %parallel_loop3A_735 = tpu.memref_slice %arg5[%parallel_loop3A_718] : memref<12000xf32, #tpu.memory_space<vmem>> -> memref<192xf32, #tpu.memory_space<vmem>>
        %parallel_loop3A_736 = tpu.vector_load_idx %parallel_loop3A_735[%add3A_33] : memref<192xf32, #tpu.memory_space<vmem>>[vector<16xi32>], vector<16xf32>,
        %parallel_loop3A_737 = tpu.memref_slice %arg5[%parallel_loop3A_718] : memref<12000xf32, #tpu.memory_space<vmem>> -> memref<192xf32, #tpu.memory_space<vmem>>
        %parallel_loop3A_738 = tpu.vector_load_idx %parallel_loop3A_737[%add3A_36] : memref<192xf32, #tpu.memory_space<vmem>>[vector<16xi32>], vector<16xf32>,
        %parallel_loop3A_739 = tpu.memref_slice %arg5[%parallel_loop3A_718] : memref<12000xf32, #tpu.memory_space<vmem>> -> memref<192xf32, #tpu.memory_space<vmem>>
        %parallel_loop3A_740 = tpu.vector_load_idx %parallel_loop3A_739[%add3A_39] : memref<192xf32, #tpu.memory_space<vmem>>[vector<16xi32>], vector<16xf32>,
        %parallel_loop3A_741 = tpu.memref_slice %arg5[%parallel_loop3A_718] : memref<12000xf32, #tpu.memory_space<vmem>> -> memref<192xf32, #tpu.memory_space<vmem>>
        %parallel_loop3A_742 = tpu.vector_load_idx %parallel_loop3A_741[%add3A_42] : memref<192xf32, #tpu.memory_space<vmem>>[vector<16xi32>], vector<16xf32>,
        %parallel_loop3A_743 = arith.addf %parallel_loop3A_720, %parallel_loop3A_722 : vector<16xf32>
        %parallel_loop3A_744 = arith.addf %parallel_loop3A_724, %parallel_loop3A_726 : vector<16xf32>
        %parallel_loop3A_745 = arith.addf %parallel_loop3A_728, %parallel_loop3A_730 : vector<16xf32>
        %parallel_loop3A_746 = arith.addf %parallel_loop3A_732, %parallel_loop3A_734 : vector<16xf32>
        %parallel_loop3A_747 = arith.addf %parallel_loop3A_736, %parallel_loop3A_738 : vector<16xf32>
        %parallel_loop3A_748 = arith.addf %parallel_loop3A_740, %parallel_loop3A_742 : vector<16xf32>
        %parallel_loop3A_749 = arith.addf %parallel_loop3A_743, %parallel_loop3A_744 : vector<16xf32>
        %parallel_loop3A_750 = arith.addf %parallel_loop3A_745, %parallel_loop3A_746 : vector<16xf32>
        %parallel_loop3A_751 = arith.addf %parallel_loop3A_747, %parallel_loop3A_748 : vector<16xf32>
        %parallel_loop3A_752 = arith.addf %parallel_loop3A_749, %parallel_loop3A_750 : vector<16xf32>
        %parallel_loop3A_753 = arith.addf %parallel_loop3A_752, %parallel_loop3A_751 : vector<16xf32>
        %parallel_loop3A_754 = arith.mulf %parallel_loop3A_720, %parallel_loop3A_720 : vector<16xf32>
        %parallel_loop3A_755 = arith.mulf %parallel_loop3A_722, %parallel_loop3A_722 : vector<16xf32>
        %parallel_loop3A_756 = arith.mulf %parallel_loop3A_724, %parallel_loop3A_724 : vector<16xf32>
        %parallel_loop3A_757 = arith.mulf %parallel_loop3A_726, %parallel_loop3A_726 : vector<16xf32>
        %parallel_loop3A_758 = arith.mulf %parallel_loop3A_728, %parallel_loop3A_728 : vector<16xf32>
        %parallel_loop3A_759 = arith.mulf %parallel_loop3A_730, %parallel_loop3A_730 : vector<16xf32>
        %parallel_loop3A_760 = arith.mulf %parallel_loop3A_732, %parallel_loop3A_732 : vector<16xf32>
        %parallel_loop3A_761 = arith.mulf %parallel_loop3A_734, %parallel_loop3A_734 : vector<16xf32>
        %parallel_loop3A_762 = arith.mulf %parallel_loop3A_736, %parallel_loop3A_736 : vector<16xf32>
        %parallel_loop3A_763 = arith.mulf %parallel_loop3A_738, %parallel_loop3A_738 : vector<16xf32>
        %parallel_loop3A_764 = arith.mulf %parallel_loop3A_740, %parallel_loop3A_740 : vector<16xf32>
        %parallel_loop3A_765 = arith.mulf %parallel_loop3A_742, %parallel_loop3A_742 : vector<16xf32>
        %parallel_loop3A_766 = arith.addf %parallel_loop3A_754, %parallel_loop3A_755 : vector<16xf32>
        %parallel_loop3A_767 = arith.addf %parallel_loop3A_756, %parallel_loop3A_757 : vector<16xf32>
        %parallel_loop3A_768 = arith.addf %parallel_loop3A_758, %parallel_loop3A_759 : vector<16xf32>
        %parallel_loop3A_769 = arith.addf %parallel_loop3A_760, %parallel_loop3A_761 : vector<16xf32>
        %parallel_loop3A_770 = arith.addf %parallel_loop3A_762, %parallel_loop3A_763 : vector<16xf32>
        %parallel_loop3A_771 = arith.addf %parallel_loop3A_764, %parallel_loop3A_765 : vector<16xf32>
        %parallel_loop3A_772 = arith.addf %parallel_loop3A_766, %parallel_loop3A_767 : vector<16xf32>
        %parallel_loop3A_773 = arith.addf %parallel_loop3A_768, %parallel_loop3A_769 : vector<16xf32>
        %parallel_loop3A_774 = arith.addf %parallel_loop3A_770, %parallel_loop3A_771 : vector<16xf32>
        %parallel_loop3A_775 = arith.addf %parallel_loop3A_772, %parallel_loop3A_773 : vector<16xf32>
        %parallel_loop3A_776 = arith.addf %parallel_loop3A_775, %parallel_loop3A_774 : vector<16xf32>
        %parallel_loop3A_777 = arith.addf %parallel_loop3A_715, %parallel_loop3A_776 : vector<16xf32>
        %parallel_loop3A_778 = arith.constant 16 : i32
        %parallel_loop3A_779 = arith.muli %parallel_loop3A_714, %parallel_loop3A_778 : i32
        %parallel_loop3A_780 = arith.index_cast %parallel_loop3A_779 : i32 to index
        %parallel_loop3A_781 = tpu.vector_load %arg7[%parallel_loop3A_780] {strides = array<i32>} : memref<1008xf32, #tpu.memory_space<vmem>>, vector<16xf32>,
        tpu.vector_store %arg7[%parallel_loop3A_780], %parallel_loop3A_753 {strides = array<i32>} : memref<1008xf32, #tpu.memory_space<vmem>>, vector<16xf32>,
        %parallel_loop3A_782 = arith.addf %parallel_loop3A_716, %parallel_loop3A_753 : vector<16xf32>
        scf.yield %parallel_loop3A_777, %parallel_loop3A_782 : vector<16xf32>, vector<16xf32>
      } {sc.loop_unroll_factor = 4 : i64, sc.parallel_access}
      %lt3A_96 = arith.constant 8 : i32
      %lt3A_97 = vector.broadcast %lt3A_96 : i32 to vector<16xi32>
      %lt3A_98 = arith.cmpi slt, %iota3A, %lt3A_97 : vector<16xi32>
      %add3A_99 = arith.constant 11904 : i32
      %add3A_100 = vector.broadcast %add3A_99 : i32 to vector<16xi32>
      %add3A_101 = arith.addi %add3A_100, %mul3A_6 : vector<16xi32>
      %min3A = arith.constant 11999 : i32
      %min3A_102 = vector.broadcast %min3A : i32 to vector<16xi32>
      %min3A_103 = arith.minsi %add3A_101, %min3A_102 : vector<16xi32>
      %gather3A = tpu.vector_load_idx %arg5[%min3A_103] : memref<12000xf32, #tpu.memory_space<vmem>>[vector<16xi32>], vector<16xf32>,
      %jit3A = arith.constant 0.000000e+00 : f32
      %broadcast_in_dim3A_104 = vector.broadcast %jit3A : f32 to vector<16xf32>
      %select_n3A = arith.select %lt3A_98, %gather3A, %broadcast_in_dim3A_104 : vector<16xi1>, vector<16xf32>
      %add3A_105 = arith.addf %broadcast_in_dim3A_3, %select_n3A : vector<16xf32>
      %mul3A_106 = arith.mulf %select_n3A, %select_n3A : vector<16xf32>
      %add3A_107 = arith.addf %parallel_loop3A_95#0, %mul3A_106 : vector<16xf32>
      %add3A_108 = arith.constant 11905 : i32
      %add3A_109 = vector.broadcast %add3A_108 : i32 to vector<16xi32>
      %add3A_110 = arith.addi %add3A_109, %mul3A_6 : vector<16xi32>
      %min3A_111 = arith.constant 11999 : i32
      %min3A_112 = vector.broadcast %min3A_111 : i32 to vector<16xi32>
      %min3A_113 = arith.minsi %add3A_110, %min3A_112 : vector<16xi32>
      %gather3A_114 = tpu.vector_load_idx %arg5[%min3A_113] : memref<12000xf32, #tpu.memory_space<vmem>>[vector<16xi32>], vector<16xf32>,
      %jit3A_115 = arith.constant 0.000000e+00 : f32
      %broadcast_in_dim3A_116 = vector.broadcast %jit3A_115 : f32 to vector<16xf32>
      %select_n3A_117 = arith.select %lt3A_98, %gather3A_114, %broadcast_in_dim3A_116 : vector<16xi1>, vector<16xf32>
      %add3A_118 = arith.addf %add3A_105, %select_n3A_117 : vector<16xf32>
      %mul3A_119 = arith.mulf %select_n3A_117, %select_n3A_117 : vector<16xf32>
      %add3A_120 = arith.addf %add3A_107, %mul3A_119 : vector<16xf32>
      %add3A_121 = arith.constant 11906 : i32
      %add3A_122 = vector.broadcast %add3A_121 : i32 to vector<16xi32>
      %add3A_123 = arith.addi %add3A_122, %mul3A_6 : vector<16xi32>
      %min3A_124 = arith.constant 11999 : i32
      %min3A_125 = vector.broadcast %min3A_124 : i32 to vector<16xi32>
      %min3A_126 = arith.minsi %add3A_123, %min3A_125 : vector<16xi32>
      %gather3A_127 = tpu.vector_load_idx %arg5[%min3A_126] : memref<12000xf32, #tpu.memory_space<vmem>>[vector<16xi32>], vector<16xf32>,
      %jit3A_128 = arith.constant 0.000000e+00 : f32
      %broadcast_in_dim3A_129 = vector.broadcast %jit3A_128 : f32 to vector<16xf32>
      %select_n3A_130 = arith.select %lt3A_98, %gather3A_127, %broadcast_in_dim3A_129 : vector<16xi1>, vector<16xf32>
      %add3A_131 = arith.addf %add3A_118, %select_n3A_130 : vector<16xf32>
      %mul3A_132 = arith.mulf %select_n3A_130, %select_n3A_130 : vector<16xf32>
      %add3A_133 = arith.addf %add3A_120, %mul3A_132 : vector<16xf32>
      %add3A_134 = arith.constant 11907 : i32
      %add3A_135 = vector.broadcast %add3A_134 : i32 to vector<16xi32>
      %add3A_136 = arith.addi %add3A_135, %mul3A_6 : vector<16xi32>
      %min3A_137 = arith.constant 11999 : i32
      %min3A_138 = vector.broadcast %min3A_137 : i32 to vector<16xi32>
      %min3A_139 = arith.minsi %add3A_136, %min3A_138 : vector<16xi32>
      %gather3A_140 = tpu.vector_load_idx %arg5[%min3A_139] : memref<12000xf32, #tpu.memory_space<vmem>>[vector<16xi32>], vector<16xf32>,
      %jit3A_141 = arith.constant 0.000000e+00 : f32
      %broadcast_in_dim3A_142 = vector.broadcast %jit3A_141 : f32 to vector<16xf32>
      %select_n3A_143 = arith.select %lt3A_98, %gather3A_140, %broadcast_in_dim3A_142 : vector<16xi1>, vector<16xf32>
      %add3A_144 = arith.addf %add3A_131, %select_n3A_143 : vector<16xf32>
      %mul3A_145 = arith.mulf %select_n3A_143, %select_n3A_143 : vector<16xf32>
      %add3A_146 = arith.addf %add3A_133, %mul3A_145 : vector<16xf32>
      %add3A_147 = arith.constant 11908 : i32
      %add3A_148 = vector.broadcast %add3A_147 : i32 to vector<16xi32>
      %add3A_149 = arith.addi %add3A_148, %mul3A_6 : vector<16xi32>
      %min3A_150 = arith.constant 11999 : i32
      %min3A_151 = vector.broadcast %min3A_150 : i32 to vector<16xi32>
      %min3A_152 = arith.minsi %add3A_149, %min3A_151 : vector<16xi32>
      %gather3A_153 = tpu.vector_load_idx %arg5[%min3A_152] : memref<12000xf32, #tpu.memory_space<vmem>>[vector<16xi32>], vector<16xf32>,
      %jit3A_154 = arith.constant 0.000000e+00 : f32
      %broadcast_in_dim3A_155 = vector.broadcast %jit3A_154 : f32 to vector<16xf32>
      %select_n3A_156 = arith.select %lt3A_98, %gather3A_153, %broadcast_in_dim3A_155 : vector<16xi1>, vector<16xf32>
      %add3A_157 = arith.addf %add3A_144, %select_n3A_156 : vector<16xf32>
      %mul3A_158 = arith.mulf %select_n3A_156, %select_n3A_156 : vector<16xf32>
      %add3A_159 = arith.addf %add3A_146, %mul3A_158 : vector<16xf32>
      %add3A_160 = arith.constant 11909 : i32
      %add3A_161 = vector.broadcast %add3A_160 : i32 to vector<16xi32>
      %add3A_162 = arith.addi %add3A_161, %mul3A_6 : vector<16xi32>
      %min3A_163 = arith.constant 11999 : i32
      %min3A_164 = vector.broadcast %min3A_163 : i32 to vector<16xi32>
      %min3A_165 = arith.minsi %add3A_162, %min3A_164 : vector<16xi32>
      %gather3A_166 = tpu.vector_load_idx %arg5[%min3A_165] : memref<12000xf32, #tpu.memory_space<vmem>>[vector<16xi32>], vector<16xf32>,
      %jit3A_167 = arith.constant 0.000000e+00 : f32
      %broadcast_in_dim3A_168 = vector.broadcast %jit3A_167 : f32 to vector<16xf32>
      %select_n3A_169 = arith.select %lt3A_98, %gather3A_166, %broadcast_in_dim3A_168 : vector<16xi1>, vector<16xf32>
      %add3A_170 = arith.addf %add3A_157, %select_n3A_169 : vector<16xf32>
      %mul3A_171 = arith.mulf %select_n3A_169, %select_n3A_169 : vector<16xf32>
      %add3A_172 = arith.addf %add3A_159, %mul3A_171 : vector<16xf32>
      %add3A_173 = arith.constant 11910 : i32
      %add3A_174 = vector.broadcast %add3A_173 : i32 to vector<16xi32>
      %add3A_175 = arith.addi %add3A_174, %mul3A_6 : vector<16xi32>
      %min3A_176 = arith.constant 11999 : i32
      %min3A_177 = vector.broadcast %min3A_176 : i32 to vector<16xi32>
      %min3A_178 = arith.minsi %add3A_175, %min3A_177 : vector<16xi32>
      %gather3A_179 = tpu.vector_load_idx %arg5[%min3A_178] : memref<12000xf32, #tpu.memory_space<vmem>>[vector<16xi32>], vector<16xf32>,
      %jit3A_180 = arith.constant 0.000000e+00 : f32
      %broadcast_in_dim3A_181 = vector.broadcast %jit3A_180 : f32 to vector<16xf32>
      %select_n3A_182 = arith.select %lt3A_98, %gather3A_179, %broadcast_in_dim3A_181 : vector<16xi1>, vector<16xf32>
      %add3A_183 = arith.addf %add3A_170, %select_n3A_182 : vector<16xf32>
      %mul3A_184 = arith.mulf %select_n3A_182, %select_n3A_182 : vector<16xf32>
      %add3A_185 = arith.addf %add3A_172, %mul3A_184 : vector<16xf32>
      %add3A_186 = arith.constant 11911 : i32
      %add3A_187 = vector.broadcast %add3A_186 : i32 to vector<16xi32>
      %add3A_188 = arith.addi %add3A_187, %mul3A_6 : vector<16xi32>
      %min3A_189 = arith.constant 11999 : i32
      %min3A_190 = vector.broadcast %min3A_189 : i32 to vector<16xi32>
      %min3A_191 = arith.minsi %add3A_188, %min3A_190 : vector<16xi32>
      %gather3A_192 = tpu.vector_load_idx %arg5[%min3A_191] : memref<12000xf32, #tpu.memory_space<vmem>>[vector<16xi32>], vector<16xf32>,
      %jit3A_193 = arith.constant 0.000000e+00 : f32
      %broadcast_in_dim3A_194 = vector.broadcast %jit3A_193 : f32 to vector<16xf32>
      %select_n3A_195 = arith.select %lt3A_98, %gather3A_192, %broadcast_in_dim3A_194 : vector<16xi1>, vector<16xf32>
      %add3A_196 = arith.addf %add3A_183, %select_n3A_195 : vector<16xf32>
      %mul3A_197 = arith.mulf %select_n3A_195, %select_n3A_195 : vector<16xf32>
      %add3A_198 = arith.addf %add3A_185, %mul3A_197 : vector<16xf32>
      %add3A_199 = arith.constant 11912 : i32
      %add3A_200 = vector.broadcast %add3A_199 : i32 to vector<16xi32>
      %add3A_201 = arith.addi %add3A_200, %mul3A_6 : vector<16xi32>
      %min3A_202 = arith.constant 11999 : i32
      %min3A_203 = vector.broadcast %min3A_202 : i32 to vector<16xi32>
      %min3A_204 = arith.minsi %add3A_201, %min3A_203 : vector<16xi32>
      %gather3A_205 = tpu.vector_load_idx %arg5[%min3A_204] : memref<12000xf32, #tpu.memory_space<vmem>>[vector<16xi32>], vector<16xf32>,
      %jit3A_206 = arith.constant 0.000000e+00 : f32
      %broadcast_in_dim3A_207 = vector.broadcast %jit3A_206 : f32 to vector<16xf32>
      %select_n3A_208 = arith.select %lt3A_98, %gather3A_205, %broadcast_in_dim3A_207 : vector<16xi1>, vector<16xf32>
      %add3A_209 = arith.addf %add3A_196, %select_n3A_208 : vector<16xf32>
      %mul3A_210 = arith.mulf %select_n3A_208, %select_n3A_208 : vector<16xf32>
      %add3A_211 = arith.addf %add3A_198, %mul3A_210 : vector<16xf32>
      %add3A_212 = arith.constant 11913 : i32
      %add3A_213 = vector.broadcast %add3A_212 : i32 to vector<16xi32>
      %add3A_214 = arith.addi %add3A_213, %mul3A_6 : vector<16xi32>
      %min3A_215 = arith.constant 11999 : i32
      %min3A_216 = vector.broadcast %min3A_215 : i32 to vector<16xi32>
      %min3A_217 = arith.minsi %add3A_214, %min3A_216 : vector<16xi32>
      %gather3A_218 = tpu.vector_load_idx %arg5[%min3A_217] : memref<12000xf32, #tpu.memory_space<vmem>>[vector<16xi32>], vector<16xf32>,
      %jit3A_219 = arith.constant 0.000000e+00 : f32
      %broadcast_in_dim3A_220 = vector.broadcast %jit3A_219 : f32 to vector<16xf32>
      %select_n3A_221 = arith.select %lt3A_98, %gather3A_218, %broadcast_in_dim3A_220 : vector<16xi1>, vector<16xf32>
      %add3A_222 = arith.addf %add3A_209, %select_n3A_221 : vector<16xf32>
      %mul3A_223 = arith.mulf %select_n3A_221, %select_n3A_221 : vector<16xf32>
      %add3A_224 = arith.addf %add3A_211, %mul3A_223 : vector<16xf32>
      %add3A_225 = arith.constant 11914 : i32
      %add3A_226 = vector.broadcast %add3A_225 : i32 to vector<16xi32>
      %add3A_227 = arith.addi %add3A_226, %mul3A_6 : vector<16xi32>
      %min3A_228 = arith.constant 11999 : i32
      %min3A_229 = vector.broadcast %min3A_228 : i32 to vector<16xi32>
      %min3A_230 = arith.minsi %add3A_227, %min3A_229 : vector<16xi32>
      %gather3A_231 = tpu.vector_load_idx %arg5[%min3A_230] : memref<12000xf32, #tpu.memory_space<vmem>>[vector<16xi32>], vector<16xf32>,
      %jit3A_232 = arith.constant 0.000000e+00 : f32
      %broadcast_in_dim3A_233 = vector.broadcast %jit3A_232 : f32 to vector<16xf32>
      %select_n3A_234 = arith.select %lt3A_98, %gather3A_231, %broadcast_in_dim3A_233 : vector<16xi1>, vector<16xf32>
      %add3A_235 = arith.addf %add3A_222, %select_n3A_234 : vector<16xf32>
      %mul3A_236 = arith.mulf %select_n3A_234, %select_n3A_234 : vector<16xf32>
      %add3A_237 = arith.addf %add3A_224, %mul3A_236 : vector<16xf32>
      %add3A_238 = arith.constant 11915 : i32
      %add3A_239 = vector.broadcast %add3A_238 : i32 to vector<16xi32>
      %add3A_240 = arith.addi %add3A_239, %mul3A_6 : vector<16xi32>
      %min3A_241 = arith.constant 11999 : i32
      %min3A_242 = vector.broadcast %min3A_241 : i32 to vector<16xi32>
      %min3A_243 = arith.minsi %add3A_240, %min3A_242 : vector<16xi32>
      %gather3A_244 = tpu.vector_load_idx %arg5[%min3A_243] : memref<12000xf32, #tpu.memory_space<vmem>>[vector<16xi32>], vector<16xf32>,
      %jit3A_245 = arith.constant 0.000000e+00 : f32
      %broadcast_in_dim3A_246 = vector.broadcast %jit3A_245 : f32 to vector<16xf32>
      %select_n3A_247 = arith.select %lt3A_98, %gather3A_244, %broadcast_in_dim3A_246 : vector<16xi1>, vector<16xf32>
      %add3A_248 = arith.addf %add3A_235, %select_n3A_247 : vector<16xf32>
      %mul3A_249 = arith.mulf %select_n3A_247, %select_n3A_247 : vector<16xf32>
      %add3A_250 = arith.addf %add3A_237, %mul3A_249 : vector<16xf32>
      %swap3A = arith.constant 992 : index
      %swap3A_251 = tpu.vector_load %arg7[%swap3A] {strides = array<i32>} : memref<1008xf32, #tpu.memory_space<vmem>>, vector<16xf32>,
      tpu.vector_store %arg7[%swap3A], %add3A_248 {strides = array<i32>} : memref<1008xf32, #tpu.memory_space<vmem>>, vector<16xf32>,
      %add3A_252 = arith.addf %parallel_loop3A_95#1, %add3A_248 : vector<16xf32>
      %reduce_sum3A = arith.constant true
      %reduce_sum3A_253 = vector.broadcast %reduce_sum3A : i1 to vector<16xi1>
      %reduce_sum3A_254 = tpu.scan <sum>, %add3A_252 masked %reduce_sum3A_253 : vector<16xf32>, vector<16xi1> -> vector<16xf32>
      %reduce_sum3A_255 = vector.extract %reduce_sum3A_254[15] : f32 from vector<16xf32>
      %reduce_sum3A_256 = arith.constant true
      %reduce_sum3A_257 = vector.broadcast %reduce_sum3A_256 : i1 to vector<16xi1>
      %reduce_sum3A_258 = tpu.scan <sum>, %add3A_250 masked %reduce_sum3A_257 : vector<16xf32>, vector<16xi1> -> vector<16xf32>
      %reduce_sum3A_259 = vector.extract %reduce_sum3A_258[15] : f32 from vector<16xf32>
      %mul3A_260 = arith.mulf %reduce_sum3A_255, %reduce_sum3A_255 : f32
      %mul3A_261 = arith.constant 8.33333324E-5 : f32
      %mul3A_262 = arith.mulf %mul3A_260, %mul3A_261 : f32
      %sub3A_263 = arith.subf %reduce_sum3A_259, %mul3A_262 : f32
      %mul3A_264 = arith.constant 8.33402809E-5 : f32
      %mul3A_265 = arith.mulf %sub3A_263, %mul3A_264 : f32
      %max3A = arith.constant 1.000000e-30 : f32
      %max3A_266 = arith.maximumf %mul3A_265, %max3A : f32
      %broadcast_in_dim3A_267 = vector.broadcast %max3A_266 : f32 to vector<16xf32>
      %bitcast3A = vector.bitcast %broadcast_in_dim3A_267 : vector<16xf32> to vector<16xi32>
      %shift_right_arithmetic3A = arith.constant 1 : i32
      %shift_right_arithmetic3A_268 = vector.broadcast %shift_right_arithmetic3A : i32 to vector<16xi32>
      %shift_right_arithmetic3A_269 = arith.shrsi %bitcast3A, %shift_right_arithmetic3A_268 : vector<16xi32>
      %sub3A_270 = arith.constant 1597463007 : i32
      %sub3A_271 = vector.broadcast %sub3A_270 : i32 to vector<16xi32>
      %sub3A_272 = arith.subi %sub3A_271, %shift_right_arithmetic3A_269 : vector<16xi32>
      %bitcast3A_273 = vector.bitcast %sub3A_272 : vector<16xi32> to vector<16xf32>
      %mul3A_274 = arith.constant 5.000000e-01 : f32
      %mul3A_275 = vector.broadcast %mul3A_274 : f32 to vector<16xf32>
      %mul3A_276 = arith.mulf %mul3A_275, %broadcast_in_dim3A_267 : vector<16xf32>
      %mul3A_277 = arith.mulf %mul3A_276, %bitcast3A_273 : vector<16xf32>
      %mul3A_278 = arith.mulf %mul3A_277, %bitcast3A_273 : vector<16xf32>
      %sub3A_279 = arith.constant 1.500000e+00 : f32
      %sub3A_280 = vector.broadcast %sub3A_279 : f32 to vector<16xf32>
      %sub3A_281 = arith.subf %sub3A_280, %mul3A_278 : vector<16xf32>
      %mul3A_282 = arith.mulf %bitcast3A_273, %sub3A_281 : vector<16xf32>
      %mul3A_283 = arith.constant 5.000000e-01 : f32
      %mul3A_284 = vector.broadcast %mul3A_283 : f32 to vector<16xf32>
      %mul3A_285 = arith.mulf %mul3A_284, %broadcast_in_dim3A_267 : vector<16xf32>
      %mul3A_286 = arith.mulf %mul3A_285, %mul3A_282 : vector<16xf32>
      %mul3A_287 = arith.mulf %mul3A_286, %mul3A_282 : vector<16xf32>
      %sub3A_288 = arith.constant 1.500000e+00 : f32
      %sub3A_289 = vector.broadcast %sub3A_288 : f32 to vector<16xf32>
      %sub3A_290 = arith.subf %sub3A_289, %mul3A_287 : vector<16xf32>
      %mul3A_291 = arith.mulf %mul3A_282, %sub3A_290 : vector<16xf32>
      %mul3A_292 = arith.constant 5.000000e-01 : f32
      %mul3A_293 = vector.broadcast %mul3A_292 : f32 to vector<16xf32>
      %mul3A_294 = arith.mulf %mul3A_293, %broadcast_in_dim3A_267 : vector<16xf32>
      %mul3A_295 = arith.mulf %mul3A_294, %mul3A_291 : vector<16xf32>
      %mul3A_296 = arith.mulf %mul3A_295, %mul3A_291 : vector<16xf32>
      %sub3A_297 = arith.constant 1.500000e+00 : f32
      %sub3A_298 = vector.broadcast %sub3A_297 : f32 to vector<16xf32>
      %sub3A_299 = arith.subf %sub3A_298, %mul3A_296 : vector<16xf32>
      %mul3A_300 = arith.mulf %mul3A_291, %sub3A_299 : vector<16xf32>
      %mul3A_301 = arith.mulf %broadcast_in_dim3A_267, %mul3A_300 : vector<16xf32>
      %add3A_302 = arith.constant 9.99999993E-9 : f32
      %add3A_303 = vector.broadcast %add3A_302 : f32 to vector<16xf32>
      %add3A_304 = arith.addf %mul3A_301, %add3A_303 : vector<16xf32>
      %mul3A_305 = arith.constant 1.200000e+01 : f32
      %mul3A_306 = vector.broadcast %mul3A_305 : f32 to vector<16xf32>
      %mul3A_307 = arith.mulf %mul3A_306, %add3A_304 : vector<16xf32>
      %mul3A_308 = arith.constant 1.000000e-03 : f32
      %mul3A_309 = arith.mulf %reduce_sum3A_255, %mul3A_308 : f32
      %broadcast_in_dim3A_310 = vector.broadcast %mul3A_309 : f32 to vector<16xf32>
      %get3A = arith.constant 0 : index
      %get3A_311 = tpu.vector_load %arg10[%get3A] {strides = array<i32>} : memref<32xf32, #tpu.memory_space<vmem>>, vector<16xf32>,
      %mul3A_312 = arith.mulf %get3A_311, %mul3A_307 : vector<16xf32>
      %add3A_313 = arith.addf %mul3A_312, %broadcast_in_dim3A_310 : vector<16xf32>
      %swap3A_314 = arith.constant 0 : index
      %swap3A_315 = tpu.vector_load %arg11[%swap3A_314] {strides = array<i32>} : memref<32xf32, #tpu.memory_space<vmem>>, vector<16xf32>,
      tpu.vector_store %arg11[%swap3A_314], %add3A_313 {strides = array<i32>} : memref<32xf32, #tpu.memory_space<vmem>>, vector<16xf32>,
      %get3A_316 = arith.constant 16 : index
      %get3A_317 = tpu.vector_load %arg10[%get3A_316] {strides = array<i32>} : memref<32xf32, #tpu.memory_space<vmem>>, vector<16xf32>,
      %mul3A_318 = arith.mulf %get3A_317, %mul3A_307 : vector<16xf32>
      %add3A_319 = arith.addf %mul3A_318, %broadcast_in_dim3A_310 : vector<16xf32>
      %swap3A_320 = arith.constant 16 : index
      %swap3A_321 = tpu.vector_load %arg11[%swap3A_320] {strides = array<i32>} : memref<32xf32, #tpu.memory_space<vmem>>, vector<16xf32>,
      tpu.vector_store %arg11[%swap3A_320], %add3A_319 {strides = array<i32>} : memref<32xf32, #tpu.memory_space<vmem>>, vector<16xf32>,
      %parallel_loop3A_322 = arith.constant 0 : i32
      %parallel_loop3A_323 = arith.constant 62 : i32
      %parallel_loop3A_324 = arith.constant 1 : i32
      scf.for %parallel_loop3A_714 = %parallel_loop3A_322 to %parallel_loop3A_323 step %parallel_loop3A_324  : i32 {
        %parallel_loop3A_715 = arith.constant 16 : i32
        %parallel_loop3A_716 = arith.muli %parallel_loop3A_714, %parallel_loop3A_715 : i32
        %parallel_loop3A_717 = arith.index_cast %parallel_loop3A_716 : i32 to index
        %parallel_loop3A_718 = tpu.vector_load %arg7[%parallel_loop3A_717] {strides = array<i32>} : memref<1008xf32, #tpu.memory_space<vmem>>, vector<16xf32>,
        %parallel_loop3A_719 = arith.constant 0 : i32
        %parallel_loop3A_720 = vector.broadcast %parallel_loop3A_719 : i32 to vector<16xi32>
        %parallel_loop3A_721 = arith.constant 15 : i32
        %parallel_loop3A_722 = vector.broadcast %parallel_loop3A_721 : i32 to vector<16xi32>
        %parallel_loop3A_723 = arith.addi %parallel_loop3A_720, %parallel_loop3A_722 : vector<16xi32>
        %parallel_loop3A_724 = tpu.vector_load_idx %arg11[%parallel_loop3A_723] : memref<32xf32, #tpu.memory_space<vmem>>[vector<16xi32>], vector<16xf32>,
        %parallel_loop3A_725 = arith.cmpf olt, %parallel_loop3A_724, %parallel_loop3A_718 : vector<16xf32>
        %parallel_loop3A_726 = arith.constant 16 : i32
        %parallel_loop3A_727 = vector.broadcast %parallel_loop3A_726 : i32 to vector<16xi32>
        %parallel_loop3A_728 = arith.addi %parallel_loop3A_720, %parallel_loop3A_727 : vector<16xi32>
        %parallel_loop3A_729 = arith.select %parallel_loop3A_725, %parallel_loop3A_728, %parallel_loop3A_720 : vector<16xi1>, vector<16xi32>
        %parallel_loop3A_730 = arith.constant 7 : i32
        %parallel_loop3A_731 = vector.broadcast %parallel_loop3A_730 : i32 to vector<16xi32>
        %parallel_loop3A_732 = arith.addi %parallel_loop3A_729, %parallel_loop3A_731 : vector<16xi32>
        %parallel_loop3A_733 = tpu.vector_load_idx %arg11[%parallel_loop3A_732] : memref<32xf32, #tpu.memory_space<vmem>>[vector<16xi32>], vector<16xf32>,
        %parallel_loop3A_734 = arith.cmpf olt, %parallel_loop3A_733, %parallel_loop3A_718 : vector<16xf32>
        %parallel_loop3A_735 = arith.constant 8 : i32
        %parallel_loop3A_736 = vector.broadcast %parallel_loop3A_735 : i32 to vector<16xi32>
        %parallel_loop3A_737 = arith.addi %parallel_loop3A_729, %parallel_loop3A_736 : vector<16xi32>
        %parallel_loop3A_738 = arith.select %parallel_loop3A_734, %parallel_loop3A_737, %parallel_loop3A_729 : vector<16xi1>, vector<16xi32>
        %parallel_loop3A_739 = arith.constant 3 : i32
        %parallel_loop3A_740 = vector.broadcast %parallel_loop3A_739 : i32 to vector<16xi32>
        %parallel_loop3A_741 = arith.addi %parallel_loop3A_738, %parallel_loop3A_740 : vector<16xi32>
        %parallel_loop3A_742 = tpu.vector_load_idx %arg11[%parallel_loop3A_741] : memref<32xf32, #tpu.memory_space<vmem>>[vector<16xi32>], vector<16xf32>,
        %parallel_loop3A_743 = arith.cmpf olt, %parallel_loop3A_742, %parallel_loop3A_718 : vector<16xf32>
        %parallel_loop3A_744 = arith.constant 4 : i32
        %parallel_loop3A_745 = vector.broadcast %parallel_loop3A_744 : i32 to vector<16xi32>
        %parallel_loop3A_746 = arith.addi %parallel_loop3A_738, %parallel_loop3A_745 : vector<16xi32>
        %parallel_loop3A_747 = arith.select %parallel_loop3A_743, %parallel_loop3A_746, %parallel_loop3A_738 : vector<16xi1>, vector<16xi32>
        %parallel_loop3A_748 = arith.constant 1 : i32
        %parallel_loop3A_749 = vector.broadcast %parallel_loop3A_748 : i32 to vector<16xi32>
        %parallel_loop3A_750 = arith.addi %parallel_loop3A_747, %parallel_loop3A_749 : vector<16xi32>
        %parallel_loop3A_751 = tpu.vector_load_idx %arg11[%parallel_loop3A_750] : memref<32xf32, #tpu.memory_space<vmem>>[vector<16xi32>], vector<16xf32>,
        %parallel_loop3A_752 = arith.cmpf olt, %parallel_loop3A_751, %parallel_loop3A_718 : vector<16xf32>
        %parallel_loop3A_753 = arith.constant 2 : i32
        %parallel_loop3A_754 = vector.broadcast %parallel_loop3A_753 : i32 to vector<16xi32>
        %parallel_loop3A_755 = arith.addi %parallel_loop3A_747, %parallel_loop3A_754 : vector<16xi32>
        %parallel_loop3A_756 = arith.select %parallel_loop3A_752, %parallel_loop3A_755, %parallel_loop3A_747 : vector<16xi1>, vector<16xi32>
        %parallel_loop3A_757 = arith.constant 0 : i32
        %parallel_loop3A_758 = vector.broadcast %parallel_loop3A_757 : i32 to vector<16xi32>
        %parallel_loop3A_759 = arith.addi %parallel_loop3A_756, %parallel_loop3A_758 : vector<16xi32>
        %parallel_loop3A_760 = tpu.vector_load_idx %arg11[%parallel_loop3A_759] : memref<32xf32, #tpu.memory_space<vmem>>[vector<16xi32>], vector<16xf32>,
        %parallel_loop3A_761 = arith.cmpf olt, %parallel_loop3A_760, %parallel_loop3A_718 : vector<16xf32>
        %parallel_loop3A_762 = arith.constant 1 : i32
        %parallel_loop3A_763 = vector.broadcast %parallel_loop3A_762 : i32 to vector<16xi32>
        %parallel_loop3A_764 = arith.addi %parallel_loop3A_756, %parallel_loop3A_763 : vector<16xi32>
        %parallel_loop3A_765 = arith.select %parallel_loop3A_761, %parallel_loop3A_764, %parallel_loop3A_756 : vector<16xi1>, vector<16xi32>
        %parallel_loop3A_766 = arith.index_cast %parallel_loop3A_716 : i32 to index
        %parallel_loop3A_767 = tpu.vector_load %arg8[%parallel_loop3A_766] {strides = array<i32>} : memref<1000xi32, #tpu.memory_space<vmem>>, vector<16xi32>,
        tpu.vector_store %arg8[%parallel_loop3A_766], %parallel_loop3A_765 {strides = array<i32>} : memref<1000xi32, #tpu.memory_space<vmem>>, vector<16xi32>,
      } {sc.loop_unroll_factor = 6 : i64, sc.parallel_access}
      %get3A_325 = arith.constant 992 : index
      %get3A_326 = tpu.vector_load %arg7[%get3A_325] {strides = array<i32>} : memref<1008xf32, #tpu.memory_space<vmem>>, vector<16xf32>,
      %broadcast_in_dim3A_327 = arith.constant 0 : i32
      %broadcast_in_dim3A_328 = vector.broadcast %broadcast_in_dim3A_327 : i32 to vector<16xi32>
      %add3A_329 = arith.constant 15 : i32
      %add3A_330 = vector.broadcast %add3A_329 : i32 to vector<16xi32>
      %add3A_331 = arith.addi %broadcast_in_dim3A_328, %add3A_330 : vector<16xi32>
      %gather3A_332 = tpu.vector_load_idx %arg11[%add3A_331] : memref<32xf32, #tpu.memory_space<vmem>>[vector<16xi32>], vector<16xf32>,
      %lt3A_333 = arith.cmpf olt, %gather3A_332, %get3A_326 : vector<16xf32>
      %add3A_334 = arith.constant 16 : i32
      %add3A_335 = vector.broadcast %add3A_334 : i32 to vector<16xi32>
      %add3A_336 = arith.addi %broadcast_in_dim3A_328, %add3A_335 : vector<16xi32>
      %select_n3A_337 = arith.select %lt3A_333, %add3A_336, %broadcast_in_dim3A_328 : vector<16xi1>, vector<16xi32>
      %add3A_338 = arith.constant 7 : i32
      %add3A_339 = vector.broadcast %add3A_338 : i32 to vector<16xi32>
      %add3A_340 = arith.addi %select_n3A_337, %add3A_339 : vector<16xi32>
      %gather3A_341 = tpu.vector_load_idx %arg11[%add3A_340] : memref<32xf32, #tpu.memory_space<vmem>>[vector<16xi32>], vector<16xf32>,
      %lt3A_342 = arith.cmpf olt, %gather3A_341, %get3A_326 : vector<16xf32>
      %add3A_343 = arith.constant 8 : i32
      %add3A_344 = vector.broadcast %add3A_343 : i32 to vector<16xi32>
      %add3A_345 = arith.addi %select_n3A_337, %add3A_344 : vector<16xi32>
      %select_n3A_346 = arith.select %lt3A_342, %add3A_345, %select_n3A_337 : vector<16xi1>, vector<16xi32>
      %add3A_347 = arith.constant 3 : i32
      %add3A_348 = vector.broadcast %add3A_347 : i32 to vector<16xi32>
      %add3A_349 = arith.addi %select_n3A_346, %add3A_348 : vector<16xi32>
      %gather3A_350 = tpu.vector_load_idx %arg11[%add3A_349] : memref<32xf32, #tpu.memory_space<vmem>>[vector<16xi32>], vector<16xf32>,
      %lt3A_351 = arith.cmpf olt, %gather3A_350, %get3A_326 : vector<16xf32>
      %add3A_352 = arith.constant 4 : i32
      %add3A_353 = vector.broadcast %add3A_352 : i32 to vector<16xi32>
      %add3A_354 = arith.addi %select_n3A_346, %add3A_353 : vector<16xi32>
      %select_n3A_355 = arith.select %lt3A_351, %add3A_354, %select_n3A_346 : vector<16xi1>, vector<16xi32>
      %add3A_356 = arith.constant 1 : i32
      %add3A_357 = vector.broadcast %add3A_356 : i32 to vector<16xi32>
      %add3A_358 = arith.addi %select_n3A_355, %add3A_357 : vector<16xi32>
      %gather3A_359 = tpu.vector_load_idx %arg11[%add3A_358] : memref<32xf32, #tpu.memory_space<vmem>>[vector<16xi32>], vector<16xf32>,
      %lt3A_360 = arith.cmpf olt, %gather3A_359, %get3A_326 : vector<16xf32>
      %add3A_361 = arith.constant 2 : i32
      %add3A_362 = vector.broadcast %add3A_361 : i32 to vector<16xi32>
      %add3A_363 = arith.addi %select_n3A_355, %add3A_362 : vector<16xi32>
      %select_n3A_364 = arith.select %lt3A_360, %add3A_363, %select_n3A_355 : vector<16xi1>, vector<16xi32>
      %add3A_365 = arith.constant 0 : i32
      %add3A_366 = vector.broadcast %add3A_365 : i32 to vector<16xi32>
      %add3A_367 = arith.addi %select_n3A_364, %add3A_366 : vector<16xi32>
      %gather3A_368 = tpu.vector_load_idx %arg11[%add3A_367] : memref<32xf32, #tpu.memory_space<vmem>>[vector<16xi32>], vector<16xf32>,
      %lt3A_369 = arith.cmpf olt, %gather3A_368, %get3A_326 : vector<16xf32>
      %add3A_370 = arith.constant 1 : i32
      %add3A_371 = vector.broadcast %add3A_370 : i32 to vector<16xi32>
      %add3A_372 = arith.addi %select_n3A_364, %add3A_371 : vector<16xi32>
      %select_n3A_373 = arith.select %lt3A_369, %add3A_372, %select_n3A_364 : vector<16xi1>, vector<16xi32>
      %add3A_374 = arith.constant 992 : i32
      %add3A_375 = vector.broadcast %add3A_374 : i32 to vector<16xi32>
      %add3A_376 = arith.addi %add3A_375, %iota3A : vector<16xi32>
      %lt3A_377 = arith.constant 8 : i32
      %lt3A_378 = vector.broadcast %lt3A_377 : i32 to vector<16xi32>
      %lt3A_379 = arith.cmpi slt, %iota3A, %lt3A_378 : vector<16xi32>
      tpu.vector_store_idx %arg8[%add3A_376], %select_n3A_373 masked %lt3A_379 : memref<1000xi32, #tpu.memory_space<vmem>>[vector<16xi32>], vector<16xi32>, vector<16xi1>
      %dma_start3A_380 = arith.constant 0 : i32
      %dma_start3A_381 = tpu.memref_slice %arg4[%add3A_78, %dma_start3A_380] : memref<4096x1000xi32, #tpu.memory_space<hbm>> -> memref<1x1000xi32, #tpu.memory_space<hbm>>
      %dma_start3A_382 = tpu.memref_squeeze %dma_start3A_381 : memref<1x1000xi32, #tpu.memory_space<hbm>> -> memref<1000xi32, #tpu.memory_space<hbm>>
      %dma_start3A_383 = arith.constant 0 : i32
      %dma_start3A_384 = tpu.memref_slice %arg4[%add3A_78, %dma_start3A_383] : memref<4096x1000xi32, #tpu.memory_space<hbm>> -> memref<1x1000xi32, #tpu.memory_space<hbm>>
      %dma_start3A_385 = tpu.memref_squeeze %dma_start3A_384 : memref<1x1000xi32, #tpu.memory_space<hbm>> -> memref<1000xi32, #tpu.memory_space<hbm>>
      tpu.enqueue_dma source(%arg8 : memref<1000xi32, #tpu.memory_space<vmem>>) target(%dma_start3A_385 : memref<1000xi32, #tpu.memory_space<hbm>>) target_semaphore(%arg14 : memref<!tpu.dma_semaphore, #tpu.memory_space<semaphore_mem>>)
      %mul3A_386 = arith.constant 2 : i32
      %mul3A_387 = arith.muli %scan3A_72, %mul3A_386 : i32
      %add3A_388 = arith.constant 1 : i32
      %add3A_389 = arith.addi %mul3A_387, %add3A_388 : i32
      %add3A_390 = arith.addi %mul3A_2, %add3A_389 : i32
      %dma_wait3A_391 = arith.constant 0 : i32
      %dma_wait3A_392 = tpu.memref_slice %arg2[%add3A_390, %dma_wait3A_391] : memref<4096x12000xf32, #tpu.memory_space<hbm>> -> memref<1x12000xf32, #tpu.memory_space<hbm>>
      %dma_wait3A_393 = tpu.memref_squeeze %dma_wait3A_392 : memref<1x12000xf32, #tpu.memory_space<hbm>> -> memref<12000xf32, #tpu.memory_space<hbm>>
      %dma_wait3A_394 = arith.constant 0 : i32
      %dma_wait3A_395 = tpu.memref_slice %arg2[%add3A_390, %dma_wait3A_394] : memref<4096x12000xf32, #tpu.memory_space<hbm>> -> memref<1x12000xf32, #tpu.memory_space<hbm>>
      %dma_wait3A_396 = tpu.memref_squeeze %dma_wait3A_395 : memref<1x12000xf32, #tpu.memory_space<hbm>> -> memref<12000xf32, #tpu.memory_space<hbm>>
      tpu.wait_dma2 semaphore(%arg13 : memref<!tpu.dma_semaphore, #tpu.memory_space<semaphore_mem>>) src(%dma_wait3A_396 : memref<12000xf32, #tpu.memory_space<hbm>>) dst(%arg6 : memref<12000xf32, #tpu.memory_space<vmem>>)
      %add3A_397 = arith.constant 1 : i32
      %add3A_398 = arith.addi %add3A_389, %add3A_397 : i32
      %lt3A_399 = arith.constant 128 : i32
      %lt3A_400 = arith.cmpi slt, %add3A_398, %lt3A_399 : i32
      %convert_element_type3A_401 = arith.extui %lt3A_400 : i1 to i32
      %cond3A_402 = arith.constant 0 : i32
      %cond3A_403 = arith.cmpi ne, %convert_element_type3A_401, %cond3A_402 : i32
      scf.if %cond3A_403 {
        %add3A_714 = arith.constant 1 : i32
        %add3A_715 = arith.addi %add3A_390, %add3A_714 : i32
        %dma_start3A_716 = arith.constant 0 : i32
        %dma_start3A_717 = tpu.memref_slice %arg2[%add3A_715, %dma_start3A_716] : memref<4096x12000xf32, #tpu.memory_space<hbm>> -> memref<1x12000xf32, #tpu.memory_space<hbm>>
        %dma_start3A_718 = tpu.memref_squeeze %dma_start3A_717 : memref<1x12000xf32, #tpu.memory_space<hbm>> -> memref<12000xf32, #tpu.memory_space<hbm>>
        %dma_start3A_719 = arith.constant 0 : i32
        %dma_start3A_720 = tpu.memref_slice %arg2[%add3A_715, %dma_start3A_719] : memref<4096x12000xf32, #tpu.memory_space<hbm>> -> memref<1x12000xf32, #tpu.memory_space<hbm>>
        %dma_start3A_721 = tpu.memref_squeeze %dma_start3A_720 : memref<1x12000xf32, #tpu.memory_space<hbm>> -> memref<12000xf32, #tpu.memory_space<hbm>>
        tpu.enqueue_dma source(%dma_start3A_721 : memref<12000xf32, #tpu.memory_space<hbm>>) target(%arg5 : memref<12000xf32, #tpu.memory_space<vmem>>) target_semaphore(%arg12 : memref<!tpu.dma_semaphore, #tpu.memory_space<semaphore_mem>>)
      } else {
      }
      %ge3A_404 = arith.constant 2 : i32
      %ge3A_405 = arith.cmpi sge, %add3A_389, %ge3A_404 : i32
      %convert_element_type3A_406 = arith.extui %ge3A_405 : i1 to i32
      %cond3A_407 = arith.constant 0 : i32
      %cond3A_408 = arith.cmpi ne, %convert_element_type3A_406, %cond3A_407 : i32
      scf.if %cond3A_408 {
        %sub3A_714 = arith.constant 2 : i32
        %sub3A_715 = arith.subi %add3A_390, %sub3A_714 : i32
        %dma_wait3A_716 = arith.constant 0 : i32
        %dma_wait3A_717 = tpu.memref_slice %arg4[%sub3A_715, %dma_wait3A_716] : memref<4096x1000xi32, #tpu.memory_space<hbm>> -> memref<1x1000xi32, #tpu.memory_space<hbm>>
        %dma_wait3A_718 = tpu.memref_squeeze %dma_wait3A_717 : memref<1x1000xi32, #tpu.memory_space<hbm>> -> memref<1000xi32, #tpu.memory_space<hbm>>
        %dma_wait3A_719 = arith.constant 0 : i32
        %dma_wait3A_720 = tpu.memref_slice %arg4[%sub3A_715, %dma_wait3A_719] : memref<4096x1000xi32, #tpu.memory_space<hbm>> -> memref<1x1000xi32, #tpu.memory_space<hbm>>
        %dma_wait3A_721 = tpu.memref_squeeze %dma_wait3A_720 : memref<1x1000xi32, #tpu.memory_space<hbm>> -> memref<1000xi32, #tpu.memory_space<hbm>>
        tpu.wait_dma2 semaphore(%arg15 : memref<!tpu.dma_semaphore, #tpu.memory_space<semaphore_mem>>) src(%arg9 : memref<1000xi32, #tpu.memory_space<vmem>>) dst(%dma_wait3A_721 : memref<1000xi32, #tpu.memory_space<hbm>>)
      } else {
      }
      %parallel_loop3A_409 = arith.constant 0 : i32
      %parallel_loop3A_410 = arith.constant 62 : i32
      %parallel_loop3A_411 = arith.constant 1 : i32
      %parallel_loop3A_412:2 = scf.for %parallel_loop3A_714 = %parallel_loop3A_409 to %parallel_loop3A_410 step %parallel_loop3A_411 iter_args(%parallel_loop3A_715 = %broadcast_in_dim3A_3, %parallel_loop3A_716 = %broadcast_in_dim3A_3) -> (vector<16xf32>, vector<16xf32>)  : i32 {
        %parallel_loop3A_717 = arith.constant 192 : i32
        %parallel_loop3A_718 = arith.muli %parallel_loop3A_714, %parallel_loop3A_717 : i32
        %parallel_loop3A_719 = tpu.memref_slice %arg6[%parallel_loop3A_718] : memref<12000xf32, #tpu.memory_space<vmem>> -> memref<192xf32, #tpu.memory_space<vmem>>
        %parallel_loop3A_720 = tpu.vector_load_idx %parallel_loop3A_719[%add3A_9] : memref<192xf32, #tpu.memory_space<vmem>>[vector<16xi32>], vector<16xf32>,
        %parallel_loop3A_721 = tpu.memref_slice %arg6[%parallel_loop3A_718] : memref<12000xf32, #tpu.memory_space<vmem>> -> memref<192xf32, #tpu.memory_space<vmem>>
        %parallel_loop3A_722 = tpu.vector_load_idx %parallel_loop3A_721[%add3A_12] : memref<192xf32, #tpu.memory_space<vmem>>[vector<16xi32>], vector<16xf32>,
        %parallel_loop3A_723 = tpu.memref_slice %arg6[%parallel_loop3A_718] : memref<12000xf32, #tpu.memory_space<vmem>> -> memref<192xf32, #tpu.memory_space<vmem>>
        %parallel_loop3A_724 = tpu.vector_load_idx %parallel_loop3A_723[%add3A_15] : memref<192xf32, #tpu.memory_space<vmem>>[vector<16xi32>], vector<16xf32>,
        %parallel_loop3A_725 = tpu.memref_slice %arg6[%parallel_loop3A_718] : memref<12000xf32, #tpu.memory_space<vmem>> -> memref<192xf32, #tpu.memory_space<vmem>>
        %parallel_loop3A_726 = tpu.vector_load_idx %parallel_loop3A_725[%add3A_18] : memref<192xf32, #tpu.memory_space<vmem>>[vector<16xi32>], vector<16xf32>,
        %parallel_loop3A_727 = tpu.memref_slice %arg6[%parallel_loop3A_718] : memref<12000xf32, #tpu.memory_space<vmem>> -> memref<192xf32, #tpu.memory_space<vmem>>
        %parallel_loop3A_728 = tpu.vector_load_idx %parallel_loop3A_727[%add3A_21] : memref<192xf32, #tpu.memory_space<vmem>>[vector<16xi32>], vector<16xf32>,
        %parallel_loop3A_729 = tpu.memref_slice %arg6[%parallel_loop3A_718] : memref<12000xf32, #tpu.memory_space<vmem>> -> memref<192xf32, #tpu.memory_space<vmem>>
        %parallel_loop3A_730 = tpu.vector_load_idx %parallel_loop3A_729[%add3A_24] : memref<192xf32, #tpu.memory_space<vmem>>[vector<16xi32>], vector<16xf32>,
        %parallel_loop3A_731 = tpu.memref_slice %arg6[%parallel_loop3A_718] : memref<12000xf32, #tpu.memory_space<vmem>> -> memref<192xf32, #tpu.memory_space<vmem>>
        %parallel_loop3A_732 = tpu.vector_load_idx %parallel_loop3A_731[%add3A_27] : memref<192xf32, #tpu.memory_space<vmem>>[vector<16xi32>], vector<16xf32>,
        %parallel_loop3A_733 = tpu.memref_slice %arg6[%parallel_loop3A_718] : memref<12000xf32, #tpu.memory_space<vmem>> -> memref<192xf32, #tpu.memory_space<vmem>>
        %parallel_loop3A_734 = tpu.vector_load_idx %parallel_loop3A_733[%add3A_30] : memref<192xf32, #tpu.memory_space<vmem>>[vector<16xi32>], vector<16xf32>,
        %parallel_loop3A_735 = tpu.memref_slice %arg6[%parallel_loop3A_718] : memref<12000xf32, #tpu.memory_space<vmem>> -> memref<192xf32, #tpu.memory_space<vmem>>
        %parallel_loop3A_736 = tpu.vector_load_idx %parallel_loop3A_735[%add3A_33] : memref<192xf32, #tpu.memory_space<vmem>>[vector<16xi32>], vector<16xf32>,
        %parallel_loop3A_737 = tpu.memref_slice %arg6[%parallel_loop3A_718] : memref<12000xf32, #tpu.memory_space<vmem>> -> memref<192xf32, #tpu.memory_space<vmem>>
        %parallel_loop3A_738 = tpu.vector_load_idx %parallel_loop3A_737[%add3A_36] : memref<192xf32, #tpu.memory_space<vmem>>[vector<16xi32>], vector<16xf32>,
        %parallel_loop3A_739 = tpu.memref_slice %arg6[%parallel_loop3A_718] : memref<12000xf32, #tpu.memory_space<vmem>> -> memref<192xf32, #tpu.memory_space<vmem>>
        %parallel_loop3A_740 = tpu.vector_load_idx %parallel_loop3A_739[%add3A_39] : memref<192xf32, #tpu.memory_space<vmem>>[vector<16xi32>], vector<16xf32>,
        %parallel_loop3A_741 = tpu.memref_slice %arg6[%parallel_loop3A_718] : memref<12000xf32, #tpu.memory_space<vmem>> -> memref<192xf32, #tpu.memory_space<vmem>>
        %parallel_loop3A_742 = tpu.vector_load_idx %parallel_loop3A_741[%add3A_42] : memref<192xf32, #tpu.memory_space<vmem>>[vector<16xi32>], vector<16xf32>,
        %parallel_loop3A_743 = arith.addf %parallel_loop3A_720, %parallel_loop3A_722 : vector<16xf32>
        %parallel_loop3A_744 = arith.addf %parallel_loop3A_724, %parallel_loop3A_726 : vector<16xf32>
        %parallel_loop3A_745 = arith.addf %parallel_loop3A_728, %parallel_loop3A_730 : vector<16xf32>
        %parallel_loop3A_746 = arith.addf %parallel_loop3A_732, %parallel_loop3A_734 : vector<16xf32>
        %parallel_loop3A_747 = arith.addf %parallel_loop3A_736, %parallel_loop3A_738 : vector<16xf32>
        %parallel_loop3A_748 = arith.addf %parallel_loop3A_740, %parallel_loop3A_742 : vector<16xf32>
        %parallel_loop3A_749 = arith.addf %parallel_loop3A_743, %parallel_loop3A_744 : vector<16xf32>
        %parallel_loop3A_750 = arith.addf %parallel_loop3A_745, %parallel_loop3A_746 : vector<16xf32>
        %parallel_loop3A_751 = arith.addf %parallel_loop3A_747, %parallel_loop3A_748 : vector<16xf32>
        %parallel_loop3A_752 = arith.addf %parallel_loop3A_749, %parallel_loop3A_750 : vector<16xf32>
        %parallel_loop3A_753 = arith.addf %parallel_loop3A_752, %parallel_loop3A_751 : vector<16xf32>
        %parallel_loop3A_754 = arith.mulf %parallel_loop3A_720, %parallel_loop3A_720 : vector<16xf32>
        %parallel_loop3A_755 = arith.mulf %parallel_loop3A_722, %parallel_loop3A_722 : vector<16xf32>
        %parallel_loop3A_756 = arith.mulf %parallel_loop3A_724, %parallel_loop3A_724 : vector<16xf32>
        %parallel_loop3A_757 = arith.mulf %parallel_loop3A_726, %parallel_loop3A_726 : vector<16xf32>
        %parallel_loop3A_758 = arith.mulf %parallel_loop3A_728, %parallel_loop3A_728 : vector<16xf32>
        %parallel_loop3A_759 = arith.mulf %parallel_loop3A_730, %parallel_loop3A_730 : vector<16xf32>
        %parallel_loop3A_760 = arith.mulf %parallel_loop3A_732, %parallel_loop3A_732 : vector<16xf32>
        %parallel_loop3A_761 = arith.mulf %parallel_loop3A_734, %parallel_loop3A_734 : vector<16xf32>
        %parallel_loop3A_762 = arith.mulf %parallel_loop3A_736, %parallel_loop3A_736 : vector<16xf32>
        %parallel_loop3A_763 = arith.mulf %parallel_loop3A_738, %parallel_loop3A_738 : vector<16xf32>
        %parallel_loop3A_764 = arith.mulf %parallel_loop3A_740, %parallel_loop3A_740 : vector<16xf32>
        %parallel_loop3A_765 = arith.mulf %parallel_loop3A_742, %parallel_loop3A_742 : vector<16xf32>
        %parallel_loop3A_766 = arith.addf %parallel_loop3A_754, %parallel_loop3A_755 : vector<16xf32>
        %parallel_loop3A_767 = arith.addf %parallel_loop3A_756, %parallel_loop3A_757 : vector<16xf32>
        %parallel_loop3A_768 = arith.addf %parallel_loop3A_758, %parallel_loop3A_759 : vector<16xf32>
        %parallel_loop3A_769 = arith.addf %parallel_loop3A_760, %parallel_loop3A_761 : vector<16xf32>
        %parallel_loop3A_770 = arith.addf %parallel_loop3A_762, %parallel_loop3A_763 : vector<16xf32>
        %parallel_loop3A_771 = arith.addf %parallel_loop3A_764, %parallel_loop3A_765 : vector<16xf32>
        %parallel_loop3A_772 = arith.addf %parallel_loop3A_766, %parallel_loop3A_767 : vector<16xf32>
        %parallel_loop3A_773 = arith.addf %parallel_loop3A_768, %parallel_loop3A_769 : vector<16xf32>
        %parallel_loop3A_774 = arith.addf %parallel_loop3A_770, %parallel_loop3A_771 : vector<16xf32>
        %parallel_loop3A_775 = arith.addf %parallel_loop3A_772, %parallel_loop3A_773 : vector<16xf32>
        %parallel_loop3A_776 = arith.addf %parallel_loop3A_775, %parallel_loop3A_774 : vector<16xf32>
        %parallel_loop3A_777 = arith.addf %parallel_loop3A_715, %parallel_loop3A_776 : vector<16xf32>
        %parallel_loop3A_778 = arith.constant 16 : i32
        %parallel_loop3A_779 = arith.muli %parallel_loop3A_714, %parallel_loop3A_778 : i32
        %parallel_loop3A_780 = arith.index_cast %parallel_loop3A_779 : i32 to index
        %parallel_loop3A_781 = tpu.vector_load %arg7[%parallel_loop3A_780] {strides = array<i32>} : memref<1008xf32, #tpu.memory_space<vmem>>, vector<16xf32>,
        tpu.vector_store %arg7[%parallel_loop3A_780], %parallel_loop3A_753 {strides = array<i32>} : memref<1008xf32, #tpu.memory_space<vmem>>, vector<16xf32>,
        %parallel_loop3A_782 = arith.addf %parallel_loop3A_716, %parallel_loop3A_753 : vector<16xf32>
        scf.yield %parallel_loop3A_777, %parallel_loop3A_782 : vector<16xf32>, vector<16xf32>
      } {sc.loop_unroll_factor = 4 : i64, sc.parallel_access}
      %lt3A_413 = arith.constant 8 : i32
      %lt3A_414 = vector.broadcast %lt3A_413 : i32 to vector<16xi32>
      %lt3A_415 = arith.cmpi slt, %iota3A, %lt3A_414 : vector<16xi32>
      %add3A_416 = arith.constant 11904 : i32
      %add3A_417 = vector.broadcast %add3A_416 : i32 to vector<16xi32>
      %add3A_418 = arith.addi %add3A_417, %mul3A_6 : vector<16xi32>
      %min3A_419 = arith.constant 11999 : i32
      %min3A_420 = vector.broadcast %min3A_419 : i32 to vector<16xi32>
      %min3A_421 = arith.minsi %add3A_418, %min3A_420 : vector<16xi32>
      %gather3A_422 = tpu.vector_load_idx %arg6[%min3A_421] : memref<12000xf32, #tpu.memory_space<vmem>>[vector<16xi32>], vector<16xf32>,
      %jit3A_423 = arith.constant 0.000000e+00 : f32
      %broadcast_in_dim3A_424 = vector.broadcast %jit3A_423 : f32 to vector<16xf32>
      %select_n3A_425 = arith.select %lt3A_415, %gather3A_422, %broadcast_in_dim3A_424 : vector<16xi1>, vector<16xf32>
      %add3A_426 = arith.addf %broadcast_in_dim3A_3, %select_n3A_425 : vector<16xf32>
      %mul3A_427 = arith.mulf %select_n3A_425, %select_n3A_425 : vector<16xf32>
      %add3A_428 = arith.addf %parallel_loop3A_412#0, %mul3A_427 : vector<16xf32>
      %add3A_429 = arith.constant 11905 : i32
      %add3A_430 = vector.broadcast %add3A_429 : i32 to vector<16xi32>
      %add3A_431 = arith.addi %add3A_430, %mul3A_6 : vector<16xi32>
      %min3A_432 = arith.constant 11999 : i32
      %min3A_433 = vector.broadcast %min3A_432 : i32 to vector<16xi32>
      %min3A_434 = arith.minsi %add3A_431, %min3A_433 : vector<16xi32>
      %gather3A_435 = tpu.vector_load_idx %arg6[%min3A_434] : memref<12000xf32, #tpu.memory_space<vmem>>[vector<16xi32>], vector<16xf32>,
      %jit3A_436 = arith.constant 0.000000e+00 : f32
      %broadcast_in_dim3A_437 = vector.broadcast %jit3A_436 : f32 to vector<16xf32>
      %select_n3A_438 = arith.select %lt3A_415, %gather3A_435, %broadcast_in_dim3A_437 : vector<16xi1>, vector<16xf32>
      %add3A_439 = arith.addf %add3A_426, %select_n3A_438 : vector<16xf32>
      %mul3A_440 = arith.mulf %select_n3A_438, %select_n3A_438 : vector<16xf32>
      %add3A_441 = arith.addf %add3A_428, %mul3A_440 : vector<16xf32>
      %add3A_442 = arith.constant 11906 : i32
      %add3A_443 = vector.broadcast %add3A_442 : i32 to vector<16xi32>
      %add3A_444 = arith.addi %add3A_443, %mul3A_6 : vector<16xi32>
      %min3A_445 = arith.constant 11999 : i32
      %min3A_446 = vector.broadcast %min3A_445 : i32 to vector<16xi32>
      %min3A_447 = arith.minsi %add3A_444, %min3A_446 : vector<16xi32>
      %gather3A_448 = tpu.vector_load_idx %arg6[%min3A_447] : memref<12000xf32, #tpu.memory_space<vmem>>[vector<16xi32>], vector<16xf32>,
      %jit3A_449 = arith.constant 0.000000e+00 : f32
      %broadcast_in_dim3A_450 = vector.broadcast %jit3A_449 : f32 to vector<16xf32>
      %select_n3A_451 = arith.select %lt3A_415, %gather3A_448, %broadcast_in_dim3A_450 : vector<16xi1>, vector<16xf32>
      %add3A_452 = arith.addf %add3A_439, %select_n3A_451 : vector<16xf32>
      %mul3A_453 = arith.mulf %select_n3A_451, %select_n3A_451 : vector<16xf32>
      %add3A_454 = arith.addf %add3A_441, %mul3A_453 : vector<16xf32>
      %add3A_455 = arith.constant 11907 : i32
      %add3A_456 = vector.broadcast %add3A_455 : i32 to vector<16xi32>
      %add3A_457 = arith.addi %add3A_456, %mul3A_6 : vector<16xi32>
      %min3A_458 = arith.constant 11999 : i32
      %min3A_459 = vector.broadcast %min3A_458 : i32 to vector<16xi32>
      %min3A_460 = arith.minsi %add3A_457, %min3A_459 : vector<16xi32>
      %gather3A_461 = tpu.vector_load_idx %arg6[%min3A_460] : memref<12000xf32, #tpu.memory_space<vmem>>[vector<16xi32>], vector<16xf32>,
      %jit3A_462 = arith.constant 0.000000e+00 : f32
      %broadcast_in_dim3A_463 = vector.broadcast %jit3A_462 : f32 to vector<16xf32>
      %select_n3A_464 = arith.select %lt3A_415, %gather3A_461, %broadcast_in_dim3A_463 : vector<16xi1>, vector<16xf32>
      %add3A_465 = arith.addf %add3A_452, %select_n3A_464 : vector<16xf32>
      %mul3A_466 = arith.mulf %select_n3A_464, %select_n3A_464 : vector<16xf32>
      %add3A_467 = arith.addf %add3A_454, %mul3A_466 : vector<16xf32>
      %add3A_468 = arith.constant 11908 : i32
      %add3A_469 = vector.broadcast %add3A_468 : i32 to vector<16xi32>
      %add3A_470 = arith.addi %add3A_469, %mul3A_6 : vector<16xi32>
      %min3A_471 = arith.constant 11999 : i32
      %min3A_472 = vector.broadcast %min3A_471 : i32 to vector<16xi32>
      %min3A_473 = arith.minsi %add3A_470, %min3A_472 : vector<16xi32>
      %gather3A_474 = tpu.vector_load_idx %arg6[%min3A_473] : memref<12000xf32, #tpu.memory_space<vmem>>[vector<16xi32>], vector<16xf32>,
      %jit3A_475 = arith.constant 0.000000e+00 : f32
      %broadcast_in_dim3A_476 = vector.broadcast %jit3A_475 : f32 to vector<16xf32>
      %select_n3A_477 = arith.select %lt3A_415, %gather3A_474, %broadcast_in_dim3A_476 : vector<16xi1>, vector<16xf32>
      %add3A_478 = arith.addf %add3A_465, %select_n3A_477 : vector<16xf32>
      %mul3A_479 = arith.mulf %select_n3A_477, %select_n3A_477 : vector<16xf32>
      %add3A_480 = arith.addf %add3A_467, %mul3A_479 : vector<16xf32>
      %add3A_481 = arith.constant 11909 : i32
      %add3A_482 = vector.broadcast %add3A_481 : i32 to vector<16xi32>
      %add3A_483 = arith.addi %add3A_482, %mul3A_6 : vector<16xi32>
      %min3A_484 = arith.constant 11999 : i32
      %min3A_485 = vector.broadcast %min3A_484 : i32 to vector<16xi32>
      %min3A_486 = arith.minsi %add3A_483, %min3A_485 : vector<16xi32>
      %gather3A_487 = tpu.vector_load_idx %arg6[%min3A_486] : memref<12000xf32, #tpu.memory_space<vmem>>[vector<16xi32>], vector<16xf32>,
      %jit3A_488 = arith.constant 0.000000e+00 : f32
      %broadcast_in_dim3A_489 = vector.broadcast %jit3A_488 : f32 to vector<16xf32>
      %select_n3A_490 = arith.select %lt3A_415, %gather3A_487, %broadcast_in_dim3A_489 : vector<16xi1>, vector<16xf32>
      %add3A_491 = arith.addf %add3A_478, %select_n3A_490 : vector<16xf32>
      %mul3A_492 = arith.mulf %select_n3A_490, %select_n3A_490 : vector<16xf32>
      %add3A_493 = arith.addf %add3A_480, %mul3A_492 : vector<16xf32>
      %add3A_494 = arith.constant 11910 : i32
      %add3A_495 = vector.broadcast %add3A_494 : i32 to vector<16xi32>
      %add3A_496 = arith.addi %add3A_495, %mul3A_6 : vector<16xi32>
      %min3A_497 = arith.constant 11999 : i32
      %min3A_498 = vector.broadcast %min3A_497 : i32 to vector<16xi32>
      %min3A_499 = arith.minsi %add3A_496, %min3A_498 : vector<16xi32>
      %gather3A_500 = tpu.vector_load_idx %arg6[%min3A_499] : memref<12000xf32, #tpu.memory_space<vmem>>[vector<16xi32>], vector<16xf32>,
      %jit3A_501 = arith.constant 0.000000e+00 : f32
      %broadcast_in_dim3A_502 = vector.broadcast %jit3A_501 : f32 to vector<16xf32>
      %select_n3A_503 = arith.select %lt3A_415, %gather3A_500, %broadcast_in_dim3A_502 : vector<16xi1>, vector<16xf32>
      %add3A_504 = arith.addf %add3A_491, %select_n3A_503 : vector<16xf32>
      %mul3A_505 = arith.mulf %select_n3A_503, %select_n3A_503 : vector<16xf32>
      %add3A_506 = arith.addf %add3A_493, %mul3A_505 : vector<16xf32>
      %add3A_507 = arith.constant 11911 : i32
      %add3A_508 = vector.broadcast %add3A_507 : i32 to vector<16xi32>
      %add3A_509 = arith.addi %add3A_508, %mul3A_6 : vector<16xi32>
      %min3A_510 = arith.constant 11999 : i32
      %min3A_511 = vector.broadcast %min3A_510 : i32 to vector<16xi32>
      %min3A_512 = arith.minsi %add3A_509, %min3A_511 : vector<16xi32>
      %gather3A_513 = tpu.vector_load_idx %arg6[%min3A_512] : memref<12000xf32, #tpu.memory_space<vmem>>[vector<16xi32>], vector<16xf32>,
      %jit3A_514 = arith.constant 0.000000e+00 : f32
      %broadcast_in_dim3A_515 = vector.broadcast %jit3A_514 : f32 to vector<16xf32>
      %select_n3A_516 = arith.select %lt3A_415, %gather3A_513, %broadcast_in_dim3A_515 : vector<16xi1>, vector<16xf32>
      %add3A_517 = arith.addf %add3A_504, %select_n3A_516 : vector<16xf32>
      %mul3A_518 = arith.mulf %select_n3A_516, %select_n3A_516 : vector<16xf32>
      %add3A_519 = arith.addf %add3A_506, %mul3A_518 : vector<16xf32>
      %add3A_520 = arith.constant 11912 : i32
      %add3A_521 = vector.broadcast %add3A_520 : i32 to vector<16xi32>
      %add3A_522 = arith.addi %add3A_521, %mul3A_6 : vector<16xi32>
      %min3A_523 = arith.constant 11999 : i32
      %min3A_524 = vector.broadcast %min3A_523 : i32 to vector<16xi32>
      %min3A_525 = arith.minsi %add3A_522, %min3A_524 : vector<16xi32>
      %gather3A_526 = tpu.vector_load_idx %arg6[%min3A_525] : memref<12000xf32, #tpu.memory_space<vmem>>[vector<16xi32>], vector<16xf32>,
      %jit3A_527 = arith.constant 0.000000e+00 : f32
      %broadcast_in_dim3A_528 = vector.broadcast %jit3A_527 : f32 to vector<16xf32>
      %select_n3A_529 = arith.select %lt3A_415, %gather3A_526, %broadcast_in_dim3A_528 : vector<16xi1>, vector<16xf32>
      %add3A_530 = arith.addf %add3A_517, %select_n3A_529 : vector<16xf32>
      %mul3A_531 = arith.mulf %select_n3A_529, %select_n3A_529 : vector<16xf32>
      %add3A_532 = arith.addf %add3A_519, %mul3A_531 : vector<16xf32>
      %add3A_533 = arith.constant 11913 : i32
      %add3A_534 = vector.broadcast %add3A_533 : i32 to vector<16xi32>
      %add3A_535 = arith.addi %add3A_534, %mul3A_6 : vector<16xi32>
      %min3A_536 = arith.constant 11999 : i32
      %min3A_537 = vector.broadcast %min3A_536 : i32 to vector<16xi32>
      %min3A_538 = arith.minsi %add3A_535, %min3A_537 : vector<16xi32>
      %gather3A_539 = tpu.vector_load_idx %arg6[%min3A_538] : memref<12000xf32, #tpu.memory_space<vmem>>[vector<16xi32>], vector<16xf32>,
      %jit3A_540 = arith.constant 0.000000e+00 : f32
      %broadcast_in_dim3A_541 = vector.broadcast %jit3A_540 : f32 to vector<16xf32>
      %select_n3A_542 = arith.select %lt3A_415, %gather3A_539, %broadcast_in_dim3A_541 : vector<16xi1>, vector<16xf32>
      %add3A_543 = arith.addf %add3A_530, %select_n3A_542 : vector<16xf32>
      %mul3A_544 = arith.mulf %select_n3A_542, %select_n3A_542 : vector<16xf32>
      %add3A_545 = arith.addf %add3A_532, %mul3A_544 : vector<16xf32>
      %add3A_546 = arith.constant 11914 : i32
      %add3A_547 = vector.broadcast %add3A_546 : i32 to vector<16xi32>
      %add3A_548 = arith.addi %add3A_547, %mul3A_6 : vector<16xi32>
      %min3A_549 = arith.constant 11999 : i32
      %min3A_550 = vector.broadcast %min3A_549 : i32 to vector<16xi32>
      %min3A_551 = arith.minsi %add3A_548, %min3A_550 : vector<16xi32>
      %gather3A_552 = tpu.vector_load_idx %arg6[%min3A_551] : memref<12000xf32, #tpu.memory_space<vmem>>[vector<16xi32>], vector<16xf32>,
      %jit3A_553 = arith.constant 0.000000e+00 : f32
      %broadcast_in_dim3A_554 = vector.broadcast %jit3A_553 : f32 to vector<16xf32>
      %select_n3A_555 = arith.select %lt3A_415, %gather3A_552, %broadcast_in_dim3A_554 : vector<16xi1>, vector<16xf32>
      %add3A_556 = arith.addf %add3A_543, %select_n3A_555 : vector<16xf32>
      %mul3A_557 = arith.mulf %select_n3A_555, %select_n3A_555 : vector<16xf32>
      %add3A_558 = arith.addf %add3A_545, %mul3A_557 : vector<16xf32>
      %add3A_559 = arith.constant 11915 : i32
      %add3A_560 = vector.broadcast %add3A_559 : i32 to vector<16xi32>
      %add3A_561 = arith.addi %add3A_560, %mul3A_6 : vector<16xi32>
      %min3A_562 = arith.constant 11999 : i32
      %min3A_563 = vector.broadcast %min3A_562 : i32 to vector<16xi32>
      %min3A_564 = arith.minsi %add3A_561, %min3A_563 : vector<16xi32>
      %gather3A_565 = tpu.vector_load_idx %arg6[%min3A_564] : memref<12000xf32, #tpu.memory_space<vmem>>[vector<16xi32>], vector<16xf32>,
      %jit3A_566 = arith.constant 0.000000e+00 : f32
      %broadcast_in_dim3A_567 = vector.broadcast %jit3A_566 : f32 to vector<16xf32>
      %select_n3A_568 = arith.select %lt3A_415, %gather3A_565, %broadcast_in_dim3A_567 : vector<16xi1>, vector<16xf32>
      %add3A_569 = arith.addf %add3A_556, %select_n3A_568 : vector<16xf32>
      %mul3A_570 = arith.mulf %select_n3A_568, %select_n3A_568 : vector<16xf32>
      %add3A_571 = arith.addf %add3A_558, %mul3A_570 : vector<16xf32>
      %swap3A_572 = arith.constant 992 : index
      %swap3A_573 = tpu.vector_load %arg7[%swap3A_572] {strides = array<i32>} : memref<1008xf32, #tpu.memory_space<vmem>>, vector<16xf32>,
      tpu.vector_store %arg7[%swap3A_572], %add3A_569 {strides = array<i32>} : memref<1008xf32, #tpu.memory_space<vmem>>, vector<16xf32>,
      %add3A_574 = arith.addf %parallel_loop3A_412#1, %add3A_569 : vector<16xf32>
      %reduce_sum3A_575 = arith.constant true
      %reduce_sum3A_576 = vector.broadcast %reduce_sum3A_575 : i1 to vector<16xi1>
      %reduce_sum3A_577 = tpu.scan <sum>, %add3A_574 masked %reduce_sum3A_576 : vector<16xf32>, vector<16xi1> -> vector<16xf32>
      %reduce_sum3A_578 = vector.extract %reduce_sum3A_577[15] : f32 from vector<16xf32>
      %reduce_sum3A_579 = arith.constant true
      %reduce_sum3A_580 = vector.broadcast %reduce_sum3A_579 : i1 to vector<16xi1>
      %reduce_sum3A_581 = tpu.scan <sum>, %add3A_571 masked %reduce_sum3A_580 : vector<16xf32>, vector<16xi1> -> vector<16xf32>
      %reduce_sum3A_582 = vector.extract %reduce_sum3A_581[15] : f32 from vector<16xf32>
      %mul3A_583 = arith.mulf %reduce_sum3A_578, %reduce_sum3A_578 : f32
      %mul3A_584 = arith.constant 8.33333324E-5 : f32
      %mul3A_585 = arith.mulf %mul3A_583, %mul3A_584 : f32
      %sub3A_586 = arith.subf %reduce_sum3A_582, %mul3A_585 : f32
      %mul3A_587 = arith.constant 8.33402809E-5 : f32
      %mul3A_588 = arith.mulf %sub3A_586, %mul3A_587 : f32
      %max3A_589 = arith.constant 1.000000e-30 : f32
      %max3A_590 = arith.maximumf %mul3A_588, %max3A_589 : f32
      %broadcast_in_dim3A_591 = vector.broadcast %max3A_590 : f32 to vector<16xf32>
      %bitcast3A_592 = vector.bitcast %broadcast_in_dim3A_591 : vector<16xf32> to vector<16xi32>
      %shift_right_arithmetic3A_593 = arith.constant 1 : i32
      %shift_right_arithmetic3A_594 = vector.broadcast %shift_right_arithmetic3A_593 : i32 to vector<16xi32>
      %shift_right_arithmetic3A_595 = arith.shrsi %bitcast3A_592, %shift_right_arithmetic3A_594 : vector<16xi32>
      %sub3A_596 = arith.constant 1597463007 : i32
      %sub3A_597 = vector.broadcast %sub3A_596 : i32 to vector<16xi32>
      %sub3A_598 = arith.subi %sub3A_597, %shift_right_arithmetic3A_595 : vector<16xi32>
      %bitcast3A_599 = vector.bitcast %sub3A_598 : vector<16xi32> to vector<16xf32>
      %mul3A_600 = arith.constant 5.000000e-01 : f32
      %mul3A_601 = vector.broadcast %mul3A_600 : f32 to vector<16xf32>
      %mul3A_602 = arith.mulf %mul3A_601, %broadcast_in_dim3A_591 : vector<16xf32>
      %mul3A_603 = arith.mulf %mul3A_602, %bitcast3A_599 : vector<16xf32>
      %mul3A_604 = arith.mulf %mul3A_603, %bitcast3A_599 : vector<16xf32>
      %sub3A_605 = arith.constant 1.500000e+00 : f32
      %sub3A_606 = vector.broadcast %sub3A_605 : f32 to vector<16xf32>
      %sub3A_607 = arith.subf %sub3A_606, %mul3A_604 : vector<16xf32>
      %mul3A_608 = arith.mulf %bitcast3A_599, %sub3A_607 : vector<16xf32>
      %mul3A_609 = arith.constant 5.000000e-01 : f32
      %mul3A_610 = vector.broadcast %mul3A_609 : f32 to vector<16xf32>
      %mul3A_611 = arith.mulf %mul3A_610, %broadcast_in_dim3A_591 : vector<16xf32>
      %mul3A_612 = arith.mulf %mul3A_611, %mul3A_608 : vector<16xf32>
      %mul3A_613 = arith.mulf %mul3A_612, %mul3A_608 : vector<16xf32>
      %sub3A_614 = arith.constant 1.500000e+00 : f32
      %sub3A_615 = vector.broadcast %sub3A_614 : f32 to vector<16xf32>
      %sub3A_616 = arith.subf %sub3A_615, %mul3A_613 : vector<16xf32>
      %mul3A_617 = arith.mulf %mul3A_608, %sub3A_616 : vector<16xf32>
      %mul3A_618 = arith.constant 5.000000e-01 : f32
      %mul3A_619 = vector.broadcast %mul3A_618 : f32 to vector<16xf32>
      %mul3A_620 = arith.mulf %mul3A_619, %broadcast_in_dim3A_591 : vector<16xf32>
      %mul3A_621 = arith.mulf %mul3A_620, %mul3A_617 : vector<16xf32>
      %mul3A_622 = arith.mulf %mul3A_621, %mul3A_617 : vector<16xf32>
      %sub3A_623 = arith.constant 1.500000e+00 : f32
      %sub3A_624 = vector.broadcast %sub3A_623 : f32 to vector<16xf32>
      %sub3A_625 = arith.subf %sub3A_624, %mul3A_622 : vector<16xf32>
      %mul3A_626 = arith.mulf %mul3A_617, %sub3A_625 : vector<16xf32>
      %mul3A_627 = arith.mulf %broadcast_in_dim3A_591, %mul3A_626 : vector<16xf32>
      %add3A_628 = arith.constant 9.99999993E-9 : f32
      %add3A_629 = vector.broadcast %add3A_628 : f32 to vector<16xf32>
      %add3A_630 = arith.addf %mul3A_627, %add3A_629 : vector<16xf32>
      %mul3A_631 = arith.constant 1.200000e+01 : f32
      %mul3A_632 = vector.broadcast %mul3A_631 : f32 to vector<16xf32>
      %mul3A_633 = arith.mulf %mul3A_632, %add3A_630 : vector<16xf32>
      %mul3A_634 = arith.constant 1.000000e-03 : f32
      %mul3A_635 = arith.mulf %reduce_sum3A_578, %mul3A_634 : f32
      %broadcast_in_dim3A_636 = vector.broadcast %mul3A_635 : f32 to vector<16xf32>
      %get3A_637 = arith.constant 0 : index
      %get3A_638 = tpu.vector_load %arg10[%get3A_637] {strides = array<i32>} : memref<32xf32, #tpu.memory_space<vmem>>, vector<16xf32>,
      %mul3A_639 = arith.mulf %get3A_638, %mul3A_633 : vector<16xf32>
      %add3A_640 = arith.addf %mul3A_639, %broadcast_in_dim3A_636 : vector<16xf32>
      %swap3A_641 = arith.constant 0 : index
      %swap3A_642 = tpu.vector_load %arg11[%swap3A_641] {strides = array<i32>} : memref<32xf32, #tpu.memory_space<vmem>>, vector<16xf32>,
      tpu.vector_store %arg11[%swap3A_641], %add3A_640 {strides = array<i32>} : memref<32xf32, #tpu.memory_space<vmem>>, vector<16xf32>,
      %get3A_643 = arith.constant 16 : index
      %get3A_644 = tpu.vector_load %arg10[%get3A_643] {strides = array<i32>} : memref<32xf32, #tpu.memory_space<vmem>>, vector<16xf32>,
      %mul3A_645 = arith.mulf %get3A_644, %mul3A_633 : vector<16xf32>
      %add3A_646 = arith.addf %mul3A_645, %broadcast_in_dim3A_636 : vector<16xf32>
      %swap3A_647 = arith.constant 16 : index
      %swap3A_648 = tpu.vector_load %arg11[%swap3A_647] {strides = array<i32>} : memref<32xf32, #tpu.memory_space<vmem>>, vector<16xf32>,
      tpu.vector_store %arg11[%swap3A_647], %add3A_646 {strides = array<i32>} : memref<32xf32, #tpu.memory_space<vmem>>, vector<16xf32>,
      %parallel_loop3A_649 = arith.constant 0 : i32
      %parallel_loop3A_650 = arith.constant 62 : i32
      %parallel_loop3A_651 = arith.constant 1 : i32
      scf.for %parallel_loop3A_714 = %parallel_loop3A_649 to %parallel_loop3A_650 step %parallel_loop3A_651  : i32 {
        %parallel_loop3A_715 = arith.constant 16 : i32
        %parallel_loop3A_716 = arith.muli %parallel_loop3A_714, %parallel_loop3A_715 : i32
        %parallel_loop3A_717 = arith.index_cast %parallel_loop3A_716 : i32 to index
        %parallel_loop3A_718 = tpu.vector_load %arg7[%parallel_loop3A_717] {strides = array<i32>} : memref<1008xf32, #tpu.memory_space<vmem>>, vector<16xf32>,
        %parallel_loop3A_719 = arith.constant 0 : i32
        %parallel_loop3A_720 = vector.broadcast %parallel_loop3A_719 : i32 to vector<16xi32>
        %parallel_loop3A_721 = arith.constant 15 : i32
        %parallel_loop3A_722 = vector.broadcast %parallel_loop3A_721 : i32 to vector<16xi32>
        %parallel_loop3A_723 = arith.addi %parallel_loop3A_720, %parallel_loop3A_722 : vector<16xi32>
        %parallel_loop3A_724 = tpu.vector_load_idx %arg11[%parallel_loop3A_723] : memref<32xf32, #tpu.memory_space<vmem>>[vector<16xi32>], vector<16xf32>,
        %parallel_loop3A_725 = arith.cmpf olt, %parallel_loop3A_724, %parallel_loop3A_718 : vector<16xf32>
        %parallel_loop3A_726 = arith.constant 16 : i32
        %parallel_loop3A_727 = vector.broadcast %parallel_loop3A_726 : i32 to vector<16xi32>
        %parallel_loop3A_728 = arith.addi %parallel_loop3A_720, %parallel_loop3A_727 : vector<16xi32>
        %parallel_loop3A_729 = arith.select %parallel_loop3A_725, %parallel_loop3A_728, %parallel_loop3A_720 : vector<16xi1>, vector<16xi32>
        %parallel_loop3A_730 = arith.constant 7 : i32
        %parallel_loop3A_731 = vector.broadcast %parallel_loop3A_730 : i32 to vector<16xi32>
        %parallel_loop3A_732 = arith.addi %parallel_loop3A_729, %parallel_loop3A_731 : vector<16xi32>
        %parallel_loop3A_733 = tpu.vector_load_idx %arg11[%parallel_loop3A_732] : memref<32xf32, #tpu.memory_space<vmem>>[vector<16xi32>], vector<16xf32>,
        %parallel_loop3A_734 = arith.cmpf olt, %parallel_loop3A_733, %parallel_loop3A_718 : vector<16xf32>
        %parallel_loop3A_735 = arith.constant 8 : i32
        %parallel_loop3A_736 = vector.broadcast %parallel_loop3A_735 : i32 to vector<16xi32>
        %parallel_loop3A_737 = arith.addi %parallel_loop3A_729, %parallel_loop3A_736 : vector<16xi32>
        %parallel_loop3A_738 = arith.select %parallel_loop3A_734, %parallel_loop3A_737, %parallel_loop3A_729 : vector<16xi1>, vector<16xi32>
        %parallel_loop3A_739 = arith.constant 3 : i32
        %parallel_loop3A_740 = vector.broadcast %parallel_loop3A_739 : i32 to vector<16xi32>
        %parallel_loop3A_741 = arith.addi %parallel_loop3A_738, %parallel_loop3A_740 : vector<16xi32>
        %parallel_loop3A_742 = tpu.vector_load_idx %arg11[%parallel_loop3A_741] : memref<32xf32, #tpu.memory_space<vmem>>[vector<16xi32>], vector<16xf32>,
        %parallel_loop3A_743 = arith.cmpf olt, %parallel_loop3A_742, %parallel_loop3A_718 : vector<16xf32>
        %parallel_loop3A_744 = arith.constant 4 : i32
        %parallel_loop3A_745 = vector.broadcast %parallel_loop3A_744 : i32 to vector<16xi32>
        %parallel_loop3A_746 = arith.addi %parallel_loop3A_738, %parallel_loop3A_745 : vector<16xi32>
        %parallel_loop3A_747 = arith.select %parallel_loop3A_743, %parallel_loop3A_746, %parallel_loop3A_738 : vector<16xi1>, vector<16xi32>
        %parallel_loop3A_748 = arith.constant 1 : i32
        %parallel_loop3A_749 = vector.broadcast %parallel_loop3A_748 : i32 to vector<16xi32>
        %parallel_loop3A_750 = arith.addi %parallel_loop3A_747, %parallel_loop3A_749 : vector<16xi32>
        %parallel_loop3A_751 = tpu.vector_load_idx %arg11[%parallel_loop3A_750] : memref<32xf32, #tpu.memory_space<vmem>>[vector<16xi32>], vector<16xf32>,
        %parallel_loop3A_752 = arith.cmpf olt, %parallel_loop3A_751, %parallel_loop3A_718 : vector<16xf32>
        %parallel_loop3A_753 = arith.constant 2 : i32
        %parallel_loop3A_754 = vector.broadcast %parallel_loop3A_753 : i32 to vector<16xi32>
        %parallel_loop3A_755 = arith.addi %parallel_loop3A_747, %parallel_loop3A_754 : vector<16xi32>
        %parallel_loop3A_756 = arith.select %parallel_loop3A_752, %parallel_loop3A_755, %parallel_loop3A_747 : vector<16xi1>, vector<16xi32>
        %parallel_loop3A_757 = arith.constant 0 : i32
        %parallel_loop3A_758 = vector.broadcast %parallel_loop3A_757 : i32 to vector<16xi32>
        %parallel_loop3A_759 = arith.addi %parallel_loop3A_756, %parallel_loop3A_758 : vector<16xi32>
        %parallel_loop3A_760 = tpu.vector_load_idx %arg11[%parallel_loop3A_759] : memref<32xf32, #tpu.memory_space<vmem>>[vector<16xi32>], vector<16xf32>,
        %parallel_loop3A_761 = arith.cmpf olt, %parallel_loop3A_760, %parallel_loop3A_718 : vector<16xf32>
        %parallel_loop3A_762 = arith.constant 1 : i32
        %parallel_loop3A_763 = vector.broadcast %parallel_loop3A_762 : i32 to vector<16xi32>
        %parallel_loop3A_764 = arith.addi %parallel_loop3A_756, %parallel_loop3A_763 : vector<16xi32>
        %parallel_loop3A_765 = arith.select %parallel_loop3A_761, %parallel_loop3A_764, %parallel_loop3A_756 : vector<16xi1>, vector<16xi32>
        %parallel_loop3A_766 = arith.index_cast %parallel_loop3A_716 : i32 to index
        %parallel_loop3A_767 = tpu.vector_load %arg9[%parallel_loop3A_766] {strides = array<i32>} : memref<1000xi32, #tpu.memory_space<vmem>>, vector<16xi32>,
        tpu.vector_store %arg9[%parallel_loop3A_766], %parallel_loop3A_765 {strides = array<i32>} : memref<1000xi32, #tpu.memory_space<vmem>>, vector<16xi32>,
      } {sc.loop_unroll_factor = 6 : i64, sc.parallel_access}
      %get3A_652 = arith.constant 992 : index
      %get3A_653 = tpu.vector_load %arg7[%get3A_652] {strides = array<i32>} : memref<1008xf32, #tpu.memory_space<vmem>>, vector<16xf32>,
      %broadcast_in_dim3A_654 = arith.constant 0 : i32
      %broadcast_in_dim3A_655 = vector.broadcast %broadcast_in_dim3A_654 : i32 to vector<16xi32>
      %add3A_656 = arith.constant 15 : i32
      %add3A_657 = vector.broadcast %add3A_656 : i32 to vector<16xi32>
      %add3A_658 = arith.addi %broadcast_in_dim3A_655, %add3A_657 : vector<16xi32>
      %gather3A_659 = tpu.vector_load_idx %arg11[%add3A_658] : memref<32xf32, #tpu.memory_space<vmem>>[vector<16xi32>], vector<16xf32>,
      %lt3A_660 = arith.cmpf olt, %gather3A_659, %get3A_653 : vector<16xf32>
      %add3A_661 = arith.constant 16 : i32
      %add3A_662 = vector.broadcast %add3A_661 : i32 to vector<16xi32>
      %add3A_663 = arith.addi %broadcast_in_dim3A_655, %add3A_662 : vector<16xi32>
      %select_n3A_664 = arith.select %lt3A_660, %add3A_663, %broadcast_in_dim3A_655 : vector<16xi1>, vector<16xi32>
      %add3A_665 = arith.constant 7 : i32
      %add3A_666 = vector.broadcast %add3A_665 : i32 to vector<16xi32>
      %add3A_667 = arith.addi %select_n3A_664, %add3A_666 : vector<16xi32>
      %gather3A_668 = tpu.vector_load_idx %arg11[%add3A_667] : memref<32xf32, #tpu.memory_space<vmem>>[vector<16xi32>], vector<16xf32>,
      %lt3A_669 = arith.cmpf olt, %gather3A_668, %get3A_653 : vector<16xf32>
      %add3A_670 = arith.constant 8 : i32
      %add3A_671 = vector.broadcast %add3A_670 : i32 to vector<16xi32>
      %add3A_672 = arith.addi %select_n3A_664, %add3A_671 : vector<16xi32>
      %select_n3A_673 = arith.select %lt3A_669, %add3A_672, %select_n3A_664 : vector<16xi1>, vector<16xi32>
      %add3A_674 = arith.constant 3 : i32
      %add3A_675 = vector.broadcast %add3A_674 : i32 to vector<16xi32>
      %add3A_676 = arith.addi %select_n3A_673, %add3A_675 : vector<16xi32>
      %gather3A_677 = tpu.vector_load_idx %arg11[%add3A_676] : memref<32xf32, #tpu.memory_space<vmem>>[vector<16xi32>], vector<16xf32>,
      %lt3A_678 = arith.cmpf olt, %gather3A_677, %get3A_653 : vector<16xf32>
      %add3A_679 = arith.constant 4 : i32
      %add3A_680 = vector.broadcast %add3A_679 : i32 to vector<16xi32>
      %add3A_681 = arith.addi %select_n3A_673, %add3A_680 : vector<16xi32>
      %select_n3A_682 = arith.select %lt3A_678, %add3A_681, %select_n3A_673 : vector<16xi1>, vector<16xi32>
      %add3A_683 = arith.constant 1 : i32
      %add3A_684 = vector.broadcast %add3A_683 : i32 to vector<16xi32>
      %add3A_685 = arith.addi %select_n3A_682, %add3A_684 : vector<16xi32>
      %gather3A_686 = tpu.vector_load_idx %arg11[%add3A_685] : memref<32xf32, #tpu.memory_space<vmem>>[vector<16xi32>], vector<16xf32>,
      %lt3A_687 = arith.cmpf olt, %gather3A_686, %get3A_653 : vector<16xf32>
      %add3A_688 = arith.constant 2 : i32
      %add3A_689 = vector.broadcast %add3A_688 : i32 to vector<16xi32>
      %add3A_690 = arith.addi %select_n3A_682, %add3A_689 : vector<16xi32>
      %select_n3A_691 = arith.select %lt3A_687, %add3A_690, %select_n3A_682 : vector<16xi1>, vector<16xi32>
      %add3A_692 = arith.constant 0 : i32
      %add3A_693 = vector.broadcast %add3A_692 : i32 to vector<16xi32>
      %add3A_694 = arith.addi %select_n3A_691, %add3A_693 : vector<16xi32>
      %gather3A_695 = tpu.vector_load_idx %arg11[%add3A_694] : memref<32xf32, #tpu.memory_space<vmem>>[vector<16xi32>], vector<16xf32>,
      %lt3A_696 = arith.cmpf olt, %gather3A_695, %get3A_653 : vector<16xf32>
      %add3A_697 = arith.constant 1 : i32
      %add3A_698 = vector.broadcast %add3A_697 : i32 to vector<16xi32>
      %add3A_699 = arith.addi %select_n3A_691, %add3A_698 : vector<16xi32>
      %select_n3A_700 = arith.select %lt3A_696, %add3A_699, %select_n3A_691 : vector<16xi1>, vector<16xi32>
      %add3A_701 = arith.constant 992 : i32
      %add3A_702 = vector.broadcast %add3A_701 : i32 to vector<16xi32>
      %add3A_703 = arith.addi %add3A_702, %iota3A : vector<16xi32>
      %lt3A_704 = arith.constant 8 : i32
      %lt3A_705 = vector.broadcast %lt3A_704 : i32 to vector<16xi32>
      %lt3A_706 = arith.cmpi slt, %iota3A, %lt3A_705 : vector<16xi32>
      tpu.vector_store_idx %arg9[%add3A_703], %select_n3A_700 masked %lt3A_706 : memref<1000xi32, #tpu.memory_space<vmem>>[vector<16xi32>], vector<16xi32>, vector<16xi1>
      %dma_start3A_707 = arith.constant 0 : i32
      %dma_start3A_708 = tpu.memref_slice %arg4[%add3A_390, %dma_start3A_707] : memref<4096x1000xi32, #tpu.memory_space<hbm>> -> memref<1x1000xi32, #tpu.memory_space<hbm>>
      %dma_start3A_709 = tpu.memref_squeeze %dma_start3A_708 : memref<1x1000xi32, #tpu.memory_space<hbm>> -> memref<1000xi32, #tpu.memory_space<hbm>>
      %dma_start3A_710 = arith.constant 0 : i32
      %dma_start3A_711 = tpu.memref_slice %arg4[%add3A_390, %dma_start3A_710] : memref<4096x1000xi32, #tpu.memory_space<hbm>> -> memref<1x1000xi32, #tpu.memory_space<hbm>>
      %dma_start3A_712 = tpu.memref_squeeze %dma_start3A_711 : memref<1x1000xi32, #tpu.memory_space<hbm>> -> memref<1000xi32, #tpu.memory_space<hbm>>
      tpu.enqueue_dma source(%arg9 : memref<1000xi32, #tpu.memory_space<vmem>>) target(%dma_start3A_712 : memref<1000xi32, #tpu.memory_space<hbm>>) target_semaphore(%arg15 : memref<!tpu.dma_semaphore, #tpu.memory_space<semaphore_mem>>)
      %scan3A_713 = arith.constant 0 : i32
      scf.yield %scan3A_713 : i32
    }
    %scan3A_53 = arith.constant 64 : i32
    %add3A_54 = arith.constant 128 : i32
    %add3A_55 = arith.addi %mul3A_2, %add3A_54 : i32
    %sub3A = arith.constant 2 : i32
    %sub3A_56 = arith.subi %add3A_55, %sub3A : i32
    %dma_wait3A = arith.constant 0 : i32
    %dma_wait3A_57 = tpu.memref_slice %arg4[%sub3A_56, %dma_wait3A] : memref<4096x1000xi32, #tpu.memory_space<hbm>> -> memref<1x1000xi32, #tpu.memory_space<hbm>>
    %dma_wait3A_58 = tpu.memref_squeeze %dma_wait3A_57 : memref<1x1000xi32, #tpu.memory_space<hbm>> -> memref<1000xi32, #tpu.memory_space<hbm>>
    %dma_wait3A_59 = arith.constant 0 : i32
    %dma_wait3A_60 = tpu.memref_slice %arg4[%sub3A_56, %dma_wait3A_59] : memref<4096x1000xi32, #tpu.memory_space<hbm>> -> memref<1x1000xi32, #tpu.memory_space<hbm>>
    %dma_wait3A_61 = tpu.memref_squeeze %dma_wait3A_60 : memref<1x1000xi32, #tpu.memory_space<hbm>> -> memref<1000xi32, #tpu.memory_space<hbm>>
    tpu.wait_dma2 semaphore(%arg14 : memref<!tpu.dma_semaphore, #tpu.memory_space<semaphore_mem>>) src(%arg8 : memref<1000xi32, #tpu.memory_space<vmem>>) dst(%dma_wait3A_61 : memref<1000xi32, #tpu.memory_space<hbm>>)
    %add3A_62 = arith.constant 128 : i32
    %add3A_63 = arith.addi %mul3A_2, %add3A_62 : i32
    %sub3A_64 = arith.constant 1 : i32
    %sub3A_65 = arith.subi %add3A_63, %sub3A_64 : i32
    %dma_wait3A_66 = arith.constant 0 : i32
    %dma_wait3A_67 = tpu.memref_slice %arg4[%sub3A_65, %dma_wait3A_66] : memref<4096x1000xi32, #tpu.memory_space<hbm>> -> memref<1x1000xi32, #tpu.memory_space<hbm>>
    %dma_wait3A_68 = tpu.memref_squeeze %dma_wait3A_67 : memref<1x1000xi32, #tpu.memory_space<hbm>> -> memref<1000xi32, #tpu.memory_space<hbm>>
    %dma_wait3A_69 = arith.constant 0 : i32
    %dma_wait3A_70 = tpu.memref_slice %arg4[%sub3A_65, %dma_wait3A_69] : memref<4096x1000xi32, #tpu.memory_space<hbm>> -> memref<1x1000xi32, #tpu.memory_space<hbm>>
    %dma_wait3A_71 = tpu.memref_squeeze %dma_wait3A_70 : memref<1x1000xi32, #tpu.memory_space<hbm>> -> memref<1000xi32, #tpu.memory_space<hbm>>
    tpu.wait_dma2 semaphore(%arg15 : memref<!tpu.dma_semaphore, #tpu.memory_space<semaphore_mem>>) src(%arg9 : memref<1000xi32, #tpu.memory_space<vmem>>) dst(%dma_wait3A_71 : memref<1000xi32, #tpu.memory_space<hbm>>)
    return
  }
}

</mosaic_0001>

<sc_bundles>
// kernel: kernel.3.cloned.1.call-start
scs
__scs_entry_jumppad:
0x0: {  	(pc) =	sbr.rel $0x88, $3  }
0x1: {  	(tag) =	ssettag $0x0;
	lr =	simm.s32 $0x1  }
0x2: {  	[smem:$0x3FA0] =	sst lr;
	_ =	strace $0xD0000000  }
0x3: {  	_ = 	snop  }
0x4: {  	_ = 	snop  }
0x5: {  	_ = 	snop  }
0x6: {  	_ = 	snop  }
0x7: {  	_ = 	snop  }
__scs_overlays_trampoline_lowered:
0x8: {  	[smem:$0x3FAF] =	sst s0  }
0x9: {  	[smem:$0x3FB0] =	sst s1  }
0xa: {  	[smem:$0x3FB1] =	sst s2  }
0xb: {  	[smem:$0x3FB2] =	sst s3  }
0xc: {  	[smem:$0x3FB3] =	sst s4  }
0xd: {  	[smem:$0x3FB4] =	sst s5  }
0xe: {  	[smem:$0x3FB5] =	sst s6  }
0xf: {  	[smem:$0x3FB6] =	sst s7  }
0x10: {  	[smem:$0x3FB7] =	sst s8  }
0x11: {  	[smem:$0x3FB8] =	sst s9;
	s0 =	simm.s32 @!p0 $0x0  }
0x12: {  	s1 =	sld [smem:$0x3F9E];
	s0 =	simm.s32 @p0 $0x1  }
0x13: {  	[smem:$0x3FB9] =	sst s0;
	s0 =	simm.s32 @!p1 $0x0  }
0x14: {  	s2 =	sld [smem:$0x3F9D];
	s0 =	simm.s32 @p1 $0x1  }
0x15: {  	[smem:$0x3FBA] =	sst s0;
	s0 =	simm.s32 @!p2 $0x0  }
0x16: {  	s3 =	sld [smem:$0x3FDB];
	s0 =	simm.s32 @p2 $0x1  }
0x17: {  	s4 =	simm.s32 $0x1BF5;
	[smem:$0x3FBC] =	sst s0  }
0x18: {  	s0 =	sld [smem:$0x3F9F];
	_ =	swait.ge [sflag:s4], $0x0  }
0x19: {  	s7 =	sld [smem:$0x3FA0]  }
0x1a: {  	s8 =	sadd.s32 $0xFFFFE003, lr  }
0x1b: {  	s9 =	sadd.s32 $0xFFFFFEF7, lr;
	s5 =	simm.s32 $0xFFFFFFFF;
	p2 =	slt.u32 s8, $0xFFFFF086  }
0x1c: {  	p1 =	slt.u32 s9, $0xF7A;
	s5 =	simm.s32 @!p2 $0x0  }
0x1d: {  	s5 =	simm.s32 @p1 $0x1;
	p0 =	seq.s32 s7, s2  }
0x1e: {  	s7 =	smul.u32 @!p0 $0xF7A, s2;
	p2 =	seq.s32 @!p0 s5, $0x0  }
0x1f: {  	s9 =	smul.u32 $0xF7A, s1;
	s8 =	simm.s32 @!p0 $0x1BF5;
	p2 =	por !p2, p0  }
0x20: {  	[sflag:s8] =	ssyncset.s32 @!p0 $0xFFFFF086;
	s6 =	sadd.s32 @!p0 s3, s7;
	s7 =	simm.s32 @!p0 $0x108  }
0x21: {  	s3 =	sadd.s32 s3, s9;
	s6 =	sadd.s32 @!p0 $0x88, s6;
	s7 =	simm.s32 @p2 $0x1082  }
0x22: {  	[simem:s7], [sflag:s8] =	dma.local @!p0 [hbm:s6], $0xF7A  }
0x23: {  	s9 =	sor.u32 $0xD0000000, s2;
	s6 =	simm.s32 $0x108;
	_ =	swait.ge @!p0 [sflag:s8], $0x0  }
0x24: {  	s3 =	sadd.s32 $0x88, s3;
	s6 =	simm.s32 @!p1 $0x1082;
	[sflag:s4] =	ssyncset.s32 $0xFFFFF086  }
0x25: {  	[simem:s6], [sflag:s4] =	dma.local [hbm:s3], $0xF7A  }
0x26: {  	[smem:$0x3FA0] =	sst s1;
	(tag) =	ssettag s2;
	_ =	strace s9  }
0x27: {  	s1 =	sld [smem:$0x3FB0]  }
0x28: {  	s2 =	sld [smem:$0x3FB1]  }
0x29: {  	s4 =	sld [smem:$0x3FB3]  }
0x2a: {  	p0 =	seq.s32 s5, $0x0;
	s5 =	sld [smem:$0x3FB4]  }
0x2b: {  	s6 =	sld [smem:$0x3FB5]  }
0x2c: {  	s7 =	sld [smem:$0x3FB6]  }
0x2d: {  	s3 =	simm.s32 $0x108;
	s8 =	sld [smem:$0x3FB7]  }
0x2e: {  	s3 =	simm.s32 @!p0 $0x1082;
	s9 =	sld [smem:$0x3FB8]  }
0x2f: {  	lr =	sadd.s32 s0, s3;
	s0 =	sld [smem:$0x3FAF]  }
0x30: {  	s3 =	sld [smem:$0x3FB2]  }
0x31: {  	[smem:$0x3FBB] =	sst s10  }
0x32: {  	s10 =	sld [smem:$0x3FB9];
	_ =	sdelay $0x3  }
0x33: {  	p0 =	seq.s32 s10, $0x1;
	s10 =	sld [smem:$0x3FBB];
	_ =	sdelay $0x3  }
0x34: {  	[smem:$0x3FBB] =	sst s10  }
0x35: {  	s10 =	sld [smem:$0x3FBA];
	_ =	sdelay $0x3  }
0x36: {  	p1 =	seq.s32 s10, $0x1;
	s10 =	sld [smem:$0x3FBB];
	_ =	sdelay $0x3  }
0x37: {  	[smem:$0x3FBB] =	sst s10  }
0x38: {  	s10 =	sld [smem:$0x3FBC]  }
0x39: {  	_ = 	snop;
	(pc) =	sbr.ind lr, $3  }
0x3a: {  	_ = 	snop  }
0x3b: {  	_ = 	snop  }
0x3c: {  	p2 =	seq.s32 s10, $0x1;
	s10 =	sld [smem:$0x3FBB]  }
0x3d: {  	_ =	shalt  }
0x3e: {  	_ =	shalt  }
0x3f: {  	_ =	shalt  }
0x40: {  	_ =	shalt  }
0x41: {  	_ =	shalt  }
0x42: {  	_ =	shalt  }
0x43: {  	_ =	shalt  }
0x44: {  	_ =	shalt  }
0x45: {  	_ =	shalt  }
0x46: {  	_ =	shalt  }
0x47: {  	_ =	shalt  }
0x48: {  	_ =	shalt  }
0x49: {  	_ =	shalt  }
0x4a: {  	_ =	shalt  }
0x4b: {  	_ =	shalt  }
0x4c: {  	_ =	shalt  }
0x4d: {  	_ =	shalt  }
0x4e: {  	_ =	shalt  }
0x4f: {  	_ =	shalt  }
0x50: {  	_ =	shalt  }
0x51: {  	_ =	shalt  }
0x52: {  	_ =	shalt  }
0x53: {  	_ =	shalt  }
0x54: {  	_ =	shalt  }
0x55: {  	_ =	shalt  }
0x56: {  	_ =	shalt  }
0x57: {  	_ =	shalt  }
0x58: {  	_ =	shalt  }
0x59: {  	_ =	shalt  }
0x5a: {  	_ =	shalt  }
0x5b: {  	_ =	shalt  }
0x5c: {  	_ =	shalt  }
0x5d: {  	_ =	shalt  }
0x5e: {  	_ =	shalt  }
0x5f: {  	_ =	shalt  }
0x60: {  	_ =	shalt  }
0x61: {  	_ =	shalt  }
0x62: {  	_ =	shalt  }
0x63: {  	_ =	shalt  }
0x64: {  	_ =	shalt  }
0x65: {  	_ =	shalt  }
0x66: {  	_ =	shalt  }
0x67: {  	_ =	shalt  }
0x68: {  	_ =	shalt  }
0x69: {  	_ =	shalt  }
0x6a: {  	_ =	shalt  }
0x6b: {  	_ =	shalt  }
0x6c: {  	_ =	shalt  }
0x6d: {  	_ =	shalt  }
0x6e: {  	_ =	shalt  }
0x6f: {  	_ =	shalt  }
0x70: {  	_ =	shalt  }
0x71: {  	_ =	shalt  }
0x72: {  	_ =	shalt  }
0x73: {  	_ =	shalt  }
0x74: {  	_ =	shalt  }
0x75: {  	_ =	shalt  }
0x76: {  	_ =	shalt  }
0x77: {  	_ =	shalt  }
0x78: {  	_ =	shalt  }
0x79: {  	_ =	shalt  }
0x7a: {  	_ =	shalt  }
0x7b: {  	_ =	shalt  }
0x7c: {  	_ =	shalt  }
0x7d: {  	_ =	shalt  }
0x7e: {  	_ =	shalt  }
0x7f: {  	_ =	shalt  }
0x80: {  	_ =	shalt  }
0x81: {  	_ =	shalt  }
0x82: {  	_ =	shalt  }
0x83: {  	_ =	shalt  }
0x84: {  	_ =	shalt  }
0x85: {  	_ =	shalt  }
0x86: {  	_ =	shalt  }
0x87: {  	_ =	shalt  }
.Lfunc_end0:
.L_simem_size_0:
called_computation_lowered:
.L_overlay_start_0:
0x88: {  	s2 =	sld [smem:$0x3FD9]  }
0x89: {  	s3 =	sld [smem:$0x3FFE];
	_ =	sdelay $0x1  }
0x8a: {  	s1 =	srdreg.scid  }
0x8b: {  	s0 =	sand.u32 $0x1, s1  }
0x8c: {  	s17 =	sshll.u32 s0, $0xA;
	s2 =	sadd.s32 s3, s2  }
0x8d: {  	s2 =	sadd.s32 s2, s17  }
0x8e: {  	[smem:$0x3FC7] =	sst s2  }
0x8f: {  	_ = 	snop  }
0x90: {  	s2 =	sld [smem:$0x3FD0];
	(tm) =	ssettm $0x1  }
0x91: {  	s18 =	sld [smem:$0x3FFB];
	_ =	sdelay $0x3  }
0x92: {  	_ =	strace s18  }
0x93: {  	s3 =	sld [smem:$0x3FFC];
	_ =	sdelay $0x3  }
0x94: {  	_ =	strace s3  }
0x95: {  	s3 =	sld [smem:$0x3FFD];
	_ =	sdelay $0x3  }
0x96: {  	_ =	strace s3  }
0x97: {  	_ =	strace $0x8FFFFFFF  }
0x98: {  	s19 =	sld [smem:$0x3FDB];
	_ =	sdelay $0x1  }
0x99: {  	s4 =	simm.s32 $_scs_section_size  }
0x9a: {  	s5 =	simm.s32 $_size__tile_overlayer_lowered;
	s6 =	simm.s32 $_tile_overlayer_lowered  }
0x9b: {  	s22 =	simm.s32 $0x1BFF;
	s21 =	sshll.u32 s6, $0x1;
	s3 =	sadd.s32 s4, s19  }
0x9c: {  	s7 =	simm.s32 $0x0;
	s20 =	sshll.u32 s5, $0x1;
	s5 =	sadd.s32 s21, s3  }
0x9d: {  	[timem:s7], [sflag:s22] =	dma.local [hbm:s5], s20  }
0x9e: {  	_ =	swait.ge [sflag:s22], s20  }
0x9f: {  	s4 =	ssub.s32 $0x0, s20;
	[sflag:s22] =	ssyncset.done $0x0  }
0xa0: {  	[sflag:s22] =	ssyncadd.s32 s4;
	_ =	sdelay $0x1  }
0xa1: {  	s23 =	simm.s32 $0x1B8B  }
0xa2: {  	_ =	swait.ge [sflag:s23], $0x1  }
0xa3: {  	[sflag:s23] =	ssyncset.done $0x0  }
0xa4: {  	s25 =	simm.s32 $0x1B8E;
	s24 =	sld [smem:$0x3FFE];
	[sflag:s23] =	ssyncadd.s32 $0xFFFFFFFF  }
0xa5: {  	s26 =	simm.s32 $execute0_lowered;
	[smem:$0x3FD2] =	sst s25  }
0xa6: {  	s5 =	sshll.u32 s26, $0x1;
	_ =	strace $0x80000046;
	[dreg:$0x1] =	wrdreg $0xFFFFFFFF  }
0xa7: {  	s28 =	simm.s32 $_size_execute0_lowered;
	s3 =	sadd.s32 s3, s5;
	[dreg:$0x0] =	wrdreg $0x0  }
0xa8: {  	s5 =	sshll.u32 s28, $0x1;
	[dreg:$0x2] =	wrdreg s3  }
0xa9: {  	[dreg:$0x3] =	wrdreg s5  }
0xaa: {  	[dreg:$0x4] =	wrdreg $0xC0  }
0xab: {  	_ =	task [dreg:s7], $0x5FFFF  }
0xac: {  	[dreg:$0x1] =	wrdreg $0xFFFFFFFF  }
0xad: {  	[dreg:$0x0] =	wrdreg $0x60  }
0xae: {  	[dreg:$0x2] =	wrdreg s24  }
0xaf: {  	[dreg:$0x3] =	wrdreg s2  }
0xb0: {  	[dreg:$0x4] =	wrdreg $0x9  }
0xb1: {  	_ =	task.clear_ibuf [dreg:s7], $0x5FFFF;
	_ =	strace $0x90000046  }
0xb2: {  	s29 =	simm.s32 $0x9;
	_ =	strace $0x80000048  }
0xb3: {  	_ =	swait.ge [sflag:s29], $0x1  }
0xb4: {  	[sflag:s29] =	ssyncadd.s32 $0xFFFFFFFF  }
0xb5: {  	_ =	strace $0x90000048  }
0xb6: {  	_ =	sfence  }
0xb7: {  	s30 =	sld [smem:$0x0];
	_ =	sdelay $0x2  }
0xb8: {  	s31 =	sshll.u32 s1, $0xD;
	s1 =	sshrl.u32 s1, $0x2  }
0xb9: {  	s3 =	sand.u32 $0x4000, s31;
	s1 =	sadd.s32 s1, s30  }
0xba: {  	s0 =	sor.u32 s3, s0;
	s1 =	sshll.u32 s1, $0x11  }
0xbb: {  	s0 =	sor.u32 s1, s0  }
0xbc: {  	s0 =	sadd.s32 $0x8F2B, s0  }
0xbd: {  	[sflag:s0] =	ssyncadd.remote.s32 $0x1  }
0xbe: {  	_ =	sfence.sel $0xFFFF  }
0xbf: {  	[dreg:$0x0] =	wrdreg $0xFFFFFFFF;
	(pc) =	sbr.abs _section_cstart, $3  }
0xc0: {  	[dreg:$0x1] =	wrdreg $0xFFFFFFFF  }
0xc1: {  	_ =	task.clear_ibuf [dreg:s7], $0x2FFFF;
	_ =	strace $0x9FFFFFFF  }
0xc2: {  	(tm) =	ssettm $0x7FFFFFFF  }
0xc3: {  	_ =	shalt  }
tec
execute0_lowered:
.L_overlay_start_1:
0x0: {  	(tag) =	ssettag $0x1  }
0x1: {  	s0 =	srdreg.scid  }
0x2: {  	s1 =	rddreg [dreg:$0x0];
	s3 =	stileid.u32  }
0x3: {  	s2 =	rddreg [dreg:$0x1];
	s9 =	simm.s32 $0x80;
	s10 =	simm.s32 $0x400  }
0x4: {  	s11 =	simm.s32 $0x6A00;
	s12 =	simm.s32 $0x5;
	s13 =	simm.s32 $0x1  }
0x5: {  	v0 =	vlaneseq.u32;
	vm0 =	vcmask $0x300;
	vm1 =	vcmask $0x704;
	s14 =	simm.s32 $0x2F00;
	s15 =	simm.s32 $0x6A80;
	s16 =	simm.s32 $0x6200  }
0x6: {  	vm2 =	vcmask $0xB08;
	vm3 =	vcmask $0xF0C;
	s17 =	simm.s32 $0x2;
	s18 =	simm.s32 $0x6600;
	s0 =	sand.u32 $0x1, s0;
	v1 =	vmul.u32 $0xC, v0  }
0x7: {  	vm4 =	vcmask $0x1310;
	vm5 =	vcmask $0x1714;
	vm6 =	vcmask $0x1B18;
	s19 =	simm.s32 $0x3;
	s4 =	sshll.u32 s3, $0x8;
	s5 =	sshll.u32 s0, $0x7  }
0x8: {  	vm7 =	vcmask $0x1F1C;
	v14 =	vimm.s32 $0xF;
	s20 =	simm.s32 $0x4;
	s21 =	simm.s32 $0x0;
	s4 =	sor.u32 s5, s4;
	v10 =	vadd.s32 $0x9, v1  }
0x9: {  	vm8 =	vmmov $0xff;
	s3 =	simm.s32 $0x0;
	s0 =	ssub.s32 $0x2, s0;
	v2 =	vor.u32 $0x1, v1;
	v9 =	vadd.s32 $0x8, v1;
	s5 =	sshrl.u32 s4, $0x3  }
0xa: {  	v15 =	vimm.s32 $0x0;
	s6 =	sadd.s32 $0x5E0400, s1;
	v3 =	vor.u32 $0x2, v1;
	s7 =	sshrl.u32 s0, $0x1;
	v12 =	vadd.s32 $0xB, v1;
	s8 =	smul.u32 $0x2F00, s5  }
0xb: {  	[smem:$0x7FF] =	sst s3;
	v4 =	vor.u32 $0x3, v1;
	v5 =	vadd.s32 $0x4, v1;
	v8 =	vadd.s32 $0x7, v1;
	s0 =	ssub.s32 s0, s7;
	s5 =	sadd.s32 $0x400, s1  }
0xc: {  	_ =	strace $0x80000047;
	v6 =	vadd.s32 $0x5, v1;
	v7 =	vadd.s32 $0x6, v1;
	v11 =	vadd.s32 $0xA, v1;
	s7 =	sadd.s32 s5, s8;
	s8 =	smax.u32 s0, $0x1  }
.LBB2_1:
0xd: {  	[tilespmem:s3], [sflag:$0x1] =	stream.strided.gather [hbm4b:s7+s9], $0x2F00, s10, s9, $0x38;
	[tilespmem:$0x6B00] =	vst v63  }
0xe: {  	_ = 	snop  }
0xf: {  	[tilespmem:s11], [sflag:$0x5] =	stream.linear.gather [hbm4b:s2+s3], $0x80, $0x38;
	[tilespmem:$0x6B00] =	vst v63  }
0x10: {  	_ =	swait.ge [sflag:s12], $0x80  }
0x11: {  	[sflag:s12] =	ssyncset.done $0x0  }
0x12: {  	s22 =	simm.s32 $0x0;
	[sflag:s12] =	ssyncadd.s32 $0xFFFFFF80  }
.LBB2_2:
0x13: {  	s0 =	sshll.u32 s22, $0x1  }
0x14: {  	s24 =	sor.u32 s4, s0  }
0x15: {  	s0 =	sshrl.u32 s24, $0x3  }
0x16: {  	s1 =	sshll.u32 s22, $0x8;
	s0 =	smul.u32 $0x17800, s0  }
0x17: {  	s1 =	sand.u32 $0x300, s1  }
0x18: {  	s0 =	sor.u32 s0, s1  }
0x19: {  	_ =	swait.ge [sflag:s13], $0x2F00;
	s0 =	sor.u32 $0x80, s0  }
0x1a: {  	[sflag:s13] =	ssyncset.done $0x0;
	s0 =	sshrl.u32 s0, $0x3  }
0x1b: {  	p0 =	seq.s32 s22, $0x0;
	[sflag:s13] =	ssyncadd.s32 $0xFFFFD100;
	s0 =	sadd.s32 s5, s0  }
0x1c: {  	[tilespmem:s14], [sflag:$0x2] =	stream.strided.gather [hbm4b:s0+s9], $0x2F00, s10, s9, $0x38;
	[tilespmem:$0x6B00] =	vst v63  }
0x1d: {  	s0 =	simm.s32 @!p0 $0x3  }
0x1e: {  	_ =	swait.ge @!p0 [sflag:s0], $0x400  }
0x1f: {  	[sflag:s0] =	ssyncset.done @!p0 $0x0  }
0x20: {  	s26 =	simm.s32 $0x0;
	[sflag:s0] =	ssyncadd.s32 @!p0 $0xFFFFFC00  }
0x21: {  	v16 =	vld.idx.msk [tilespmem:v8+s26+$0x180], $0xffff  }
0x22: {  	v17 =	vld.idx.msk [tilespmem:v7+s26+$0x180], $0xffff  }
0x23: {  	v18 =	vld.idx.msk [tilespmem:v6+s26+$0x180], $0xffff  }
0x24: {  	v19 =	vld.idx.msk [tilespmem:v5+s26+$0x180], $0xffff  }
0x25: {  	v20 =	vld.idx.msk [tilespmem:v4+s26+$0x180], $0xffff  }
0x26: {  	v21 =	vld.idx.msk [tilespmem:v3+s26+$0x180], $0xffff  }
0x27: {  	v22 =	vld.idx.msk [tilespmem:v12+s26+$0xC0], $0xffff  }
0x28: {  	v23 =	vld.idx.msk [tilespmem:v11+s26+$0xC0], $0xffff  }
0x29: {  	v25 =	vld.idx.msk [tilespmem:v8+s26+$0xC0], $0xffff  }
0x2a: {  	v26 =	vld.idx.msk [tilespmem:v7+s26+$0xC0], $0xffff  }
0x2b: {  	v27 =	vld.idx.msk [tilespmem:v6+s26+$0xC0], $0xffff  }
0x2c: {  	v28 =	vld.idx.msk [tilespmem:v5+s26+$0xC0], $0xffff  }
0x2d: {  	v29 =	vld.idx.msk [tilespmem:v4+s26+$0xC0], $0xffff  }
0x2e: {  	v33 =	vld.idx.msk [tilespmem:v2+s26+$0xC0], $0xffff  }
0x2f: {  	v35 =	vld.idx.msk [tilespmem:v1+s26+$0xC0], $0xffff  }
0x30: {  	v44 =	vld.idx.msk [tilespmem:v10+s26+$0x0], $0xffff  }
0x31: {  	v45 =	vld.idx.msk [tilespmem:v9+s26+$0x0], $0xffff  }
0x32: {  	v31 =	vld.idx.msk [tilespmem:v3+s26+$0xC0], $0xffff;
	v30 =	vmul.f32 v16, v16;
	v16 =	vadd.f32 v16, v17;
	v17 =	vmul.f32 v17, v17  }
0x33: {  	v57 =	vld.idx.msk [tilespmem:v1+s26+$0x0], $0xffff;
	v32 =	vmul.f32 v18, v18;
	v18 =	vadd.f32 v18, v19;
	v19 =	vmul.f32 v19, v19  }
0x34: {  	v58 =	vld.idx.msk [tilespmem:v6+s26+$0x0], $0xffff;
	v34 =	vmul.f32 v20, v20;
	v37 =	vadd.f32 v22, v23;
	v23 =	vmul.f32 v23, v23  }
0x35: {  	v59 =	vld.idx.msk [tilespmem:v3+s26+$0x0], $0xffff;
	v56 =	vmul.f32 v28, v28;
	v22 =	vmul.f32 v22, v22  }
0x36: {  	v60 =	vld.idx.msk [tilespmem:v2+s26+$0x0], $0xffff;
	v39 =	vmul.f32 v35, v35;
	v40 =	vmul.f32 v33, v33;
	v53 =	vadd.f32 v44, v45  }
0x37: {  	v47 =	vld.idx.msk [tilespmem:v12+s26+$0x180], $0xffff;
	v17 =	vadd.f32 v30, v17;
	v30 =	vmul.f32 v21, v21;
	v21 =	vadd.f32 v20, v21  }
0x38: {  	v54 =	vld.idx.msk [tilespmem:v11+s26+$0x180], $0xffff;
	v41 =	vmul.f32 v31, v31;
	v19 =	vadd.f32 v32, v19;
	v38 =	vadd.f32 v16, v18  }
0x39: {  	v20 =	vld.idx.msk [tilespmem:v12+s26+$0x0], $0xffff;
	v16 =	vmul.f32 v27, v27;
	v27 =	vadd.f32 v27, v28;
	v43 =	vadd.f32 v22, v23  }
0x3a: {  	v28 =	vld.idx.msk [tilespmem:v7+s26+$0x0], $0xffff;
	v23 =	vmul.f32 v29, v29;
	v39 =	vadd.f32 v40, v39;
	v29 =	vadd.f32 v29, v31  }
0x3b: {  	v18 =	vmul.f32 v25, v25;
	v22 =	vld.idx.msk [tilespmem:v5+s26+$0x0], $0xffff;
	v36 =	vadd.f32 v34, v30;
	v17 =	vadd.f32 v17, v19  }
0x3c: {  	v30 =	vld.idx.msk [tilespmem:v11+s26+$0x0], $0xffff;
	v19 =	vadd.f32 v25, v26;
	v26 =	vmul.f32 v26, v26;
	v16 =	vadd.f32 v16, v56  }
0x3d: {  	v48 =	vmul.f32 v57, v57;
	v25 =	vld.idx.msk [tilespmem:v8+s26+$0x0], $0xffff;
	v23 =	vadd.f32 v23, v41;
	v34 =	vadd.f32 v60, v57  }
0x3e: {  	v49 =	vmul.f32 v60, v60;
	v60 =	vadd.f32 v47, v54;
	v18 =	vadd.f32 v18, v26  }
0x3f: {  	v46 =	vmul.f32 v59, v59;
	v19 =	vadd.f32 v19, v27;
	v27 =	vadd.f32 v33, v35  }
0x40: {  	v26 =	vld.idx.msk [tilespmem:v4+s26+$0x0], $0xffff;
	v23 =	vadd.f32 v23, v39;
	v61 =	vmul.f32 v20, v20;
	v16 =	vadd.f32 v18, v16  }
0x41: {  	v27 =	vadd.f32 v29, v27;
	v29 =	vmul.f32 v22, v22;
	v22 =	vadd.f32 v58, v22  }
0x42: {  	v24 =	vld.idx.msk [tilespmem:v2+s26+$0x180], $0xffff;
	v31 =	vmul.f32 v30, v30;
	v42 =	vadd.f32 v25, v28;
	v28 =	vmul.f32 v28, v28  }
0x43: {  	v52 =	vld.idx.msk [tilespmem:v9+s26+$0x180], $0xffff;
	v62 =	vadd.f32 v20, v30;
	v20 =	vmul.f32 v58, v58;
	v19 =	vadd.f32 v19, v27  }
0x44: {  	v63 =	vld.idx.msk [tilespmem:v9+s26+$0xC0], $0xffff;
	v25 =	vmul.f32 v25, v25;
	v23 =	vadd.f32 v16, v23;
	v18 =	vadd.f32 v61, v31  }
0x45: {  	v31 =	vld.idx.msk [tilespmem:v10+s26+$0xC0], $0xffff;
	v30 =	vmul.f32 v26, v26;
	v29 =	vadd.f32 v20, v29;
	v20 =	vadd.f32 v42, v22  }
0x46: {  	v33 =	vmul.f32 v45, v45;
	v27 =	vld.idx.msk [tilespmem:v1+s26+$0x180], $0xffff;
	v25 =	vadd.f32 v25, v28;
	v22 =	vadd.f32 v49, v48  }
0x47: {  	v50 =	vld.idx.msk [tilespmem:v10+s26+$0x180], $0xffff;
	v16 =	vimm.f32 $0.0e+00;
	v26 =	vadd.f32 v26, v59;
	v51 =	vadd.f32 v30, v46  }
0x48: {  	v28 =	vmul.f32 v24, v24;
	v59 =	vmul.f32 v52, v52;
	v25 =	vadd.f32 v25, v29  }
0x49: {  	v57 =	vld.idx.msk [tilespmem:v4+s26+$0x240], $0xffff;
	v61 =	vmul.f32 v47, v47;
	v32 =	vadd.f32 v26, v34;
	v55 =	vadd.f32 v51, v22  }
0x4a: {  	v35 =	vld.idx.msk [tilespmem:v7+s26+$0x240], $0xffff;
	v22 =	vadd.f32 v62, v53;
	v56 =	vmul.f32 v31, v31;
	v29 =	vadd.f32 v31, v63  }
0x4b: {  	v58 =	vld.idx.msk [tilespmem:v3+s26+$0x240], $0xffff;
	v31 =	vmul.f32 v27, v27;
	v27 =	vadd.f32 v24, v27;
	v24 =	vadd.f32 v25, v55  }
0x4c: {  	v26 =	vmul.f32 v63, v63;
	v34 =	vld.idx.msk [tilespmem:v2+s26+$0x240], $0xffff;
	v25 =	vadd.f32 v50, v52;
	v29 =	vadd.f32 v37, v29  }
0x4d: {  	v31 =	vadd.f32 v28, v31;
	v28 =	vld.idx.msk [tilespmem:v1+s26+$0x240], $0xffff;
	v21 =	vadd.f32 v21, v27;
	v27 =	vmul.f32 v54, v54  }
0x4e: {  	v63 =	vadd.f32 v60, v25;
	v25 =	vld.idx.msk [tilespmem:v6+s26+$0x240], $0xffff;
	v19 =	vadd.f32 v29, v19;
	v29 =	vmul.f32 v50, v50  }
0x4f: {  	v30 =	vmul.f32 v44, v44;
	v62 =	vadd.f32 v36, v31;
	v31 =	vld.idx.msk [tilespmem:v8+s26+$0x240], $0xffff;
	v21 =	vadd.f32 v38, v21  }
0x50: {  	v40 =	vmul.f32 v58, v58;
	v41 =	vadd.f32 v61, v27;
	v42 =	vadd.f32 v29, v59;
	v29 =	vld.idx.msk [tilespmem:v5+s26+$0x240], $0xffff  }
0x51: {  	s25 =	sshll.u32 s22, $0x5;
	s23 =	sshllo.u32 s22, $0x1;
	s31 =	simm.s32 $0x5E20;
	v36 =	vmul.f32 v57, v57;
	v39 =	vadd.f32 v17, v62;
	v17 =	vadd.f32 v56, v26  }
0x52: {  	s28 =	simm.s32 $0x2D00;
	s30 =	simm.s32 $0x0;
	s29 =	simm.s32 $0x5E20;
	v38 =	vadd.f32 v57, v58;
	v26 =	vmul.f32 v34, v34;
	v21 =	vadd.f32 v63, v21  }
0x53: {  	s25 =	sand.u32 $0x60, s25;
	s1 =	simm.s32 $0x0;
	s0 =	simm.s32 $0x0;
	v27 =	vld.idx.msk [tilespmem:v11+s26+$0x240], $0xffff;
	[tilespmem:s31+$0xFFFFFFF0] =	vst v19;
	v37 =	vmul.f32 v28, v28;
	v43 =	vadd.f32 v43, v17;
	v17 =	vimm.f32 $0.0e+00  }
.LBB2_3:
0x54: {  	s1 =	sadd.s32 $0x4, s1;
	v30 =	vadd.f32 v30, v33;
	v33 =	vadd.f32 v41, v42;
	v41 =	vld.idx.msk [tilespmem:v10+s30+$0x240], $0xffff;
	v42 =	vmul.f32 v25, v25;
	s0 =	sadd.s32 $0x300, s0;
	s31 =	sadd.s32 $0x40, s31  }
0x55: {  	v44 =	vadd.f32 v31, v35;
	v45 =	vmul.f32 v29, v29;
	p0 =	slt.u32 s1, $0x38;
	v23 =	vadd.f32 v43, v23;
	v43 =	vld.idx.msk [tilespmem:v9+s30+$0x240], $0xffff  }
0x56: {  	v35 =	vmul.f32 v35, v35;
	v18 =	vadd.f32 v18, v30;
	v30 =	vadd.f32 v33, v39;
	v33 =	vld.idx.msk [tilespmem:v12+s30+$0x240], $0xffff;
	s30 =	smov.u32 s0  }
0x57: {  	v28 =	vadd.f32 v34, v28;
	v34 =	vadd.f32 v36, v40;
	v39 =	vld.idx.msk [tilespmem:v8+s0+$0x180], $0xffff;
	[tilespmem:s29+$0x0] =	vst v21  }
0x58: {  	v20 =	vadd.f32 v20, v32;
	v25 =	vadd.f32 v25, v29;
	v29 =	vmul.f32 v31, v31;
	v36 =	vld.idx.msk [tilespmem:v7+s0+$0x180], $0xffff  }
0x59: {  	v26 =	vadd.f32 v26, v37;
	v32 =	vadd.f32 v38, v28;
	v28 =	vmul.f32 v27, v27;
	v31 =	vld.idx.msk [tilespmem:v6+s0+$0x180], $0xffff  }
0x5a: {  	v29 =	vadd.f32 v29, v35;
	v18 =	vadd.f32 v18, v24;
	v38 =	vmul.f32 v41, v41;
	v37 =	vld.idx.msk [tilespmem:v5+s0+$0x180], $0xffff  }
0x5b: {  	v20 =	vadd.f32 v22, v20;
	v40 =	vadd.f32 v42, v45;
	v22 =	vmul.f32 v43, v43;
	v35 =	vld.idx.msk [tilespmem:v4+s0+$0x180], $0xffff  }
0x5c: {  	v44 =	vadd.f32 v44, v25;
	v27 =	vadd.f32 v33, v27;
	v25 =	vmul.f32 v33, v33;
	v42 =	vld.idx.msk [tilespmem:v3+s0+$0x180], $0xffff  }
0x5d: {  	v26 =	vadd.f32 v34, v26;
	v29 =	vadd.f32 v29, v40;
	v33 =	vmul.f32 v39, v39;
	v24 =	vld.idx.msk [tilespmem:v2+s0+$0x180], $0xffff  }
0x5e: {  	v39 =	vadd.f32 v39, v36;
	v36 =	vmul.f32 v36, v36;
	v40 =	vadd.f32 v25, v28;
	v34 =	vld.idx.msk [tilespmem:v12+s0+$0xC0], $0xffff  }
0x5f: {  	v16 =	vadd.f32 v18, v16;
	v18 =	vadd.f32 v38, v22;
	v46 =	vmul.f32 v31, v31;
	v45 =	vld.idx.msk [tilespmem:v11+s0+$0xC0], $0xffff  }
0x60: {  	v28 =	vadd.f32 v41, v43;
	v31 =	vadd.f32 v31, v37;
	v37 =	vmul.f32 v37, v37;
	v22 =	vld.idx.msk [tilespmem:v8+s0+$0xC0], $0xffff  }
0x61: {  	v33 =	vadd.f32 v33, v36;
	v36 =	vadd.f32 v29, v26;
	v41 =	vmul.f32 v35, v35;
	v38 =	vld.idx.msk [tilespmem:v7+s0+$0xC0], $0xffff  }
0x62: {  	v25 =	vadd.f32 v35, v42;
	v26 =	vmul.f32 v42, v42;
	v35 =	vadd.f32 v27, v28;
	v43 =	vld.idx.msk [tilespmem:v6+s0+$0xC0], $0xffff  }
0x63: {  	v17 =	vadd.f32 v20, v17;
	v27 =	vadd.f32 v46, v37;
	v28 =	vmul.f32 v24, v24;
	v42 =	vld.idx.msk [tilespmem:v5+s0+$0xC0], $0xffff  }
0x64: {  	v18 =	vadd.f32 v40, v18;
	v26 =	vadd.f32 v41, v26;
	v37 =	vld.idx.msk [tilespmem:v4+s0+$0xC0], $0xffff;
	[tilespmem:s29+$0xFFFFFFE0] =	vst v20  }
0x65: {  	v32 =	vadd.f32 v44, v32;
	v29 =	vadd.f32 v34, v45;
	v40 =	vmul.f32 v45, v45;
	v20 =	vld.idx.msk [tilespmem:v3+s0+$0xC0], $0xffff  }
0x66: {  	v17 =	vadd.f32 v19, v17;
	v27 =	vadd.f32 v33, v27;
	v41 =	vld.idx.msk [tilespmem:v2+s0+$0xC0], $0xffff  }
0x67: {  	v16 =	vadd.f32 v23, v16;
	v33 =	vadd.f32 v22, v38;
	v19 =	vld.idx.msk [tilespmem:v1+s0+$0xC0], $0xffff  }
0x68: {  	v39 =	vadd.f32 v39, v31;
	v31 =	vadd.f32 v35, v32;
	v23 =	vld.idx.msk [tilespmem:v12+s0+$0x0], $0xffff  }
0x69: {  	v16 =	vadd.f32 v30, v16;
	v44 =	vmul.f32 v43, v43;
	v35 =	vmul.f32 v42, v42;
	v32 =	vld.idx.msk [tilespmem:v11+s0+$0x0], $0xffff  }
0x6a: {  	v17 =	vadd.f32 v21, v17;
	v30 =	vmul.f32 v34, v34;
	v22 =	vmul.f32 v22, v22;
	v45 =	vld.idx.msk [tilespmem:v1+s0+$0x0], $0xffff  }
0x6b: {  	v38 =	vmul.f32 v38, v38;
	v34 =	vadd.f32 v43, v42;
	v35 =	vadd.f32 v44, v35;
	v21 =	vld.idx.msk [tilespmem:v8+s0+$0x0], $0xffff  }
0x6c: {  	v18 =	vadd.f32 v18, v36;
	v43 =	vmul.f32 v20, v20;
	v44 =	vmul.f32 v37, v37;
	v42 =	vld.idx.msk [tilespmem:v7+s0+$0x0], $0xffff  }
0x6d: {  	v40 =	vadd.f32 v30, v40;
	v47 =	vmul.f32 v41, v41;
	v46 =	vmul.f32 v19, v19;
	v36 =	vld.idx.msk [tilespmem:v6+s0+$0x0], $0xffff  }
0x6e: {  	v16 =	vadd.f32 v18, v16;
	v22 =	vadd.f32 v22, v38;
	v30 =	vld.idx.msk [tilespmem:v5+s0+$0x0], $0xffff;
	[tilespmem:s29+$0x10] =	vst v31;
	s29 =	smov.u32 s31  }
0x6f: {  	v17 =	vadd.f32 v31, v17;
	v18 =	vmul.f32 v32, v32;
	v46 =	vadd.f32 v47, v46;
	v38 =	vld.idx.msk [tilespmem:v4+s0+$0x0], $0xffff  }
0x70: {  	v20 =	vadd.f32 v37, v20;
	v33 =	vadd.f32 v33, v34;
	v31 =	vld.idx.msk [tilespmem:v3+s0+$0x0], $0xffff  }
0x71: {  	v19 =	vadd.f32 v41, v19;
	v22 =	vadd.f32 v22, v35;
	v37 =	vmul.f32 v23, v23;
	v34 =	vld.idx.msk [tilespmem:v2+s0+$0x0], $0xffff  }
0x72: {  	v43 =	vadd.f32 v44, v43;
	v41 =	vadd.f32 v21, v42;
	v42 =	vmul.f32 v42, v42;
	v35 =	vld.idx.msk [tilespmem:v10+s0+$0x0], $0xffff  }
0x73: {  	v32 =	vadd.f32 v23, v32;
	v19 =	vadd.f32 v20, v19;
	v23 =	vmul.f32 v36, v36;
	v44 =	vld.idx.msk [tilespmem:v9+s0+$0x0], $0xffff  }
0x74: {  	v18 =	vadd.f32 v37, v18;
	v20 =	vadd.f32 v36, v30;
	v30 =	vmul.f32 v30, v30;
	v36 =	vld.idx.msk [tilespmem:v10+s0+$0xC0], $0xffff  }
0x75: {  	v43 =	vadd.f32 v43, v46;
	v21 =	vmul.f32 v21, v21;
	v37 =	vmul.f32 v38, v38;
	v47 =	vld.idx.msk [tilespmem:v9+s0+$0xC0], $0xffff  }
0x76: {  	v19 =	vadd.f32 v33, v19;
	v46 =	vmul.f32 v31, v31;
	v48 =	vadd.f32 v23, v30;
	v49 =	vld.idx.msk [tilespmem:v1+s0+$0x180], $0xffff  }
0x77: {  	v50 =	vmul.f32 v45, v45;
	v23 =	vadd.f32 v22, v43;
	v51 =	vmul.f32 v34, v34;
	v43 =	vld.idx.msk [tilespmem:v12+s0+$0x180], $0xffff  }
0x78: {  	v21 =	vadd.f32 v21, v42;
	v20 =	vadd.f32 v41, v20;
	v30 =	vmul.f32 v35, v35;
	v41 =	vld.idx.msk [tilespmem:v10+s0+$0x180], $0xffff  }
0x79: {  	v37 =	vadd.f32 v37, v46;
	v33 =	vmul.f32 v44, v44;
	v22 =	vadd.f32 v51, v50;
	v42 =	vld.idx.msk [tilespmem:v9+s0+$0x180], $0xffff  }
0x7a: {  	v34 =	vadd.f32 v34, v45;
	v35 =	vadd.f32 v35, v44;
	v44 =	vmul.f32 v36, v36;
	v45 =	vld.idx.msk [tilespmem:v11+s0+$0x180], $0xffff  }
0x7b: {  	v38 =	vadd.f32 v38, v31;
	v37 =	vadd.f32 v37, v22;
	v46 =	vmul.f32 v47, v47;
	v31 =	vld.idx.msk [tilespmem:v8+s0+$0x240], $0xffff  }
0x7c: {  	v21 =	vadd.f32 v21, v48;
	v22 =	vadd.f32 v32, v35;
	v35 =	vmul.f32 v49, v49;
	v48 =	vld.idx.msk [tilespmem:v4+s0+$0x240], $0xffff  }
0x7d: {  	v36 =	vadd.f32 v36, v47;
	v47 =	vadd.f32 v24, v49;
	v49 =	vld.idx.msk [tilespmem:v3+s0+$0x240], $0xffff  }
0x7e: {  	v32 =	vadd.f32 v38, v34;
	v24 =	vadd.f32 v21, v37;
	v34 =	vld.idx.msk [tilespmem:v2+s0+$0x240], $0xffff  }
0x7f: {  	v38 =	vadd.f32 v28, v35;
	v21 =	vadd.f32 v41, v42;
	v37 =	vmul.f32 v42, v42;
	v28 =	vld.idx.msk [tilespmem:v1+s0+$0x240], $0xffff  }
0x80: {  	v47 =	vadd.f32 v25, v47;
	v42 =	vadd.f32 v43, v45;
	v45 =	vmul.f32 v45, v45;
	v35 =	vld.idx.msk [tilespmem:v7+s0+$0x240], $0xffff  }
0x81: {  	v50 =	vadd.f32 v29, v36;
	v43 =	vmul.f32 v43, v43;
	v26 =	vadd.f32 v26, v38;
	v25 =	vld.idx.msk [tilespmem:v6+s0+$0x240], $0xffff  }
.Ltmp0:
0x82: {  	v47 =	vadd.f32 v39, v47;
	v21 =	vadd.f32 v42, v21;
	v36 =	vmul.f32 v48, v48;
	v29 =	vld.idx.msk [tilespmem:v5+s0+$0x240], $0xffff;
	(pc) =	sbr.rel @p0 .LBB2_3-.Ltmp0, $4  }
0x83: {  	v19 =	vadd.f32 v50, v19;
	v38 =	vmul.f32 v41, v41;
	v39 =	vadd.f32 v27, v26  }
0x84: {  	v27 =	vadd.f32 v44, v46;
	v41 =	vadd.f32 v43, v45;
	v26 =	vmul.f32 v34, v34  }
0x85: {  	v42 =	vadd.f32 v38, v37;
	v38 =	vadd.f32 v48, v49;
	v37 =	vmul.f32 v28, v28;
	[tilespmem:s31+$0xFFFFFFF0] =	vst v19  }
0x86: {  	v43 =	vadd.f32 v40, v27;
	v21 =	vadd.f32 v21, v47;
	v40 =	vmul.f32 v49, v49;
	v27 =	vld.idx.msk [tilespmem:v11+s0+$0x240], $0xffff  }
0x87: {  	v30 =	vadd.f32 v30, v33;
	v53 =	vadd.f32 v41, v42  }
0x88: {  	v54 =	vadd.f32 v31, v35;
	v28 =	vadd.f32 v34, v28  }
0x89: {  	v20 =	vadd.f32 v20, v32;
	v59 =	vadd.f32 v25, v29  }
0x8a: {  	v57 =	vmul.f32 v35, v35;
	v26 =	vadd.f32 v26, v37;
	v23 =	vadd.f32 v43, v23  }
0x8b: {  	v55 =	vld.idx.msk [tilespmem:v12+s30+$0x240], $0xffff;
	v31 =	vmul.f32 v31, v31;
	v36 =	vadd.f32 v36, v40;
	v18 =	vadd.f32 v18, v30  }
0x8c: {  	v56 =	vld.idx.msk [tilespmem:v10+s30+$0x240], $0xffff;
	v29 =	vmul.f32 v29, v29;
	v33 =	vadd.f32 v53, v39;
	v28 =	vadd.f32 v38, v28  }
0x8d: {  	v58 =	vld.idx.msk [tilespmem:v9+s30+$0x240], $0xffff;
	v30 =	vmul.f32 v25, v25;
	v31 =	vadd.f32 v31, v57;
	v20 =	vadd.f32 v22, v20  }
0x8e: {  	v25 =	vadd.f32 v54, v59;
	v26 =	vadd.f32 v36, v26  }
0x8f: {  	v18 =	vadd.f32 v18, v24;
	v22 =	vadd.f32 v30, v29  }
0x90: {  	v60 =	vmul.f32 v27, v27;
	v17 =	vadd.f32 v20, v17;
	v25 =	vadd.f32 v25, v28  }
0x91: {  	v27 =	vadd.f32 v55, v27;
	v29 =	vmul.f32 v55, v55;
	v30 =	vmul.f32 v56, v56  }
0x92: {  	v61 =	vmul.f32 v58, v58;
	v62 =	vadd.f32 v56, v58;
	v22 =	vadd.f32 v31, v22  }
0x93: {  	v16 =	vadd.f32 v18, v16;
	v17 =	vadd.f32 v19, v17  }
0x94: {  	v24 =	vadd.f32 v29, v60;
	v29 =	vadd.f32 v30, v61  }
0x95: {  	v18 =	vadd.f32 v27, v62;
	v22 =	vadd.f32 v22, v26  }
0x96: {  	v16 =	vadd.f32 v23, v16;
	v23 =	vadd.f32 v24, v29  }
0x97: {  	v17 =	vadd.f32 v21, v17;
	v18 =	vadd.f32 v18, v25  }
0x98: {  	[tilespmem:s29+$0x0] =	vst v21;
	v16 =	vadd.f32 v33, v16;
	v63 =	vadd.f32 v23, v22  }
0x99: {  	[tilespmem:s29+$0xFFFFFFE0] =	vst v20  }
0x9a: {  	[tilespmem:s29+$0x10] =	vst v18;
	v28 =	vadd.f32 v18, v17;
	v21 =	vadd.f32 v63, v16  }
.LBB2_5:
0x9b: {  	v16 =	vld.idx.msk [tilespmem:v1+s28+$0x0], $0xffff  }
0x9c: {  	v17 =	vld.idx.msk [tilespmem:v2+s28+$0x0], $0xffff  }
0x9d: {  	v18 =	vld.idx.msk [tilespmem:v3+s28+$0x0], $0xffff  }
0x9e: {  	v19 =	vld.idx.msk [tilespmem:v4+s28+$0x0], $0xffff  }
0x9f: {  	v20 =	vld.idx.msk [tilespmem:v5+s28+$0x0], $0xffff  }
0xa0: {  	v22 =	vld.idx.msk [tilespmem:v6+s28+$0x0], $0xffff  }
0xa1: {  	v23 =	vld.idx.msk [tilespmem:v7+s28+$0x0], $0xffff  }
0xa2: {  	v24 =	vld.idx.msk [tilespmem:v8+s28+$0x0], $0xffff  }
0xa3: {  	v25 =	vld.idx.msk [tilespmem:v9+s28+$0x0], $0xffff  }
0xa4: {  	v26 =	vld.idx.msk [tilespmem:v10+s28+$0x0], $0xffff  }
0xa5: {  	v27 =	vld.idx.msk [tilespmem:v11+s28+$0x0], $0xffff  }
0xa6: {  	v29 =	vld.idx.msk [tilespmem:v12+s28+$0x0], $0xffff;
	v30 =	vadd.f32 v17, v16  }
0xa7: {  	v31 =	vadd.f32 v19, v18;
	v16 =	vmul.f32 v16, v16;
	v17 =	vmul.f32 v17, v17  }
0xa8: {  	v32 =	vadd.f32 v22, v20;
	v18 =	vmul.f32 v18, v18;
	v19 =	vmul.f32 v19, v19  }
0xa9: {  	v33 =	vadd.f32 v24, v23;
	v20 =	vmul.f32 v20, v20;
	v22 =	vmul.f32 v22, v22  }
0xaa: {  	v34 =	vadd.f32 v26, v25;
	v23 =	vmul.f32 v23, v23;
	v24 =	vmul.f32 v24, v24  }
0xab: {  	v35 =	vadd.f32 v29, v27;
	v25 =	vmul.f32 v25, v25;
	v26 =	vmul.f32 v26, v26  }
0xac: {  	v27 =	vmul.f32 v27, v27;
	v30 =	vadd.f32 v31, v30;
	v31 =	vadd.f32 v33, v32  }
0xad: {  	v29 =	vmul.f32 v29, v29;
	v16 =	vadd.f32 v17, v16;
	v17 =	vadd.f32 v19, v18  }
0xae: {  	v60 =	vadd.f32 v22, v20;
	v61 =	vadd.f32 v24, v23  }
0xaf: {  	v20 =	vadd.f32 v26, v25;
	v22 =	vadd.f32 v29, v27  }
0xb0: {  	v16 =	vadd.f32 v17, v16;
	v17 =	vadd.f32 v61, v60  }
0xb1: {  	p0 =	sne.s32 s26, $0x40;
	v62 =	vadd.f32 v35, v34;
	v63 =	vadd.f32 v31, v30  }
.Ltmp1:
0xb2: {  	v20 =	vadd.f32 v22, v20;
	v16 =	vadd.f32 v17, v16;
	(pc) =	sbr.rel @p0 .LBB2_5-.Ltmp1, $4  }
0xb3: {  	_ = 	snop  }
0xb4: {  	v17 =	vadd.f32 v62, v63;
	v16 =	vadd.f32 v20, v16  }
0xb5: {  	s0 =	sshra.s32 s26, $0x2  }
0xb6: {  	s28 =	sadd.s32 $0xC0, s28;
	s26 =	sadd.s32 $0x40, s26;
	[tilespmem:s0+$0x61C0] =	vst v17;
	v28 =	vadd.f32 v17, v28;
	v21 =	vadd.f32 v16, v21  }
0xb7: {  	v0 =	vimm.s32 $0x2EDF  }
0xb8: {  	v16 =	vsel vm0, $0x2E80, v0  }
0xb9: {  	v16 =	vsel vm1, $0x2E8C, v16  }
0xba: {  	v17 =	vsel vm0, $0x2E81, v0;
	v16 =	vsel vm2, $0x2E98, v16  }
0xbb: {  	v18 =	vsel vm0, $0x2E82, v0;
	v17 =	vsel vm1, $0x2E8D, v17;
	v16 =	vsel vm3, $0x2EA4, v16  }
0xbc: {  	v19 =	vsel vm0, $0x2E83, v0;
	v17 =	vsel vm2, $0x2E99, v17;
	v16 =	vsel vm4, $0x2EB0, v16  }
0xbd: {  	v18 =	vsel vm1, $0x2E8E, v18;
	v17 =	vsel vm3, $0x2EA5, v17;
	v16 =	vsel vm5, $0x2EBC, v16  }
0xbe: {  	v18 =	vsel vm2, $0x2E9A, v18;
	v17 =	vsel vm4, $0x2EB1, v17;
	v16 =	vsel vm6, $0x2EC8, v16  }
0xbf: {  	v18 =	vsel vm3, $0x2EA6, v18;
	v17 =	vsel vm5, $0x2EBD, v17;
	v13 =	vsel vm7, $0x2ED4, v16  }
0xc0: {  	v19 =	vsel vm1, $0x2E8F, v19;
	v18 =	vsel vm4, $0x2EB2, v18;
	v17 =	vsel vm6, $0x2EC9, v17  }
0xc1: {  	v19 =	vsel vm2, $0x2E9B, v19;
	v18 =	vsel vm5, $0x2EBE, v18;
	v16 =	vsel vm7, $0x2ED5, v17  }
0xc2: {  	v19 =	vsel vm3, $0x2EA7, v19;
	v18 =	vsel vm6, $0x2ECA, v18  }
0xc3: {  	v19 =	vsel vm4, $0x2EB3, v19;
	v17 =	vsel vm7, $0x2ED6, v18  }
0xc4: {  	v19 =	vsel vm5, $0x2EBF, v19;
	v22 =	vld.idx.msk [tilespmem:v13+s3+$0x0], $0xffff  }
0xc5: {  	v20 =	vsel vm0, $0x2E84, v0;
	v19 =	vsel vm6, $0x2ECB, v19  }
0xc6: {  	v27 =	vsel vm0, $0x2E85, v0;
	v39 =	vsel vm0, $0x2E86, v0;
	[tilespmem:$0x1FF20] =	vst v13;
	v23 =	vld.idx.msk [tilespmem:v16+s3+$0x0], $0xffff;
	v13 =	vsel vm7, $0x2ED7, v19  }
0xc7: {  	v40 =	vsel vm0, $0x2E87, v0;
	v41 =	vsel vm0, $0x2E88, v0;
	v42 =	vsel vm0, $0x2E89, v0  }
0xc8: {  	v31 =	vsel vm0, $0x2E8A, v0;
	v20 =	vsel vm1, $0x2E90, v20;
	v37 =	vsel vm1, $0x2E91, v27;
	v24 =	vld.idx.msk [tilespmem:v17+s3+$0x0], $0xffff  }
0xc9: {  	v31 =	vsel vm1, $0x2E96, v31;
	v20 =	vsel vm2, $0x2E9C, v20;
	v22 =	vnsel vm8, $0x0, v22  }
0xca: {  	v38 =	vsel vm2, $0x2E9D, v37;
	v31 =	vsel vm2, $0x2EA2, v31;
	v25 =	vmul.f32 v22, v22  }
0xcb: {  	v20 =	vsel vm3, $0x2EA8, v20;
	v23 =	vnsel vm8, $0x0, v23;
	v26 =	vld.idx.msk [tilespmem:v13+s3+$0x0], $0xffff;
	v22 =	vadd.f32 $0.0e+00, v22  }
0xcc: {  	v20 =	vsel vm4, $0x2EB4, v20;
	v33 =	vmul.f32 v23, v23;
	v21 =	vadd.f32 v25, v21  }
0xcd: {  	v20 =	vsel vm5, $0x2EC0, v20;
	v34 =	vnsel vm8, $0x0, v24;
	v22 =	vadd.f32 v23, v22  }
0xce: {  	v20 =	vsel vm6, $0x2ECC, v20;
	v36 =	vmul.f32 v34, v34;
	v21 =	vadd.f32 v33, v21  }
0xcf: {  	v31 =	vsel vm3, $0x2EAE, v31;
	[tilespmem:$0x1FF30] =	vst v16;
	v16 =	vsel vm7, $0x2ED8, v20;
	v22 =	vadd.f32 v34, v22  }
0xd0: {  	v24 =	vsel vm1, $0x2E94, v41;
	v27 =	vnsel vm8, $0x0, v26;
	v29 =	vadd.f32 v36, v21  }
0xd1: {  	v26 =	vadd.f32 v27, v22;
	v21 =	vsel vm3, $0x2EA9, v38;
	v22 =	vsel vm1, $0x2E92, v39  }
0xd2: {  	v24 =	vsel vm2, $0x2EA0, v24;
	v21 =	vsel vm4, $0x2EB5, v21;
	v22 =	vsel vm2, $0x2E9E, v22  }
0xd3: {  	v23 =	vsel vm1, $0x2E93, v40;
	v21 =	vsel vm5, $0x2EC1, v21;
	v22 =	vsel vm3, $0x2EAA, v22  }
0xd4: {  	v23 =	vsel vm2, $0x2E9F, v23;
	v21 =	vsel vm6, $0x2ECD, v21;
	v22 =	vsel vm4, $0x2EB6, v22  }
0xd5: {  	[tilespmem:$0x1FF50] =	vst v13;
	v23 =	vsel vm3, $0x2EAB, v23;
	v13 =	vsel vm7, $0x2ED9, v21;
	v22 =	vsel vm5, $0x2EC2, v22  }
0xd6: {  	v24 =	vsel vm3, $0x2EAC, v24;
	v23 =	vsel vm4, $0x2EB7, v23;
	v22 =	vsel vm6, $0x2ECE, v22  }
0xd7: {  	[tilespmem:$0x1FF60] =	vst v16;
	v35 =	vld.idx.msk [tilespmem:v16+s3+$0x0], $0xffff;
	v25 =	vsel vm1, $0x2E95, v42;
	v23 =	vsel vm5, $0x2EC3, v23;
	v16 =	vsel vm7, $0x2EDA, v22  }
0xd8: {  	v24 =	vsel vm4, $0x2EB8, v24;
	v25 =	vsel vm2, $0x2EA1, v25;
	v23 =	vsel vm6, $0x2ECF, v23  }
0xd9: {  	[tilespmem:$0x1FF40] =	vst v17;
	v24 =	vsel vm5, $0x2EC4, v24;
	v25 =	vsel vm3, $0x2EAD, v25;
	v17 =	vsel vm7, $0x2EDB, v23  }
0xda: {  	v31 =	vsel vm4, $0x2EBA, v31;
	v24 =	vsel vm6, $0x2ED0, v24;
	v25 =	vsel vm4, $0x2EB9, v25;
	v32 =	vld.idx.msk [tilespmem:v13+s3+$0x0], $0xffff  }
0xdb: {  	v33 =	vsel vm0, $0x2E8B, v0;
	v25 =	vsel vm5, $0x2EC5, v25;
	[tilespmem:$0x1FF70] =	vst v13;
	v13 =	vsel vm7, $0x2EDC, v24  }
0xdc: {  	v31 =	vsel vm5, $0x2EC6, v31;
	v33 =	vsel vm1, $0x2E97, v33;
	v25 =	vsel vm6, $0x2ED1, v25;
	v34 =	vld.idx.msk [tilespmem:v16+s3+$0x0], $0xffff  }
0xdd: {  	v30 =	vnsel vm8, $0x0, v35;
	v33 =	vsel vm2, $0x2EA3, v33;
	v0 =	vsel vm7, $0x2EDD, v25  }
0xde: {  	v43 =	vsel vm6, $0x2ED2, v31;
	v31 =	vsel vm3, $0x2EAF, v33;
	v35 =	vadd.f32 v30, v26;
	v36 =	vld.idx.msk [tilespmem:v17+s3+$0x0], $0xffff  }
0xdf: {  	v31 =	vsel vm4, $0x2EBB, v31;
	[tilespmem:$0x1FF80] =	vst v16;
	v16 =	vsel vm7, $0x2EDE, v43;
	v32 =	vnsel vm8, $0x0, v32  }
0xe0: {  	v44 =	vmul.f32 v27, v27;
	v27 =	vsel vm5, $0x2EC7, v31;
	v37 =	vld.idx.msk [tilespmem:v13+s3+$0x0], $0xffff;
	v35 =	vadd.f32 v32, v35  }
0xe1: {  	[tilespmem:$0x1FFA0] =	vst v13;
	v13 =	vsel vm6, $0x2ED3, v27;
	v31 =	vnsel vm8, $0x0, v34  }
0xe2: {  	v29 =	vadd.f32 v44, v29;
	v30 =	vmul.f32 v30, v30;
	v46 =	vld.idx.msk [tilespmem:v0+s3+$0x0], $0xffff;
	v45 =	vadd.f32 v31, v35  }
0xe3: {  	v47 =	vnsel vm8, $0x0, v36  }
0xe4: {  	v29 =	vadd.f32 v30, v29;
	v30 =	vmul.f32 v32, v32;
	v49 =	vld.idx.msk [tilespmem:v16+s3+$0x0], $0xffff;
	v48 =	vadd.f32 v47, v45  }
0xe5: {  	v50 =	vnsel vm8, $0x0, v37  }
0xe6: {  	v29 =	vadd.f32 v30, v29;
	v30 =	vmul.f32 v31, v31;
	v51 =	vld.idx.msk [tilespmem:v13+s3+$0x0], $0xffff;
	v31 =	vadd.f32 v50, v48  }
0xe7: {  	v34 =	vnsel vm8, $0x0, v46  }
0xe8: {  	v29 =	vadd.f32 v30, v29;
	v30 =	vmul.f32 v47, v47;
	v31 =	vadd.f32 v34, v31  }
0xe9: {  	v33 =	vnsel vm8, $0x0, v49  }
0xea: {  	v29 =	vadd.f32 v30, v29;
	v30 =	vmul.f32 v50, v50;
	v31 =	vadd.f32 v33, v31  }
0xeb: {  	v32 =	vnsel vm8, $0x0, v51  }
0xec: {  	v29 =	vadd.f32 v30, v29;
	v30 =	vmul.f32 v34, v34;
	v31 =	vadd.f32 v32, v31;
	_ =	sdelay $0x1  }
0xed: {  	v29 =	vadd.f32 v30, v29;
	v30 =	vmul.f32 v33, v33;
	v28 =	vadd.f32 v31, v28;
	_ =	sdelay $0x1  }
0xee: {  	v29 =	vadd.f32 v30, v29;
	v30 =	vmul.f32 v32, v32;
	(xrf2) =	vadd.scan.msk.f32 $0xffff, v28;
	_ =	sdelay $0x1  }
0xef: {  	v28 =	vadd.f32 v30, v29;
	_ =	sdelay $0x1  }
0xf0: {  	(xrf2) =	vadd.scan.msk.f32 $0xffff, v28;
	_ =	sdelay $0x5  }
0xf1: {  	v28, _, _ =	vpop (xrf2)  }
0xf2: {  	(v2sf) =	vpush v28, $0xF;
	_ =	sdelay $0x2  }
0xf3: {  	v28, _, _ =	vpop (xrf2)  }
0xf4: {  	(v2sf) =	vpush v28, $0xF;
	_ =	sdelay $0xa  }
0xf5: {  	s0 =	spop (v2sf)  }
0xf6: {  	s1 =	smul.f32 s0, s0;
	_ =	sdelay $0x1  }
0xf7: {  	s1 =	smul.f32 $-8.333333240e-05, s1  }
0xf8: {  	s26 =	spop (v2sf)  }
0xf9: {  	s1 =	sadd.f32 s1, s26;
	_ =	sdelay $0x1  }
0xfa: {  	s1 =	smul.f32 $8.334028090e-05, s1;
	_ =	sdelay $0x1  }
0xfb: {  	s1 =	smax.f32 s1, $1.000000000e-30  }
0xfc: {  	v28 =	vmov s1  }
0xfd: {  	v29 =	vshra.s32 v28, $0x1;
	v28 =	vmul.f32 $5.000000000e-01, v28  }
0xfe: {  	v29 =	vsub.s32 $0x5F3759DF, v29  }
0xff: {  	v30 =	vmul.f32 v29, v28;
	_ =	sdelay $0x1  }
0x100: {  	v30 =	vmul.f32 v29, v30;
	_ =	sdelay $0x1  }
0x101: {  	v30 =	vsub.f32 $1.500000000e+00, v30;
	_ =	sdelay $0x1  }
0x102: {  	v29 =	vmul.f32 v29, v30;
	_ =	sdelay $0x1  }
0x103: {  	v30 =	vmul.f32 v29, v28;
	_ =	sdelay $0x1  }
0x104: {  	v30 =	vmul.f32 v30, v29;
	_ =	sdelay $0x1  }
0x105: {  	v30 =	vsub.f32 $1.500000000e+00, v30;
	_ =	sdelay $0x1  }
0x106: {  	v29 =	vmul.f32 v30, v29;
	_ =	sdelay $0x1  }
0x107: {  	v28 =	vmul.f32 v29, v28;
	_ =	sdelay $0x1  }
0x108: {  	v28 =	vmul.f32 v28, v29;
	_ =	sdelay $0x1  }
0x109: {  	v28 =	vsub.f32 $1.500000000e+00, v28;
	_ =	sdelay $0x1  }
0x10a: {  	v28 =	vmul.f32 v28, v29;
	_ =	sdelay $0x1  }
0x10b: {  	v28 =	vmul.f32 s1, v28  }
0x10c: {  	v29 =	vld [tilespmem:$0x6A00]  }
0x10d: {  	v30 =	vld [tilespmem:$0x6A10];
	v28 =	vadd.f32 $9.999999930e-09, v28;
	_ =	sdelay $0x1  }
0x10e: {  	v28 =	vmul.f32 $1.200000000e+01, v28  }
0x10f: {  	[tilespmem:$0x1FF90] =	vst v17  }
0x110: {  	[tilespmem:$0x1FFB0] =	vst v0;
	s0 =	smul.f32 $1.000000050e-03, s0;
	v29 =	vmul.f32 v28, v29  }
0x111: {  	[tilespmem:$0x1FFC0] =	vst v16;
	v28 =	vmul.f32 v28, v30  }
0x112: {  	[tilespmem:$0x1FFD0] =	vst v13;
	v29 =	vadd.f32 s0, v29  }
0x113: {  	[tilespmem:$0x61E0] =	vst v31;
	v28 =	vadd.f32 s0, v28  }
0x114: {  	[tilespmem:$0x6A80] =	vst v29  }
0x115: {  	[tilespmem:$0x6A90] =	vst v28  }
0x116: {  	s30 =	simm.s32 $0x5E30;
	v28 =	vld.idx.msk [tilespmem:v14+s15+$0x0], $0xffff  }
0x117: {  	v35 =	vld [tilespmem:s30+$0x20]  }
0x118: {  	v33 =	vld [tilespmem:s30+$0xFFFFFFE0];
	_ =	sdelay $0x1  }
0x119: {  	v32 =	vld [tilespmem:s30+$0xFFFFFFF0]  }
0x11a: {  	v31 =	vld [tilespmem:s30+$0x0]  }
0x11b: {  	v34 =	vld [tilespmem:s30+$0xFFFFFFD0];
	vm9 =	vlt.f32 v28, v35  }
0x11c: {  	v30 =	vld [tilespmem:s30+$0x10];
	v29 =	vsel vm9, $0x10, v15;
	vm9 =	vlt.f32 v28, v33  }
0x11d: {  	v52 =	vor.u32 $0x7, v29;
	v53 =	vsel vm9, $0x10, v15  }
0x11e: {  	vm9 =	vlt.f32 v28, v32;
	v38 =	vor.u32 $0x7, v53  }
0x11f: {  	v39 =	vsel vm9, $0x10, v15;
	vm9 =	vlt.f32 v28, v31  }
0x120: {  	v40 =	vor.u32 $0x7, v39;
	v41 =	vsel vm9, $0x10, v15;
	vm9 =	vlt.f32 v28, v34  }
0x121: {  	vm10 =	vlt.f32 v28, v30;
	v28 =	vsel vm9, $0x10, v15;
	v42 =	vor.u32 $0x7, v41  }
0x122: {  	v43 =	vsel vm10, $0x10, v15;
	v44 =	vor.u32 $0x7, v28;
	v36 =	vld.idx.msk [tilespmem:v52+s15+$0x0], $0xffff  }
0x123: {  	v45 =	vor.u32 $0x7, v43;
	v38 =	vld.idx.msk [tilespmem:v38+s15+$0x0], $0xffff;
	_ =	sdelay $0x1  }
0x124: {  	v40 =	vld.idx.msk [tilespmem:v40+s15+$0x0], $0xffff  }
0x125: {  	v42 =	vld.idx.msk [tilespmem:v42+s15+$0x0], $0xffff  }
0x126: {  	v54 =	vor.u32 $0x8, v29;
	v49 =	vor.u32 $0x8, v43;
	v44 =	vld.idx.msk [tilespmem:v44+s15+$0x0], $0xffff;
	vm9 =	vlt.f32 v36, v35  }
0x127: {  	v46 =	vor.u32 $0x8, v53;
	v45 =	vld.idx.msk [tilespmem:v45+s15+$0x0], $0xffff;
	v29 =	vsel vm9, v54, v29;
	vm9 =	vlt.f32 v38, v33  }
0x128: {  	v48 =	vor.u32 $0x8, v39;
	v56 =	vor.u32 $0x3, v29;
	v37 =	vsel vm9, v46, v53  }
0x129: {  	v55 =	vor.u32 $0x8, v41;
	vm9 =	vlt.f32 v40, v32;
	v57 =	vor.u32 $0x3, v37  }
0x12a: {  	v47 =	vor.u32 $0x8, v28;
	v39 =	vsel vm9, v48, v39;
	vm9 =	vlt.f32 v42, v31  }
0x12b: {  	v58 =	vor.u32 $0x3, v39;
	vm10 =	vlt.f32 v44, v34;
	v59 =	vsel vm9, v55, v41  }
0x12c: {  	vm9 =	vlt.f32 v45, v30;
	v28 =	vsel vm10, v47, v28;
	v36 =	vor.u32 $0x3, v59  }
0x12d: {  	v43 =	vsel vm9, v49, v43;
	v60 =	vor.u32 $0x3, v28;
	v38 =	vld.idx.msk [tilespmem:v56+s15+$0x0], $0xffff  }
0x12e: {  	v61 =	vor.u32 $0x3, v43;
	v40 =	vld.idx.msk [tilespmem:v57+s15+$0x0], $0xffff  }
0x12f: {  	v51 =	vld.idx.msk [tilespmem:v14+s15+$0x0], $0xffff  }
0x130: {  	v42 =	vld.idx.msk [tilespmem:v58+s15+$0x0], $0xffff  }
0x131: {  	v18 =	vor.u32 $0x4, v29;
	v19 =	vor.u32 $0x4, v37;
	v62 =	vld.idx.msk [tilespmem:v36+s15+$0x0], $0xffff  }
0x132: {  	v48 =	vor.u32 $0x4, v39;
	v52 =	vor.u32 $0x4, v59;
	v63 =	vld.idx.msk [tilespmem:v60+s15+$0x0], $0xffff;
	vm9 =	vlt.f32 v38, v35  }
0x133: {  	s31 =	simm.s32 $0x5E90;
	v50 =	vor.u32 $0x4, v28;
	v45 =	vld.idx.msk [tilespmem:v61+s15+$0x0], $0xffff;
	v20 =	vsel vm9, v18, v29;
	vm9 =	vlt.f32 v40, v33  }
0x134: {  	v41 =	vld [tilespmem:s31+$0x20];
	v26 =	vor.u32 $0x4, v43;
	v25 =	vor.u32 $0x1, v20;
	v38 =	vsel vm9, v19, v37  }
0x135: {  	vm9 =	vlt.f32 v42, v32;
	v37 =	vld [tilespmem:s31+$0xFFFFFFE0];
	v24 =	vor.u32 $0x2, v20;
	v53 =	vor.u32 $0x1, v38  }
0x136: {  	v13 =	vld [tilespmem:s31+$0xFFFFFFF0];
	v39 =	vsel vm9, v48, v39;
	v36 =	vor.u32 $0x2, v38;
	vm9 =	vlt.f32 v62, v31  }
0x137: {  	v29 =	vld [tilespmem:s31+$0x0];
	v54 =	vor.u32 $0x1, v39;
	v46 =	vor.u32 $0x2, v39;
	vm10 =	vlt.f32 v63, v34  }
0x138: {  	v40 =	vld [tilespmem:s31+$0xFFFFFFD0];
	v44 =	vsel vm9, v52, v59;
	vm9 =	vlt.f32 v45, v30;
	v47 =	vsel vm10, v50, v28  }
0x139: {  	v21 =	vor.u32 $0x1, v44;
	vm10 =	vlt.f32 v51, v41;
	v23 =	vor.u32 $0x1, v47  }
0x13a: {  	v28 =	vld [tilespmem:s31+$0x10];
	v55 =	vsel vm9, v26, v43;
	v43 =	vsel vm10, $0x10, v15;
	vm9 =	vlt.f32 v51, v37  }
0x13b: {  	v22 =	vld.idx.msk [tilespmem:v25+s15+$0x0], $0xffff;
	v57 =	vor.u32 $0x7, v43;
	v56 =	vsel vm9, $0x10, v15;
	vm9 =	vlt.f32 v51, v13  }
0x13c: {  	v26 =	vor.u32 $0x2, v44;
	v53 =	vld.idx.msk [tilespmem:v53+s15+$0x0], $0xffff;
	v58 =	vor.u32 $0x7, v56;
	v59 =	vsel vm9, $0x10, v15  }
0x13d: {  	vm11 =	vlt.f32 v51, v40;
	vm9 =	vlt.f32 v51, v29;
	v54 =	vld.idx.msk [tilespmem:v54+s15+$0x0], $0xffff;
	v61 =	vor.u32 $0x7, v59  }
0x13e: {  	v42 =	vor.u32 $0x1, v55;
	v49 =	vsel vm11, $0x10, v15;
	v62 =	vsel vm9, $0x10, v15;
	v52 =	vld.idx.msk [tilespmem:v23+s15+$0x0], $0xffff  }
0x13f: {  	v25 =	vor.u32 $0x2, v47;
	v16 =	vor.u32 $0x7, v49;
	v50 =	vld.idx.msk [tilespmem:v21+s15+$0x0], $0xffff;
	v63 =	vor.u32 $0x7, v62  }
0x140: {  	v17 =	vor.u32 $0x8, v49;
	vm9 =	vlt.f32 v51, v28;
	vm10 =	vlt.f32 v22, v35;
	v57 =	vld.idx.msk [tilespmem:v57+s15+$0x0], $0xffff  }
0x141: {  	v60 =	vor.u32 $0x8, v56;
	v51 =	vsel vm9, $0x10, v15;
	v45 =	vsel vm10, v24, v20;
	v58 =	vld.idx.msk [tilespmem:v58+s15+$0x0], $0xffff  }
0x142: {  	v18 =	vor.u32 $0x8, v59;
	v19 =	vor.u32 $0x8, v62;
	v0 =	vor.u32 $0x7, v51;
	v61 =	vld.idx.msk [tilespmem:v61+s15+$0x0], $0xffff  }
0x143: {  	vm9 =	vlt.f32 v53, v33;
	v53 =	vld.idx.msk [tilespmem:v42+s15+$0x0], $0xffff;
	vm10 =	vlt.f32 v54, v32;
	vm11 =	vlt.f32 v52, v34  }
0x144: {  	v38 =	vsel vm9, v36, v38;
	vm12 =	vlt.f32 v50, v31;
	v54 =	vld.idx.msk [tilespmem:v63+s15+$0x0], $0xffff;
	v47 =	vsel vm11, v25, v47  }
0x145: {  	v16 =	vld.idx.msk [tilespmem:v16+s15+$0x0], $0xffff;
	v63 =	vsel vm10, v46, v39;
	vm9 =	vlt.f32 v57, v41;
	v57 =	vor.u32 $0x8, v43  }
0x146: {  	v24 =	vor.u32 $0x2, v55;
	v52 =	vld.idx.msk [tilespmem:v45+s15+$0x0], $0xffff;
	[tilespmem:$0x1FFE0] =	vst v63;
	v39 =	vsel vm9, v57, v43;
	vm10 =	vlt.f32 v58, v37  }
0x147: {  	v0 =	vld.idx.msk [tilespmem:v0+s15+$0x0], $0xffff;
	v48 =	vor.u32 $0x3, v39;
	v46 =	vsel vm10, v60, v56;
	vm9 =	vlt.f32 v61, v13  }
0x148: {  	v42 =	vsel vm12, v26, v44;
	v25 =	vor.u32 $0x3, v46;
	v18 =	vsel vm9, v18, v59  }
0x149: {  	vm9 =	vlt.f32 v53, v30;
	vm11 =	vlt.f32 v54, v29;
	v26 =	vor.u32 $0x3, v18;
	v53 =	vld.idx.msk [tilespmem:v47+s15+$0x0], $0xffff  }
0x14a: {  	v36 =	vld.idx.msk [tilespmem:v38+s15+$0x0], $0xffff;
	v44 =	vsel vm9, v24, v55;
	vm9 =	vlt.f32 v16, v40;
	v16 =	vsel vm11, v19, v62  }
0x14b: {  	v20 =	vor.u32 $0x8, v51;
	v60 =	vld.idx.msk [tilespmem:v63+s15+$0x0], $0xffff;
	v17 =	vsel vm9, v17, v49;
	v61 =	vor.u32 $0x3, v16  }
0x14c: {  	v58 =	vor.u32 $0x4, v46;
	vm9 =	vlt.f32 v0, v28;
	v0 =	vld.idx.msk [tilespmem:v48+s15+$0x0], $0xffff;
	v24 =	vor.u32 $0x3, v17  }
0x14d: {  	vm10 =	vlt.f32 v52, v35;
	v56 =	vor.u32 $0x4, v16;
	v20 =	vsel vm9, v20, v51;
	v25 =	vld.idx.msk [tilespmem:v25+s15+$0x0], $0xffff  }
0x14e: {  	v63 =	vsel vm10, $0x1, v15;
	v62 =	vor.u32 $0x3, v20;
	v26 =	vld.idx.msk [tilespmem:v26+s15+$0x0], $0xffff;
	vm9 =	vlt.f32 v53, v34  }
0x14f: {  	v50 =	vor.u32 $0x4, v17;
	v53 =	vld.idx.msk [tilespmem:v42+s15+$0x0], $0xffff;
	v34 =	vsel vm9, $0x1, v15;
	vm9 =	vlt.f32 v36, v33  }
0x150: {  	v59 =	vadd.s32 v63, v45;
	v35 =	vld.idx.msk [tilespmem:v61+s15+$0x0], $0xffff;
	v63 =	vsel vm9, $0x1, v15;
	vm9 =	vlt.f32 v60, v32  }
0x151: {  	v51 =	vor.u32 $0x4, v18;
	v57 =	vor.u32 $0x4, v20;
	v19 =	vld.idx.msk [tilespmem:v24+s15+$0x0], $0xffff;
	v24 =	vsel vm9, $0x1, v15  }
0x152: {  	v33 =	vld.idx.msk [tilespmem:v44+s15+$0x0], $0xffff;
	v55 =	vadd.s32 v34, v47;
	vm10 =	vlt.f32 v0, v41;
	v0 =	vor.u32 $0x4, v39;
	[tilespmem:$0x1FFF0] =	vst v24  }
0x153: {  	v0 =	vsel vm10, v0, v39;
	v60 =	vadd.s32 v63, v38;
	vm9 =	vlt.f32 v25, v37;
	v25 =	vld.idx.msk [tilespmem:v62+s15+$0x0], $0xffff  }
0x154: {  	s26 =	simm.s32 $0x5EF0;
	v38 =	vld.idx.msk [tilespmem:v14+s15+$0x0], $0xffff;
	v39 =	vsel vm9, v58, v46;
	vm9 =	vlt.f32 v26, v13;
	v26 =	vor.u32 $0x1, v0  }
0x155: {  	v32 =	vld [tilespmem:s26+$0x20];
	v46 =	vor.u32 $0x1, v39;
	v48 =	vor.u32 $0x2, v39;
	v18 =	vsel vm9, v51, v18  }
0x156: {  	v34 =	vld [tilespmem:s26+$0xFFFFFFE0];
	vm9 =	vlt.f32 v53, v31;
	vm10 =	vlt.f32 v35, v29;
	v51 =	vor.u32 $0x1, v18  }
0x157: {  	v31 =	vld [tilespmem:s26+$0xFFFFFFF0];
	v61 =	vsel vm9, $0x1, v15;
	vm11 =	vlt.f32 v19, v40;
	v16 =	vsel vm10, v56, v16  }
0x158: {  	vm9 =	vlt.f32 v33, v30;
	v30 =	vld [tilespmem:s26+$0x0];
	v17 =	vsel vm11, v50, v17;
	v36 =	vor.u32 $0x1, v16  }
0x159: {  	v35 =	vld [tilespmem:s26+$0xFFFFFFD0];
	v49 =	vsel vm9, $0x1, v15;
	v24 =	vor.u32 $0x1, v17;
	vm9 =	vlt.f32 v25, v28  }
0x15a: {  	v52 =	vor.u32 $0x2, v18;
	v45 =	vld.idx.msk [tilespmem:v26+s15+$0x0], $0xffff;
	vm10 =	vlt.f32 v38, v32;
	v20 =	vsel vm9, v57, v20  }
0x15b: {  	v33 =	vld [tilespmem:s26+$0x10];
	vm9 =	vlt.f32 v38, v34;
	v53 =	vsel vm10, $0x10, v15;
	v25 =	vor.u32 $0x1, v20  }
0x15c: {  	v46 =	vld.idx.msk [tilespmem:v46+s15+$0x0], $0xffff;
	v56 =	vsel vm9, $0x10, v15;
	vm9 =	vlt.f32 v38, v31;
	v26 =	vor.u32 $0x7, v53  }
0x15d: {  	v58 =	vor.u32 $0x7, v56;
	v62 =	vsel vm9, $0x10, v15;
	vm9 =	vlt.f32 v38, v30;
	v50 =	vld.idx.msk [tilespmem:v36+s15+$0x0], $0xffff  }
0x15e: {  	v43 =	vmovc v13;
	vm11 =	vlt.f32 v38, v35;
	v13 =	vor.u32 $0x7, v62;
	v21 =	vsel vm9, $0x10, v15;
	v47 =	vld.idx.msk [tilespmem:v24+s15+$0x0], $0xffff  }
0x15f: {  	v51 =	vld.idx.msk [tilespmem:v51+s15+$0x0], $0xffff;
	v36 =	vor.u32 $0x2, v0;
	vm10 =	vlt.f32 v45, v41;
	v45 =	vor.u32 $0x7, v21  }
0x160: {  	v54 =	vsel vm11, $0x10, v15;
	vm9 =	vlt.f32 v38, v33;
	v19 =	vsel vm10, v36, v0;
	v38 =	vld.idx.msk [tilespmem:v25+s15+$0x0], $0xffff  }
0x161: {  	v63 =	vor.u32 $0x8, v56;
	v24 =	vor.u32 $0x7, v54;
	v22 =	vsel vm9, $0x10, v15;
	v57 =	vld.idx.msk [tilespmem:v26+s15+$0x0], $0xffff  }
0x162: {  	v23 =	vor.u32 $0x7, v22;
	v36 =	vor.u32 $0x8, v54;
	vm9 =	vlt.f32 v46, v37;
	v46 =	vld.idx.msk [tilespmem:v58+s15+$0x0], $0xffff  }
0x163: {  	vm11 =	vlt.f32 v50, v29;
	v50 =	vor.u32 $0x2, v17;
	v13 =	vld.idx.msk [tilespmem:v13+s15+$0x0], $0xffff;
	vm12 =	vlt.f32 v47, v40  }
0x164: {  	vm10 =	vlt.f32 v51, v43;
	v47 =	vor.u32 $0x2, v16;
	v25 =	vsel vm12, v50, v17;
	v17 =	vld.idx.msk [tilespmem:v45+s15+$0x0], $0xffff  }
0x165: {  	v27 =	vsel vm9, v48, v39;
	v58 =	vor.u32 $0x8, v62;
	v39 =	vsel vm11, v47, v16;
	v0 =	vld.idx.msk [tilespmem:v19+s15+$0x0], $0xffff  }
0x166: {  	vm9 =	vlt.f32 v38, v28;
	vm12 =	vlt.f32 v57, v32;
	v57 =	vor.u32 $0x8, v53  }
0x167: {  	v38 =	vsel vm10, v52, v18;
	v18 =	vld.idx.msk [tilespmem:v24+s15+$0x0], $0xffff;
	vm10 =	vlt.f32 v46, v34;
	v24 =	vsel vm12, v57, v53  }
0x168: {  	s29 =	simm.s32 $0x6230;
	v16 =	vld.idx.msk [tilespmem:v23+s15+$0x0], $0xffff;
	v47 =	vsel vm10, v63, v56;
	vm10 =	vlt.f32 v13, v31;
	v13 =	vor.u32 $0x3, v24  }
0x169: {  	[tilespmem:s29+$0x20] =	vst v59;
	v51 =	vor.u32 $0x8, v21;
	v50 =	vor.u32 $0x2, v20;
	v45 =	vsel vm10, v58, v62;
	v62 =	vld.idx.msk [tilespmem:v25+s15+$0x0], $0xffff  }
0x16a: {  	[tilespmem:s29+$0xFFFFFFD0] =	vst v55;
	v23 =	vor.u32 $0x3, v47;
	vm11 =	vlt.f32 v17, v30;
	v55 =	vld.idx.msk [tilespmem:v39+s15+$0x0], $0xffff;
	vm10 =	vlt.f32 v0, v41  }
0x16b: {  	[tilespmem:s29+$0xFFFFFFE0] =	vst v60;
	v56 =	vor.u32 $0x3, v45;
	v0 =	vld.idx.msk [tilespmem:v27+s15+$0x0], $0xffff;
	v41 =	vsel vm9, v50, v20;
	v17 =	vsel vm10, $0x1, v15  }
0x16c: {  	s28 =	simm.s32 $0x6290;
	v46 =	vsel vm11, v51, v21;
	vm9 =	vlt.f32 v18, v35;
	v18 =	vld.idx.msk [tilespmem:v38+s15+$0x0], $0xffff;
	v17 =	vadd.s32 v17, v19  }
0x16d: {  	v26 =	vor.u32 $0x8, v22;
	v54 =	vsel vm9, v36, v54;
	vm9 =	vlt.f32 v16, v33;
	v13 =	vld.idx.msk [tilespmem:v13+s15+$0x0], $0xffff;
	[tilespmem:s28+$0x20] =	vst v17  }
0x16e: {  	v19 =	vor.u32 $0x3, v46;
	v53 =	vsel vm9, v26, v22;
	vm9 =	vlt.f32 v62, v40;
	v62 =	vld [tilespmem:$0x1FFE0]  }
0x16f: {  	v52 =	vor.u32 $0x4, v47;
	v48 =	vor.u32 $0x4, v45;
	v16 =	vor.u32 $0x3, v54;
	v63 =	vld [tilespmem:$0x1FFF0]  }
0x170: {  	v58 =	vor.u32 $0x4, v46;
	v57 =	vor.u32 $0x4, v54;
	v20 =	vld.idx.msk [tilespmem:v23+s15+$0x0], $0xffff;
	v17 =	vor.u32 $0x3, v53  }
0x171: {  	v26 =	vadd.s32 v61, v42;
	v60 =	vld.idx.msk [tilespmem:v56+s15+$0x0], $0xffff;
	v36 =	vsel vm9, $0x1, v15;
	vm9 =	vlt.f32 v0, v37  }
0x172: {  	v42 =	vadd.s32 v49, v44;
	[tilespmem:s29+$0x0] =	vst v26;
	v56 =	vor.u32 $0x4, v53;
	v50 =	vld.idx.msk [tilespmem:v41+s15+$0x0], $0xffff;
	v40 =	vsel vm9, $0x1, v15  }
0x173: {  	v0 =	vadd.s32 v36, v25;
	vm9 =	vlt.f32 v18, v43;
	v44 =	vld.idx.msk [tilespmem:v19+s15+$0x0], $0xffff;
	v37 =	vadd.s32 v40, v27  }
0x174: {  	[tilespmem:s28+$0xFFFFFFD0] =	vst v0;
	v49 =	vld.idx.msk [tilespmem:v16+s15+$0x0], $0xffff;
	vm10 =	vlt.f32 v13, v32;
	v13 =	vor.u32 $0x4, v24;
	v21 =	vadd.s32 v63, v62  }
0x175: {  	s0 =	simm.s32 $0xC;
	v36 =	vsel vm9, $0x1, v15;
	vm9 =	vlt.f32 v20, v34;
	v61 =	vld.idx.msk [tilespmem:v17+s15+$0x0], $0xffff;
	v59 =	vsel vm10, v13, v24;
	[tilespmem:s29+$0xFFFFFFF0] =	vst v21  }
.LBB2_7:
0x176: {  	v0 =	vld.idx.msk [tilespmem:v14+s15+$0x0], $0xffff;
	s0 =	sadd.s32 $0x6, s0;
	v13 =	vsel vm9, v52, v47;
	vm9 =	vlt.f32 v60, v31;
	v16 =	vor.u32 $0x1, v59;
	s26 =	sadd.s32 $0x60, s26;
	[tilespmem:s28+$0xFFFFFFE0] =	vst v37  }
0x177: {  	v40 =	vmovc v31;
	v17 =	vld [tilespmem:s26+$0x20];
	p0 =	slt.u32 s0, $0x36;
	v18 =	vor.u32 $0x1, v13;
	v19 =	vor.u32 $0x2, v13;
	v20 =	vsel vm9, v48, v45;
	[tilespmem:s29+$0x10] =	vst v42;
	v42 =	vmovc v35;
	s29 =	smov.u32 s28  }
0x178: {  	v43 =	vmovc v38;
	vm9 =	vlt.f32 v55, v29;
	v29 =	vmovc v30;
	v37 =	vld [tilespmem:s26+$0xFFFFFFE0];
	v21 =	vor.u32 $0x1, v20;
	v22 =	vor.u32 $0x2, v20  }
0x179: {  	vm10 =	vlt.f32 v44, v29;
	v44 =	vsel vm9, $0x1, v15;
	vm9 =	vlt.f32 v50, v28;
	v28 =	vmovc v33;
	v50 =	vmovc v39;
	v31 =	vld [tilespmem:s26+$0xFFFFFFF0]  }
0x17a: {  	v51 =	vmovc v41;
	vm11 =	vlt.f32 v49, v42;
	v23 =	vsel vm10, v58, v46;
	v49 =	vsel vm9, $0x1, v15;
	v30 =	vld [tilespmem:s26+$0x0]  }
0x17b: {  	v24 =	vsel vm11, v57, v54;
	v25 =	vor.u32 $0x1, v23;
	vm9 =	vlt.f32 v61, v28;
	v16 =	vld.idx.msk [tilespmem:v16+s15+$0x0], $0xffff  }
0x17c: {  	v26 =	vor.u32 $0x1, v24;
	v27 =	vsel vm9, v56, v53;
	v33 =	vld [tilespmem:s26+$0x10];
	vm10 =	vlt.f32 v0, v17  }
0x17d: {  	v38 =	vor.u32 $0x1, v27;
	v35 =	vld [tilespmem:s26+$0xFFFFFFD0];
	vm9 =	vlt.f32 v0, v37;
	v39 =	vsel vm10, $0x10, v15  }
0x17e: {  	v41 =	vsel vm9, $0x10, v15;
	vm9 =	vlt.f32 v0, v31;
	v45 =	vor.u32 $0x7, v39;
	v18 =	vld.idx.msk [tilespmem:v18+s15+$0x0], $0xffff  }
0x17f: {  	v46 =	vor.u32 $0x7, v41;
	v48 =	vsel vm9, $0x10, v15;
	vm9 =	vlt.f32 v0, v30;
	v21 =	vld.idx.msk [tilespmem:v21+s15+$0x0], $0xffff  }
0x180: {  	v47 =	vor.u32 $0x8, v41;
	v52 =	vor.u32 $0x7, v48;
	v53 =	vsel vm9, $0x10, v15;
	v25 =	vld.idx.msk [tilespmem:v25+s15+$0x0], $0xffff  }
0x181: {  	vm10 =	vlt.f32 v16, v32;
	v16 =	vor.u32 $0x2, v59;
	vm9 =	vlt.f32 v0, v33;
	v26 =	vld.idx.msk [tilespmem:v26+s15+$0x0], $0xffff  }
0x182: {  	v16 =	vsel vm10, v16, v59;
	vm11 =	vlt.f32 v0, v35;
	v0 =	vsel vm9, $0x10, v15;
	v38 =	vld.idx.msk [tilespmem:v38+s15+$0x0], $0xffff  }
0x183: {  	v55 =	vor.u32 $0x7, v53;
	v54 =	vsel vm11, $0x10, v15;
	v56 =	vor.u32 $0x7, v0;
	v45 =	vld.idx.msk [tilespmem:v45+s15+$0x0], $0xffff  }
0x184: {  	v59 =	vor.u32 $0x8, v48;
	v57 =	vor.u32 $0x7, v54;
	v58 =	vor.u32 $0x8, v54;
	v46 =	vld.idx.msk [tilespmem:v46+s15+$0x0], $0xffff  }
0x185: {  	v60 =	vor.u32 $0x8, v53;
	v61 =	vor.u32 $0x8, v0;
	vm9 =	vlt.f32 v18, v34;
	v52 =	vld.idx.msk [tilespmem:v52+s15+$0x0], $0xffff  }
0x186: {  	v18 =	vor.u32 $0x2, v24;
	vm10 =	vlt.f32 v21, v40;
	vm11 =	vlt.f32 v25, v29  }
0x187: {  	v21 =	vor.u32 $0x2, v23;
	v25 =	vor.u32 $0x2, v27;
	vm12 =	vlt.f32 v26, v42;
	v26 =	vld.idx.msk [tilespmem:v16+s15+$0x0], $0xffff  }
0x188: {  	v13 =	vsel vm9, v19, v13;
	v18 =	vsel vm12, v18, v24;
	vm9 =	vlt.f32 v38, v28;
	v55 =	vld.idx.msk [tilespmem:v55+s15+$0x0], $0xffff  }
0x189: {  	v24 =	vor.u32 $0x8, v39;
	v38 =	vsel vm10, v22, v20;
	vm12 =	vlt.f32 v45, v17;
	v19 =	vld.idx.msk [tilespmem:v57+s15+$0x0], $0xffff  }
0x18a: {  	vm10 =	vlt.f32 v46, v37;
	v22 =	vsel vm12, v24, v39;
	v39 =	vsel vm11, v21, v23;
	v20 =	vld.idx.msk [tilespmem:v56+s15+$0x0], $0xffff  }
0x18b: {  	v47 =	vsel vm10, v47, v41;
	vm10 =	vlt.f32 v52, v31;
	v21 =	vor.u32 $0x3, v22  }
0x18c: {  	v23 =	vor.u32 $0x3, v47;
	v52 =	vor.u32 $0x4, v47;
	v45 =	vsel vm10, v59, v48  }
0x18d: {  	v24 =	vor.u32 $0x3, v45;
	v48 =	vor.u32 $0x4, v45;
	vm10 =	vlt.f32 v26, v32;
	v32 =	vmovc v17;
	v59 =	vld.idx.msk [tilespmem:v18+s15+$0x0], $0xffff  }
0x18e: {  	v41 =	vsel vm9, v25, v27;
	vm11 =	vlt.f32 v55, v30;
	v25 =	vsel vm10, $0x1, v15;
	v17 =	vld.idx.msk [tilespmem:v13+s15+$0x0], $0xffff  }
0x18f: {  	s28 =	sadd.s32 $0x60, s28;
	vm9 =	vlt.f32 v19, v35;
	v46 =	vsel vm11, v60, v53;
	v16 =	vadd.s32 v25, v16;
	v19 =	vld.idx.msk [tilespmem:v38+s15+$0x0], $0xffff  }
0x190: {  	v54 =	vsel vm9, v58, v54;
	v25 =	vor.u32 $0x3, v46;
	vm9 =	vlt.f32 v20, v33;
	v20 =	vld.idx.msk [tilespmem:v21+s15+$0x0], $0xffff;
	[tilespmem:s28+$0x20] =	vst v16  }
0x191: {  	v16 =	vor.u32 $0x3, v54;
	v57 =	vor.u32 $0x4, v54;
	v53 =	vsel vm9, v61, v0;
	v21 =	vld.idx.msk [tilespmem:v23+s15+$0x0], $0xffff  }
0x192: {  	v58 =	vor.u32 $0x4, v46;
	v0 =	vor.u32 $0x3, v53;
	v56 =	vor.u32 $0x4, v53;
	v60 =	vld.idx.msk [tilespmem:v24+s15+$0x0], $0xffff  }
.Ltmp2:
0x193: {  	v23 =	vadd.s32 v36, v43;
	vm9 =	vlt.f32 v59, v42;
	v24 =	vadd.s32 v44, v50;
	v55 =	vld.idx.msk [tilespmem:v39+s15+$0x0], $0xffff;
	(pc) =	sbr.rel @p0 .LBB2_7-.Ltmp2, $4  }
0x194: {  	v42 =	vadd.s32 v49, v51;
	v26 =	vsel vm9, $0x1, v15;
	vm9 =	vlt.f32 v17, v34;
	v50 =	vld.idx.msk [tilespmem:v41+s15+$0x0], $0xffff;
	[tilespmem:s29+$0xFFFFFFF0] =	vst v23  }
0x195: {  	v17 =	vadd.s32 v26, v18;
	v18 =	vsel vm9, $0x1, v15;
	vm9 =	vlt.f32 v19, v40;
	v44 =	vld.idx.msk [tilespmem:v25+s15+$0x0], $0xffff;
	[tilespmem:s29+$0x0] =	vst v24  }
0x196: {  	v34 =	vmovc v37;
	vm10 =	vlt.f32 v20, v32;
	v36 =	vsel vm9, $0x1, v15;
	v49 =	vld.idx.msk [tilespmem:v16+s15+$0x0], $0xffff;
	v16 =	vor.u32 $0x4, v22;
	[tilespmem:s28+$0xFFFFFFD0] =	vst v17  }
0x197: {  	v37 =	vadd.s32 v18, v13;
	vm9 =	vlt.f32 v21, v34;
	v61 =	vld.idx.msk [tilespmem:v0+s15+$0x0], $0xffff;
	v59 =	vsel vm10, v16, v22  }
0x198: {  	_ =	sdelay $0x1  }
0x199: {  	v0 =	vor.u32 $0x1, v59  }
0x19a: {  	vm10 =	vlt.f32 v49, v35  }
0x19b: {  	v13 =	vsel vm10, v57, v54  }
0x19c: {  	v16 =	vsel vm9, v52, v47;
	v17 =	vor.u32 $0x1, v13  }
0x19d: {  	vm9 =	vlt.f32 v60, v31;
	v18 =	vor.u32 $0x1, v16  }
0x19e: {  	v19 =	vsel vm9, v48, v45;
	vm9 =	vlt.f32 v44, v30;
	v0 =	vld.idx.msk [tilespmem:v0+s15+$0x0], $0xffff  }
0x19f: {  	v20 =	vor.u32 $0x1, v19;
	v21 =	vsel vm9, v58, v46;
	vm9 =	vlt.f32 v61, v33  }
0x1a0: {  	v22 =	vor.u32 $0x1, v21;
	v23 =	vsel vm9, v56, v53  }
0x1a1: {  	v24 =	vor.u32 $0x1, v23;
	v17 =	vld.idx.msk [tilespmem:v17+s15+$0x0], $0xffff  }
0x1a2: {  	v18 =	vld.idx.msk [tilespmem:v18+s15+$0x0], $0xffff  }
0x1a3: {  	vm9 =	vlt.f32 v0, v32;
	v0 =	vor.u32 $0x2, v59  }
0x1a4: {  	v20 =	vld.idx.msk [tilespmem:v20+s15+$0x0], $0xffff;
	v0 =	vsel vm9, v0, v59  }
0x1a5: {  	v22 =	vld.idx.msk [tilespmem:v22+s15+$0x0], $0xffff  }
0x1a6: {  	v25 =	vor.u32 $0x2, v13;
	v24 =	vld.idx.msk [tilespmem:v24+s15+$0x0], $0xffff;
	vm9 =	vlt.f32 v17, v35  }
0x1a7: {  	vm10 =	vlt.f32 v18, v34;
	v17 =	vor.u32 $0x2, v16;
	v13 =	vsel vm9, v25, v13  }
0x1a8: {  	v16 =	vsel vm10, v17, v16  }
0x1a9: {  	v17 =	vor.u32 $0x2, v19;
	vm9 =	vlt.f32 v20, v31;
	v52 =	vld.idx.msk [tilespmem:v0+s15+$0x0], $0xffff  }
0x1aa: {  	v53 =	vor.u32 $0x2, v21;
	vm10 =	vlt.f32 v22, v30;
	v17 =	vsel vm9, v17, v19  }
0x1ab: {  	v54 =	vor.u32 $0x2, v23;
	vm9 =	vlt.f32 v24, v33;
	v20 =	vsel vm10, v53, v21  }
0x1ac: {  	v19 =	vsel vm9, v54, v23;
	v56 =	vld.idx.msk [tilespmem:v13+s15+$0x0], $0xffff  }
0x1ad: {  	v57 =	vld.idx.msk [tilespmem:v16+s15+$0x0], $0xffff  }
0x1ae: {  	vm9 =	vlt.f32 v52, v32  }
0x1af: {  	[tilespmem:s28+$0xFFFFFFE0] =	vst v37;
	v18 =	vsel vm9, $0x1, v15;
	v58 =	vld.idx.msk [tilespmem:v17+s15+$0x0], $0xffff  }
0x1b0: {  	[tilespmem:s29+$0x10] =	vst v42;
	s1 =	sadd.s32 $0x60, s28;
	vm9 =	vlt.f32 v55, v29;
	v59 =	vld.idx.msk [tilespmem:v20+s15+$0x0], $0xffff;
	v0 =	vadd.s32 v18, v0  }
0x1b1: {  	v60 =	vsel vm9, $0x1, v15;
	v61 =	vld.idx.msk [tilespmem:v19+s15+$0x0], $0xffff;
	[tilespmem:s1+$0x20] =	vst v0;
	v0 =	vadd.s32 v36, v38;
	vm9 =	vlt.f32 v56, v35  }
0x1b2: {  	v24 =	vadd.s32 v60, v39;
	[tilespmem:s28+$0xFFFFFFF0] =	vst v0;
	v62 =	vsel vm9, $0x1, v15;
	vm9 =	vlt.f32 v57, v34  }
0x1b3: {  	vm10 =	vlt.f32 v50, v28;
	[tilespmem:s28+$0x0] =	vst v24;
	v0 =	vadd.s32 v62, v13;
	v13 =	vsel vm9, $0x1, v15  }
0x1b4: {  	v63 =	vsel vm10, $0x1, v15;
	vm9 =	vlt.f32 v58, v31;
	[tilespmem:s1+$0xFFFFFFD0] =	vst v0;
	v0 =	vadd.s32 v13, v16  }
0x1b5: {  	v13 =	vadd.s32 v63, v41;
	v16 =	vsel vm9, $0x1, v15;
	vm9 =	vlt.f32 v59, v30;
	[tilespmem:s1+$0xFFFFFFE0] =	vst v0  }
0x1b6: {  	[tilespmem:s28+$0x10] =	vst v13;
	v0 =	vsel vm9, $0x1, v15;
	vm9 =	vlt.f32 v61, v33;
	v13 =	vadd.s32 v16, v17  }
0x1b7: {  	v16 =	vsel vm9, $0x1, v15;
	v0 =	vadd.s32 v0, v20;
	[tilespmem:s1+$0xFFFFFFF0] =	vst v13  }
0x1b8: {  	v13 =	vadd.s32 v16, v19;
	[tilespmem:s1+$0x0] =	vst v0  }
0x1b9: {  	s0 =	simm.s32 $0x0;
	[tilespmem:s1+$0x10] =	vst v13  }
.LBB2_9:
0x1ba: {  	s1 =	sshra.s32 s0, $0x2;
	v13 =	vld.idx.msk [tilespmem:v14+s15+$0x0], $0xffff  }
0x1bb: {  	v0 =	vld [tilespmem:s1+$0x61C0];
	_ =	sdelay $0x4  }
0x1bc: {  	vm9 =	vlt.f32 v13, v0  }
0x1bd: {  	v13 =	vsel vm9, $0x10, v15  }
0x1be: {  	v16 =	vor.u32 $0x7, v13;
	_ =	sdelay $0x4  }
0x1bf: {  	v16 =	vld.idx.msk [tilespmem:v16+s15+$0x0], $0xffff;
	_ =	sdelay $0x4  }
0x1c0: {  	vm9 =	vlt.f32 v16, v0;
	v16 =	vor.u32 $0x8, v13  }
0x1c1: {  	v13 =	vsel vm9, v16, v13  }
0x1c2: {  	v16 =	vor.u32 $0x3, v13;
	_ =	sdelay $0x4  }
0x1c3: {  	v16 =	vld.idx.msk [tilespmem:v16+s15+$0x0], $0xffff;
	_ =	sdelay $0x4  }
0x1c4: {  	vm9 =	vlt.f32 v16, v0;
	v16 =	vor.u32 $0x4, v13  }
0x1c5: {  	v13 =	vsel vm9, v16, v13  }
0x1c6: {  	v16 =	vor.u32 $0x1, v13;
	_ =	sdelay $0x4  }
0x1c7: {  	v16 =	vld.idx.msk [tilespmem:v16+s15+$0x0], $0xffff;
	_ =	sdelay $0x4  }
0x1c8: {  	vm9 =	vlt.f32 v16, v0;
	v16 =	vor.u32 $0x2, v13  }
0x1c9: {  	v13 =	vsel vm9, v16, v13;
	_ =	sdelay $0x4  }
0x1ca: {  	v16 =	vld.idx.msk [tilespmem:v13+s15+$0x0], $0xffff;
	_ =	sdelay $0x2  }
0x1cb: {  	p0 =	sne.s32 s0, $0x40  }
.Ltmp3:
0x1cc: {  	_ = 	snop;
	(pc) =	sbr.rel @p0 .LBB2_9-.Ltmp3, $4  }
0x1cd: {  	vm9 =	vlt.f32 v16, v0  }
0x1ce: {  	v0 =	vsel vm9, $0x1, v15  }
0x1cf: {  	v0 =	vadd.s32 v0, v13  }
0x1d0: {  	s0 =	sadd.s32 $0x40, s0;
	[tilespmem:s1+$0x65C0] =	vst v0  }
0x1d1: {  	_ =	sdelay $0x2  }
0x1d2: {  	v0 =	vld [tilespmem:$0x61E0]  }
0x1d3: {  	v13 =	vld.idx.msk [tilespmem:v14+s15+$0x0], $0xffff;
	_ =	sdelay $0x4  }
0x1d4: {  	vm9 =	vlt.f32 v13, v0  }
0x1d5: {  	v13 =	vsel vm9, $0x10, v15  }
0x1d6: {  	v16 =	vor.u32 $0x7, v13;
	_ =	sdelay $0x4  }
0x1d7: {  	v16 =	vld.idx.msk [tilespmem:v16+s15+$0x0], $0xffff;
	_ =	sdelay $0x4  }
0x1d8: {  	vm9 =	vlt.f32 v16, v0;
	v16 =	vor.u32 $0x8, v13  }
0x1d9: {  	v13 =	vsel vm9, v16, v13  }
0x1da: {  	v16 =	vor.u32 $0x3, v13;
	_ =	sdelay $0x4  }
0x1db: {  	v16 =	vld.idx.msk [tilespmem:v16+s15+$0x0], $0xffff;
	_ =	sdelay $0x4  }
0x1dc: {  	vm9 =	vlt.f32 v16, v0;
	v16 =	vor.u32 $0x4, v13  }
0x1dd: {  	v13 =	vsel vm9, v16, v13  }
0x1de: {  	v16 =	vor.u32 $0x1, v13;
	_ =	sdelay $0x4  }
0x1df: {  	v16 =	vld.idx.msk [tilespmem:v16+s15+$0x0], $0xffff;
	_ =	sdelay $0x4  }
0x1e0: {  	vm9 =	vlt.f32 v16, v0;
	v16 =	vor.u32 $0x2, v13  }
0x1e1: {  	v13 =	vsel vm9, v16, v13;
	_ =	sdelay $0x4  }
0x1e2: {  	v16 =	vld.idx.msk [tilespmem:v13+s15+$0x0], $0xffff;
	_ =	sdelay $0x1  }
0x1e3: {  	v17 =	vlaneseq.u32  }
0x1e4: {  	v17 =	vor.u32 $0x3E0, v17;
	_ =	sdelay $0x1  }
0x1e5: {  	vm9 =	vlt.f32 v16, v0  }
0x1e6: {  	s0 =	sshll.u32 s24, $0x7;
	v0 =	vsel vm9, $0x1, v15  }
0x1e7: {  	s1 =	sadd.s32 s6, s25;
	s0 =	sand.u32 $0x7FC00, s0;
	v0 =	vadd.s32 v0, v13  }
0x1e8: {  	s24 =	sor.u32 s4, s23;
	p0 =	seq.s32 s22, $0x3F;
	s0 =	sadd.s32 s0, s1;
	[tilespmem:v17+s16+$0x0] =	vst.idx.msk $0xff, v0  }
0x1e9: {  	[hbm4b:s0+s9] =	stream.strided.scatter [tilespmem:s16], [sflag:$0x3], $0x400, s10, s9, $0x38;
	[tilespmem:$0x6B00] =	vst v63  }
0x1ea: {  	s0 =	sadd.s32 @!p0 $0x1, s24  }
0x1eb: {  	s1 =	sshrl.u32 @!p0 s0, $0x3  }
0x1ec: {  	s0 =	sshll.u32 @!p0 s0, $0x7;
	s1 =	smul.u32 @!p0 $0x17800, s1  }
0x1ed: {  	p1 =	seq.s32 @!p0 s22, $0x0;
	[tilespmem:$0x1FF10] =	vst v17;
	s0 =	sand.u32 @!p0 $0x300, s0  }
0x1ee: {  	s25 =	simm.s32 @!p0 $0x400;
	_ =	swait.ge [sflag:s17], $0x2F00;
	s0 =	sor.u32 @!p0 s0, s1  }
0x1ef: {  	s26 =	simm.s32 @!p0 $0x0;
	[sflag:s17] =	ssyncset.done $0x0;
	s0 =	sshrl.u32 @!p0 s0, $0x3  }
0x1f0: {  	[sflag:s17] =	ssyncadd.s32 $0xFFFFD100;
	s1 =	simm.s32 @!p0 $0x80;
	s0 =	sadd.s32 @!p0 s5, s0  }
0x1f1: {  	[tilespmem:s26], [sflag:$0x1] =	stream.strided.gather @!p0 [hbm4b:s0+s1], $0x2F00, s25, s1, $0x38;
	[tilespmem:$0x6B00] =	vst v63  }
0x1f2: {  	p0 =	por p0, !p1  }
0x1f3: {  	_ =	swait.ge @p0 [sflag:s20], $0x400  }
0x1f4: {  	[sflag:s20] =	ssyncset.done @p0 $0x0  }
0x1f5: {  	s25 =	simm.s32 $0x2F00;
	[sflag:s20] =	ssyncadd.s32 @p0 $0xFFFFFC00  }
0x1f6: {  	v13 =	vld.idx.msk [tilespmem:v8+s25+$0x180], $0xffff  }
0x1f7: {  	v16 =	vld.idx.msk [tilespmem:v7+s25+$0x180], $0xffff  }
0x1f8: {  	v17 =	vld.idx.msk [tilespmem:v6+s25+$0x180], $0xffff  }
0x1f9: {  	v18 =	vld.idx.msk [tilespmem:v5+s25+$0x180], $0xffff  }
0x1fa: {  	v19 =	vld.idx.msk [tilespmem:v4+s25+$0x180], $0xffff  }
0x1fb: {  	v20 =	vld.idx.msk [tilespmem:v3+s25+$0x180], $0xffff  }
0x1fc: {  	v22 =	vld.idx.msk [tilespmem:v12+s25+$0xC0], $0xffff  }
0x1fd: {  	v23 =	vld.idx.msk [tilespmem:v11+s25+$0xC0], $0xffff  }
0x1fe: {  	v24 =	vld.idx.msk [tilespmem:v8+s25+$0xC0], $0xffff  }
0x1ff: {  	v25 =	vld.idx.msk [tilespmem:v7+s25+$0xC0], $0xffff  }
0x200: {  	v29 =	vld.idx.msk [tilespmem:v6+s25+$0xC0], $0xffff  }
0x201: {  	v31 =	vld.idx.msk [tilespmem:v5+s25+$0xC0], $0xffff  }
0x202: {  	v33 =	vld.idx.msk [tilespmem:v4+s25+$0xC0], $0xffff  }
0x203: {  	v58 =	vld.idx.msk [tilespmem:v3+s25+$0xC0], $0xffff  }
0x204: {  	v36 =	vld.idx.msk [tilespmem:v12+s25+$0x0], $0xffff  }
0x205: {  	v38 =	vld.idx.msk [tilespmem:v11+s25+$0x0], $0xffff  }
0x206: {  	v61 =	vld.idx.msk [tilespmem:v8+s25+$0x0], $0xffff;
	v26 =	vmul.f32 v13, v13;
	v27 =	vmul.f32 v16, v16;
	v13 =	vadd.f32 v13, v16  }
0x207: {  	v39 =	vld.idx.msk [tilespmem:v7+s25+$0x0], $0xffff;
	v16 =	vmul.f32 v17, v17;
	v30 =	vmul.f32 v18, v18;
	v17 =	vadd.f32 v17, v18  }
0x208: {  	v41 =	vld.idx.msk [tilespmem:v6+s25+$0x0], $0xffff;
	v57 =	vmul.f32 v19, v19;
	v32 =	vmul.f32 v20, v20;
	v19 =	vadd.f32 v19, v20  }
0x209: {  	v62 =	vld.idx.msk [tilespmem:v5+s25+$0x0], $0xffff;
	v34 =	vadd.f32 v24, v25;
	v35 =	vmul.f32 v22, v22;
	v60 =	vmul.f32 v31, v31  }
0x20a: {  	v44 =	vld.idx.msk [tilespmem:v10+s25+$0x0], $0xffff;
	v37 =	vmul.f32 v29, v29;
	v25 =	vmul.f32 v25, v25;
	v29 =	vadd.f32 v29, v31  }
0x20b: {  	v55 =	vld.idx.msk [tilespmem:v9+s25+$0x0], $0xffff;
	v24 =	vmul.f32 v24, v24;
	v31 =	vadd.f32 v33, v58;
	v20 =	vmul.f32 v58, v58  }
0x20c: {  	v59 =	vld.idx.msk [tilespmem:v1+s25+$0xC0], $0xffff;
	v33 =	vmul.f32 v33, v33;
	v52 =	vmul.f32 v38, v38;
	v22 =	vadd.f32 v22, v23  }
0x20d: {  	v42 =	vadd.f32 v61, v39;
	v39 =	vmul.f32 v39, v39;
	v26 =	vadd.f32 v26, v27;
	v27 =	vld.idx.msk [tilespmem:v2+s25+$0xC0], $0xffff  }
0x20e: {  	v43 =	vmul.f32 v36, v36;
	v45 =	vmul.f32 v41, v41;
	v56 =	vadd.f32 v41, v62  }
0x20f: {  	v36 =	vadd.f32 v36, v38;
	v49 =	vmul.f32 v44, v44;
	v16 =	vadd.f32 v16, v30  }
0x210: {  	v21 =	vld.idx.msk [tilespmem:v2+s25+$0x180], $0xffff;
	v50 =	vmul.f32 v55, v55;
	v18 =	vadd.f32 v57, v32;
	v13 =	vadd.f32 v13, v17  }
0x211: {  	v63 =	vld.idx.msk [tilespmem:v4+s25+$0x0], $0xffff;
	v34 =	vadd.f32 v34, v29;
	v32 =	vmul.f32 v59, v59;
	v24 =	vadd.f32 v24, v25  }
0x212: {  	v54 =	vld.idx.msk [tilespmem:v3+s25+$0x0], $0xffff;
	v20 =	vadd.f32 v33, v20;
	v40 =	vadd.f32 v27, v59;
	v27 =	vmul.f32 v27, v27  }
0x213: {  	v46 =	vld.idx.msk [tilespmem:v9+s25+$0xC0], $0xffff;
	v30 =	vmul.f32 v23, v23;
	v43 =	vadd.f32 v43, v52;
	v16 =	vadd.f32 v26, v16  }
0x214: {  	v26 =	vadd.f32 v37, v60;
	v37 =	vmul.f32 v61, v61;
	v61 =	vld.idx.msk [tilespmem:v1+s25+$0x180], $0xffff;
	v27 =	vadd.f32 v27, v32  }
0x215: {  	v17 =	vld.idx.msk [tilespmem:v1+s25+$0x0], $0xffff;
	v29 =	vimm.f32 $0.0e+00;
	v33 =	vadd.f32 v42, v56;
	v30 =	vadd.f32 v35, v30  }
0x216: {  	v57 =	vmul.f32 v62, v62;
	v53 =	vadd.f32 v31, v40;
	v20 =	vadd.f32 v20, v27;
	v27 =	vld.idx.msk [tilespmem:v2+s25+$0x0], $0xffff  }
0x217: {  	v58 =	vld.idx.msk [tilespmem:v10+s25+$0xC0], $0xffff;
	v60 =	vmul.f32 v54, v54;
	v24 =	vadd.f32 v24, v26;
	v37 =	vadd.f32 v37, v39  }
0x218: {  	v62 =	vld.idx.msk [tilespmem:v9+s25+$0x180], $0xffff;
	v59 =	vmul.f32 v63, v63;
	v32 =	vadd.f32 v63, v54;
	v23 =	vadd.f32 v34, v53  }
0x219: {  	v48 =	vld.idx.msk [tilespmem:v10+s25+$0x180], $0xffff;
	v25 =	vmul.f32 v21, v21;
	v34 =	vadd.f32 v45, v57;
	v57 =	vadd.f32 v21, v61  }
0x21a: {  	v0 =	vld.idx.msk [tilespmem:v12+s25+$0x180], $0xffff;
	v42 =	vmul.f32 v46, v46;
	v31 =	vadd.f32 v24, v20;
	v24 =	vadd.f32 v59, v60  }
0x21b: {  	v56 =	vld.idx.msk [tilespmem:v7+s25+$0x240], $0xffff;
	v47 =	vadd.f32 v27, v17;
	v17 =	vmul.f32 v17, v17;
	v27 =	vmul.f32 v27, v27  }
0x21c: {  	v41 =	vmul.f32 v58, v58;
	v63 =	vld.idx.msk [tilespmem:v8+s25+$0x240], $0xffff;
	v20 =	vadd.f32 v44, v55;
	v34 =	vadd.f32 v37, v34  }
0x21d: {  	v35 =	vld.idx.msk [tilespmem:v1+s25+$0x240], $0xffff;
	v39 =	vmul.f32 v62, v62;
	v60 =	vadd.f32 v49, v50;
	v17 =	vadd.f32 v27, v17  }
0x21e: {  	v53 =	vld.idx.msk [tilespmem:v4+s25+$0x240], $0xffff;
	v59 =	vmul.f32 v48, v48;
	v19 =	vadd.f32 v19, v57;
	v40 =	vadd.f32 v36, v20  }
0x21f: {  	v49 =	vld.idx.msk [tilespmem:v6+s25+$0x240], $0xffff;
	v17 =	vadd.f32 v24, v17;
	v24 =	vadd.f32 v58, v46;
	v58 =	vmul.f32 v61, v61  }
0x220: {  	v26 =	vmul.f32 v0, v0;
	v50 =	vadd.f32 v59, v39;
	v27 =	vld.idx.msk [tilespmem:v11+s25+$0x180], $0xffff;
	v44 =	vadd.f32 v32, v47  }
0x221: {  	v47 =	vld.idx.msk [tilespmem:v3+s25+$0x240], $0xffff;
	v46 =	vadd.f32 v48, v62;
	v61 =	vmul.f32 v63, v63;
	v21 =	vadd.f32 v25, v58  }
0x222: {  	v48 =	vadd.f32 v63, v56;
	v63 =	vmul.f32 v56, v56;
	v17 =	vadd.f32 v34, v17;
	v34 =	vld.idx.msk [tilespmem:v2+s25+$0x240], $0xffff  }
0x223: {  	v54 =	vadd.f32 v13, v19;
	v36 =	vmul.f32 v53, v53;
	v18 =	vadd.f32 v18, v21  }
0x224: {  	v51 =	vld.idx.msk [tilespmem:v5+s25+$0x240], $0xffff;
	v55 =	vmul.f32 v49, v49;
	v62 =	vadd.f32 v43, v60;
	v45 =	vadd.f32 v61, v63  }
0x225: {  	v32 =	vadd.f32 v0, v27;
	v0 =	vmul.f32 v27, v27;
	v43 =	vadd.f32 v16, v18  }
0x226: {  	s31 =	sshll.u32 s23, $0x4;
	v58 =	vmul.f32 v35, v35;
	v16 =	vadd.f32 v62, v17;
	v17 =	vadd.f32 v22, v24  }
0x227: {  	s29 =	simm.s32 $0x0;
	s28 =	simm.s32 $0x5E20;
	s23 =	sand.u32 $0x70, s31;
	v52 =	vld.idx.msk [tilespmem:v12+s25+$0x240], $0xffff;
	v37 =	vadd.f32 v53, v47;
	v56 =	vadd.f32 v26, v0;
	v57 =	vmul.f32 v34, v34  }
0x228: {  	s1 =	simm.s32 $0x5E20;
	s26 =	simm.s32 $0x5C00;
	s0 =	simm.s32 $0x2F00;
	v39 =	vmul.f32 v47, v47;
	v53 =	vld.idx.msk [tilespmem:v11+s25+$0x240], $0xffff;
	v38 =	vadd.f32 v16, v29;
	v47 =	vadd.f32 v17, v23  }
.LBB2_11:
0x229: {  	s29 =	sadd.s32 $0x4, s29;
	v0 =	vadd.f32 v41, v42;
	v13 =	vld.idx.msk [tilespmem:v10+s25+$0x240], $0xffff;
	v16 =	vmul.f32 v51, v51;
	v17 =	vadd.f32 v57, v58;
	s0 =	sadd.s32 $0x300, s0;
	s1 =	sadd.s32 $0x40, s1  }
0x22a: {  	v18 =	vadd.f32 v33, v44;
	v19 =	vadd.f32 v32, v46;
	p0 =	slt.u32 s29, $0x38;
	v20 =	vld.idx.msk [tilespmem:v9+s25+$0x240], $0xffff;
	s25 =	smov.u32 s0  }
0x22b: {  	v21 =	vadd.f32 v49, v51;
	v32 =	vld.idx.msk [tilespmem:v12+s0+$0x180], $0xffff;
	v0 =	vadd.f32 v30, v0;
	[tilespmem:s28+$0xFFFFFFF0] =	vst v47  }
0x22c: {  	v18 =	vadd.f32 v40, v18;
	v19 =	vadd.f32 v19, v54;
	v22 =	vld.idx.msk [tilespmem:v8+s0+$0x180], $0xffff  }
0x22d: {  	v24 =	vadd.f32 v56, v50;
	v21 =	vadd.f32 v48, v21;
	v25 =	vmul.f32 v52, v52;
	v23 =	vld.idx.msk [tilespmem:v7+s0+$0x180], $0xffff  }
0x22e: {  	v16 =	vadd.f32 v55, v16;
	v27 =	vadd.f32 v52, v53;
	v26 =	vld.idx.msk [tilespmem:v6+s0+$0x180], $0xffff;
	[tilespmem:s28+$0x0] =	vst v19  }
0x22f: {  	v29 =	vadd.f32 v18, v29;
	v0 =	vadd.f32 v0, v31;
	v31 =	vmul.f32 v53, v53;
	v30 =	vld.idx.msk [tilespmem:v5+s0+$0x180], $0xffff  }
0x230: {  	v24 =	vadd.f32 v24, v43;
	v16 =	vadd.f32 v45, v16;
	v40 =	vmul.f32 v20, v20;
	v33 =	vld.idx.msk [tilespmem:v4+s0+$0x180], $0xffff  }
0x231: {  	v39 =	vadd.f32 v36, v39;
	v42 =	vmul.f32 v13, v13;
	v29 =	vadd.f32 v47, v29;
	v41 =	vld.idx.msk [tilespmem:v3+s0+$0x180], $0xffff  }
0x232: {  	v13 =	vadd.f32 v13, v20;
	v20 =	vadd.f32 v25, v31;
	v43 =	vmul.f32 v22, v22;
	v36 =	vld.idx.msk [tilespmem:v2+s0+$0x180], $0xffff  }
0x233: {  	v31 =	vadd.f32 v34, v35;
	v22 =	vadd.f32 v22, v23;
	v23 =	vmul.f32 v23, v23;
	v25 =	vld.idx.msk [tilespmem:v12+s0+$0xC0], $0xffff  }
0x234: {  	v17 =	vadd.f32 v39, v17;
	v0 =	vadd.f32 v0, v38;
	v44 =	vmul.f32 v26, v26;
	v35 =	vld.idx.msk [tilespmem:v11+s0+$0xC0], $0xffff  }
0x235: {  	v34 =	vadd.f32 v42, v40;
	v26 =	vadd.f32 v26, v30;
	v30 =	vmul.f32 v30, v30;
	v45 =	vld.idx.msk [tilespmem:v8+s0+$0xC0], $0xffff  }
0x236: {  	v31 =	vadd.f32 v37, v31;
	v23 =	vadd.f32 v43, v23;
	v38 =	vmul.f32 v33, v33;
	v40 =	vld.idx.msk [tilespmem:v7+s0+$0xC0], $0xffff  }
0x237: {  	v20 =	vadd.f32 v20, v34;
	v37 =	vadd.f32 v33, v41;
	v33 =	vmul.f32 v41, v41;
	v42 =	vld.idx.msk [tilespmem:v6+s0+$0xC0], $0xffff  }
0x238: {  	v16 =	vadd.f32 v16, v17;
	v30 =	vadd.f32 v44, v30;
	v34 =	vmul.f32 v36, v36;
	v41 =	vld.idx.msk [tilespmem:v5+s0+$0xC0], $0xffff  }
0x239: {  	v39 =	vadd.f32 v38, v33;
	v17 =	vld.idx.msk [tilespmem:v4+s0+$0xC0], $0xffff;
	[tilespmem:s28+$0xFFFFFFE0] =	vst v18;
	v18 =	vadd.f32 v21, v31  }
0x23a: {  	v0 =	vadd.f32 v24, v0;
	v16 =	vadd.f32 v20, v16;
	v31 =	vmul.f32 v35, v35;
	v21 =	vld.idx.msk [tilespmem:v3+s0+$0xC0], $0xffff  }
0x23b: {  	v19 =	vadd.f32 v19, v29;
	v13 =	vadd.f32 v27, v13;
	v20 =	vld.idx.msk [tilespmem:v2+s0+$0xC0], $0xffff  }
0x23c: {  	v33 =	vmul.f32 v25, v25;
	v38 =	vadd.f32 v16, v0;
	v27 =	vadd.f32 v45, v40;
	v24 =	vld.idx.msk [tilespmem:v1+s0+$0xC0], $0xffff  }
0x23d: {  	v23 =	vadd.f32 v23, v30;
	v16 =	vmul.f32 v40, v40;
	v13 =	vadd.f32 v13, v18;
	v0 =	vld.idx.msk [tilespmem:v12+s0+$0x0], $0xffff  }
0x23e: {  	v30 =	vadd.f32 v42, v41;
	v40 =	vmul.f32 v41, v41;
	v41 =	vmul.f32 v42, v42;
	v18 =	vld.idx.msk [tilespmem:v11+s0+$0x0], $0xffff  }
0x23f: {  	v22 =	vadd.f32 v22, v26;
	v43 =	vmul.f32 v45, v45;
	v29 =	vadd.f32 v13, v19;
	v42 =	vld.idx.msk [tilespmem:v1+s0+$0x0], $0xffff  }
0x240: {  	v26 =	vadd.f32 v17, v21;
	v40 =	vadd.f32 v41, v40;
	v19 =	vld.idx.msk [tilespmem:v8+s0+$0x0], $0xffff;
	[tilespmem:s28+$0x10] =	vst v13;
	s28 =	smov.u32 s1  }
0x241: {  	v27 =	vadd.f32 v27, v30;
	v21 =	vmul.f32 v21, v21;
	v17 =	vmul.f32 v17, v17;
	v13 =	vld.idx.msk [tilespmem:v7+s0+$0x0], $0xffff  }
0x242: {  	v44 =	vadd.f32 v20, v24;
	v24 =	vmul.f32 v24, v24;
	v20 =	vmul.f32 v20, v20;
	v41 =	vld.idx.msk [tilespmem:v6+s0+$0x0], $0xffff  }
0x243: {  	v16 =	vadd.f32 v43, v16;
	v30 =	vadd.f32 v33, v31;
	v45 =	vld.idx.msk [tilespmem:v5+s0+$0x0], $0xffff  }
0x244: {  	v17 =	vadd.f32 v17, v21;
	v33 =	vmul.f32 v18, v18;
	v20 =	vadd.f32 v20, v24;
	v43 =	vld.idx.msk [tilespmem:v4+s0+$0x0], $0xffff  }
0x245: {  	v24 =	vadd.f32 v25, v35;
	v25 =	vadd.f32 v26, v44;
	v21 =	vld.idx.msk [tilespmem:v3+s0+$0x0], $0xffff  }
0x246: {  	v16 =	vadd.f32 v16, v40;
	v17 =	vadd.f32 v17, v20;
	v20 =	vmul.f32 v32, v32;
	v26 =	vld.idx.msk [tilespmem:v2+s0+$0x0], $0xffff  }
0x247: {  	v44 =	vmul.f32 v0, v0;
	v40 =	vadd.f32 v19, v13;
	v13 =	vmul.f32 v13, v13;
	v35 =	vld.idx.msk [tilespmem:v10+s0+$0x0], $0xffff  }
0x248: {  	v25 =	vadd.f32 v27, v25;
	v47 =	vmul.f32 v41, v41;
	v31 =	vadd.f32 v16, v17;
	v46 =	vld.idx.msk [tilespmem:v9+s0+$0x0], $0xffff  }
0x249: {  	v27 =	vadd.f32 v44, v33;
	v16 =	vadd.f32 v41, v45;
	v17 =	vmul.f32 v45, v45;
	v44 =	vld.idx.msk [tilespmem:v10+s0+$0xC0], $0xffff  }
0x24a: {  	v0 =	vadd.f32 v0, v18;
	v19 =	vmul.f32 v19, v19;
	v18 =	vmul.f32 v43, v43;
	v45 =	vld.idx.msk [tilespmem:v9+s0+$0xC0], $0xffff  }
0x24b: {  	v33 =	vadd.f32 v40, v16;
	v16 =	vmul.f32 v21, v21;
	v17 =	vadd.f32 v47, v17;
	v47 =	vld.idx.msk [tilespmem:v1+s0+$0x180], $0xffff  }
0x24c: {  	v40 =	vmul.f32 v42, v42;
	v48 =	vadd.f32 v26, v42;
	v26 =	vmul.f32 v26, v26;
	v49 =	vld.idx.msk [tilespmem:v10+s0+$0x180], $0xffff  }
0x24d: {  	v13 =	vadd.f32 v19, v13;
	v21 =	vadd.f32 v43, v21;
	v43 =	vmul.f32 v35, v35;
	v19 =	vld.idx.msk [tilespmem:v9+s0+$0x180], $0xffff  }
0x24e: {  	v16 =	vadd.f32 v18, v16;
	v50 =	vmul.f32 v46, v46;
	v26 =	vadd.f32 v26, v40;
	v18 =	vld.idx.msk [tilespmem:v11+s0+$0x180], $0xffff  }
0x24f: {  	v13 =	vadd.f32 v13, v17;
	v35 =	vadd.f32 v35, v46;
	v41 =	vmul.f32 v44, v44;
	v17 =	vld.idx.msk [tilespmem:v8+s0+$0x240], $0xffff  }
0x250: {  	v16 =	vadd.f32 v16, v26;
	v26 =	vadd.f32 v44, v45;
	v42 =	vmul.f32 v45, v45;
	v45 =	vld.idx.msk [tilespmem:v7+s0+$0x240], $0xffff  }
0x251: {  	v40 =	vadd.f32 v0, v35;
	v0 =	vadd.f32 v36, v47;
	v35 =	vmul.f32 v47, v47;
	v47 =	vld.idx.msk [tilespmem:v4+s0+$0x240], $0xffff  }
0x252: {  	v44 =	vadd.f32 v21, v48;
	v13 =	vadd.f32 v13, v16;
	v16 =	vmul.f32 v49, v49;
	v21 =	vld.idx.msk [tilespmem:v3+s0+$0x240], $0xffff  }
0x253: {  	v46 =	vadd.f32 v49, v19;
	v19 =	vmul.f32 v19, v19;
	v36 =	vadd.f32 v34, v35;
	v34 =	vld.idx.msk [tilespmem:v2+s0+$0x240], $0xffff  }
0x254: {  	v43 =	vadd.f32 v43, v50;
	v32 =	vadd.f32 v32, v18;
	v18 =	vmul.f32 v18, v18;
	v35 =	vld.idx.msk [tilespmem:v1+s0+$0x240], $0xffff  }
0x255: {  	v0 =	vadd.f32 v37, v0;
	v36 =	vadd.f32 v39, v36;
	v37 =	vmul.f32 v17, v17;
	v49 =	vld.idx.msk [tilespmem:v6+s0+$0x240], $0xffff  }
0x256: {  	v27 =	vadd.f32 v27, v43;
	v48 =	vadd.f32 v17, v45;
	v17 =	vmul.f32 v45, v45;
	v51 =	vld.idx.msk [tilespmem:v5+s0+$0x240], $0xffff  }
.Ltmp4:
0x257: {  	v50 =	vadd.f32 v16, v19;
	v43 =	vadd.f32 v23, v36;
	v36 =	vmul.f32 v47, v47;
	(pc) =	sbr.rel @p0 .LBB2_11-.Ltmp4, $4  }
0x258: {  	v13 =	vadd.f32 v27, v13;
	v39 =	vmul.f32 v21, v21;
	v45 =	vadd.f32 v37, v17  }
0x259: {  	v16 =	vadd.f32 v24, v26;
	v54 =	vadd.f32 v22, v0;
	v57 =	vmul.f32 v34, v34  }
0x25a: {  	v38 =	vadd.f32 v13, v38;
	v37 =	vadd.f32 v47, v21;
	v58 =	vmul.f32 v35, v35;
	v52 =	vld.idx.msk [tilespmem:v12+s0+$0x240], $0xffff  }
0x25b: {  	s30 =	simm.s32 $0x0;
	v56 =	vadd.f32 v20, v18;
	v47 =	vadd.f32 v16, v25;
	v55 =	vmul.f32 v49, v49;
	v53 =	vld.idx.msk [tilespmem:v11+s0+$0x240], $0xffff  }
0x25c: {  	v0 =	vadd.f32 v41, v42  }
0x25d: {  	v13 =	vadd.f32 v57, v58;
	v16 =	vadd.f32 v33, v44  }
0x25e: {  	v17 =	vadd.f32 v32, v46;
	v19 =	vadd.f32 v49, v51  }
0x25f: {  	v62 =	vadd.f32 v34, v35;
	v22 =	vadd.f32 v56, v50  }
0x260: {  	v18 =	vld.idx.msk [tilespmem:v9+s25+$0x240], $0xffff;
	v21 =	vmul.f32 v51, v51;
	v0 =	vadd.f32 v30, v0;
	v16 =	vadd.f32 v40, v16  }
0x261: {  	v20 =	vld.idx.msk [tilespmem:v10+s25+$0x240], $0xffff;
	v17 =	vadd.f32 v17, v54;
	v19 =	vadd.f32 v48, v19  }
0x262: {  	v21 =	vadd.f32 v55, v21;
	v30 =	vadd.f32 v36, v39  }
0x263: {  	v24 =	vmul.f32 v52, v52;
	v22 =	vadd.f32 v22, v43;
	v23 =	vadd.f32 v52, v53  }
0x264: {  	v25 =	vadd.f32 v16, v29;
	v0 =	vadd.f32 v0, v31;
	v26 =	vmul.f32 v53, v53  }
0x265: {  	v21 =	vadd.f32 v45, v21;
	v13 =	vadd.f32 v30, v13;
	v27 =	vmul.f32 v18, v18  }
0x266: {  	v29 =	vmul.f32 v20, v20;
	v18 =	vadd.f32 v20, v18;
	v25 =	vadd.f32 v47, v25  }
0x267: {  	v61 =	vadd.f32 v24, v26;
	v0 =	vadd.f32 v0, v38  }
0x268: {  	v24 =	vadd.f32 v37, v62;
	v63 =	vadd.f32 v29, v27  }
0x269: {  	v13 =	vadd.f32 v21, v13;
	v18 =	vadd.f32 v23, v18  }
0x26a: {  	v19 =	vadd.f32 v19, v24;
	v20 =	vadd.f32 v61, v63  }
0x26b: {  	[tilespmem:s28+$0x0] =	vst v17;
	v0 =	vadd.f32 v22, v0;
	v17 =	vadd.f32 v17, v25  }
0x26c: {  	[tilespmem:s28+$0xFFFFFFF0] =	vst v47;
	v18 =	vadd.f32 v18, v19;
	v13 =	vadd.f32 v20, v13  }
0x26d: {  	[tilespmem:s28+$0xFFFFFFE0] =	vst v16  }
0x26e: {  	v29 =	vadd.f32 v18, v17;
	[tilespmem:s28+$0x10] =	vst v18;
	v30 =	vadd.f32 v13, v0  }
.LBB2_13:
0x26f: {  	v0 =	vld.idx.msk [tilespmem:v1+s26+$0x0], $0xffff  }
0x270: {  	v13 =	vld.idx.msk [tilespmem:v2+s26+$0x0], $0xffff  }
0x271: {  	v16 =	vld.idx.msk [tilespmem:v3+s26+$0x0], $0xffff  }
0x272: {  	v17 =	vld.idx.msk [tilespmem:v4+s26+$0x0], $0xffff  }
0x273: {  	v18 =	vld.idx.msk [tilespmem:v5+s26+$0x0], $0xffff  }
0x274: {  	v19 =	vld.idx.msk [tilespmem:v6+s26+$0x0], $0xffff  }
0x275: {  	v20 =	vld.idx.msk [tilespmem:v7+s26+$0x0], $0xffff  }
0x276: {  	v21 =	vld.idx.msk [tilespmem:v8+s26+$0x0], $0xffff  }
0x277: {  	v22 =	vld.idx.msk [tilespmem:v9+s26+$0x0], $0xffff  }
0x278: {  	v23 =	vld.idx.msk [tilespmem:v10+s26+$0x0], $0xffff  }
0x279: {  	v24 =	vld.idx.msk [tilespmem:v11+s26+$0x0], $0xffff  }
0x27a: {  	v25 =	vld.idx.msk [tilespmem:v12+s26+$0x0], $0xffff;
	v26 =	vadd.f32 v13, v0  }
0x27b: {  	v27 =	vadd.f32 v17, v16;
	v0 =	vmul.f32 v0, v0;
	v13 =	vmul.f32 v13, v13  }
0x27c: {  	v31 =	vadd.f32 v19, v18;
	v16 =	vmul.f32 v16, v16;
	v17 =	vmul.f32 v17, v17  }
0x27d: {  	v32 =	vadd.f32 v21, v20;
	v18 =	vmul.f32 v18, v18;
	v19 =	vmul.f32 v19, v19  }
0x27e: {  	v33 =	vadd.f32 v23, v22;
	v20 =	vmul.f32 v20, v20;
	v21 =	vmul.f32 v21, v21  }
0x27f: {  	v34 =	vadd.f32 v25, v24;
	v22 =	vmul.f32 v22, v22;
	v23 =	vmul.f32 v23, v23  }
0x280: {  	v24 =	vmul.f32 v24, v24;
	v26 =	vadd.f32 v27, v26;
	v27 =	vadd.f32 v32, v31  }
0x281: {  	v25 =	vmul.f32 v25, v25;
	v0 =	vadd.f32 v13, v0;
	v13 =	vadd.f32 v17, v16  }
0x282: {  	v16 =	vadd.f32 v19, v18;
	v17 =	vadd.f32 v21, v20  }
0x283: {  	v62 =	vadd.f32 v23, v22;
	v63 =	vadd.f32 v25, v24  }
0x284: {  	v0 =	vadd.f32 v13, v0;
	v13 =	vadd.f32 v17, v16  }
0x285: {  	p0 =	sne.s32 s30, $0x40;
	v16 =	vadd.f32 v34, v33;
	v17 =	vadd.f32 v27, v26  }
.Ltmp5:
0x286: {  	v18 =	vadd.f32 v63, v62;
	v0 =	vadd.f32 v13, v0;
	(pc) =	sbr.rel @p0 .LBB2_13-.Ltmp5, $4  }
0x287: {  	_ = 	snop  }
0x288: {  	v13 =	vadd.f32 v16, v17;
	v0 =	vadd.f32 v18, v0  }
0x289: {  	s0 =	sshra.s32 s30, $0x2  }
0x28a: {  	s26 =	sadd.s32 $0xC0, s26;
	s30 =	sadd.s32 $0x40, s30;
	[tilespmem:s0+$0x61C0] =	vst v13;
	v29 =	vadd.f32 v13, v29;
	v30 =	vadd.f32 v0, v30  }
0x28b: {  	v0 =	vld [tilespmem:$0x1FF20];
	_ =	sdelay $0x1  }
0x28c: {  	v13 =	vld [tilespmem:$0x1FF30];
	_ =	sdelay $0x1  }
0x28d: {  	v16 =	vld [tilespmem:$0x1FF40];
	_ =	sdelay $0x1  }
0x28e: {  	v18 =	vld [tilespmem:$0x1FF50]  }
0x28f: {  	v19 =	vld [tilespmem:$0x1FF60]  }
0x290: {  	v0 =	vld.idx.msk [tilespmem:v0+s14+$0x0], $0xffff;
	_ =	sdelay $0x1  }
0x291: {  	v13 =	vld.idx.msk [tilespmem:v13+s14+$0x0], $0xffff;
	_ =	sdelay $0x1  }
0x292: {  	v16 =	vld.idx.msk [tilespmem:v16+s14+$0x0], $0xffff  }
0x293: {  	v20 =	vld [tilespmem:$0x1FF70];
	v0 =	vnsel vm8, $0x0, v0  }
0x294: {  	v18 =	vld.idx.msk [tilespmem:v18+s14+$0x0], $0xffff;
	v17 =	vadd.f32 $0.0e+00, v0  }
0x295: {  	v21 =	vld [tilespmem:$0x1FF80];
	v13 =	vnsel vm8, $0x0, v13  }
0x296: {  	v19 =	vld.idx.msk [tilespmem:v19+s14+$0x0], $0xffff;
	v17 =	vadd.f32 v13, v17  }
0x297: {  	v16 =	vnsel vm8, $0x0, v16;
	v0 =	vmul.f32 v0, v0  }
0x298: {  	v17 =	vadd.f32 v16, v17  }
0x299: {  	v18 =	vnsel vm8, $0x0, v18;
	v0 =	vadd.f32 v0, v30;
	v13 =	vmul.f32 v13, v13  }
0x29a: {  	v17 =	vadd.f32 v18, v17  }
0x29b: {  	v20 =	vld.idx.msk [tilespmem:v20+s14+$0x0], $0xffff;
	v19 =	vnsel vm8, $0x0, v19;
	v0 =	vadd.f32 v13, v0;
	v13 =	vmul.f32 v16, v16  }
0x29c: {  	v16 =	vadd.f32 v19, v17;
	v17 =	vld [tilespmem:$0x1FF90]  }
0x29d: {  	v21 =	vld.idx.msk [tilespmem:v21+s14+$0x0], $0xffff;
	v0 =	vadd.f32 v13, v0;
	v13 =	vmul.f32 v18, v18  }
0x29e: {  	v18 =	vld [tilespmem:$0x1FFA0]  }
0x29f: {  	v0 =	vadd.f32 v13, v0;
	v13 =	vmul.f32 v19, v19  }
0x2a0: {  	v20 =	vnsel vm8, $0x0, v20;
	v19 =	vld [tilespmem:$0x1FFB0]  }
0x2a1: {  	v16 =	vadd.f32 v20, v16;
	v0 =	vadd.f32 v13, v0;
	v13 =	vmul.f32 v20, v20  }
0x2a2: {  	v21 =	vnsel vm8, $0x0, v21;
	v20 =	vld [tilespmem:$0x1FFC0]  }
0x2a3: {  	v16 =	vadd.f32 v21, v16;
	v0 =	vadd.f32 v13, v0;
	v13 =	vmul.f32 v21, v21;
	v21 =	vld [tilespmem:$0x1FFD0]  }
0x2a4: {  	v17 =	vld.idx.msk [tilespmem:v17+s14+$0x0], $0xffff;
	_ =	sdelay $0x1  }
0x2a5: {  	v18 =	vld.idx.msk [tilespmem:v18+s14+$0x0], $0xffff;
	_ =	sdelay $0x1  }
0x2a6: {  	v19 =	vld.idx.msk [tilespmem:v19+s14+$0x0], $0xffff  }
0x2a7: {  	v17 =	vnsel vm8, $0x0, v17  }
0x2a8: {  	v20 =	vld.idx.msk [tilespmem:v20+s14+$0x0], $0xffff;
	v16 =	vadd.f32 v17, v16  }
0x2a9: {  	v18 =	vnsel vm8, $0x0, v18  }
0x2aa: {  	v21 =	vld.idx.msk [tilespmem:v21+s14+$0x0], $0xffff;
	v16 =	vadd.f32 v18, v16  }
0x2ab: {  	v19 =	vnsel vm8, $0x0, v19  }
0x2ac: {  	v0 =	vadd.f32 v13, v0;
	v13 =	vmul.f32 v17, v17;
	v16 =	vadd.f32 v19, v16  }
0x2ad: {  	v17 =	vnsel vm8, $0x0, v20  }
0x2ae: {  	v0 =	vadd.f32 v13, v0;
	v13 =	vmul.f32 v18, v18;
	v16 =	vadd.f32 v17, v16  }
0x2af: {  	v18 =	vnsel vm8, $0x0, v21  }
0x2b0: {  	v0 =	vadd.f32 v13, v0;
	v13 =	vmul.f32 v19, v19;
	v16 =	vadd.f32 v18, v16;
	_ =	sdelay $0x1  }
0x2b1: {  	v0 =	vadd.f32 v13, v0;
	v13 =	vmul.f32 v17, v17;
	v17 =	vadd.f32 v16, v29;
	_ =	sdelay $0x1  }
0x2b2: {  	v0 =	vadd.f32 v13, v0;
	v13 =	vmul.f32 v18, v18;
	(xrf2) =	vadd.scan.msk.f32 $0xffff, v17;
	_ =	sdelay $0x1  }
0x2b3: {  	v0 =	vadd.f32 v13, v0;
	_ =	sdelay $0x1  }
0x2b4: {  	(xrf2) =	vadd.scan.msk.f32 $0xffff, v0;
	_ =	sdelay $0x5  }
0x2b5: {  	v0, _, _ =	vpop (xrf2)  }
0x2b6: {  	(v2sf) =	vpush v0, $0xF;
	_ =	sdelay $0x2  }
0x2b7: {  	v0, _, _ =	vpop (xrf2)  }
0x2b8: {  	(v2sf) =	vpush v0, $0xF;
	_ =	sdelay $0xa  }
0x2b9: {  	s0 =	spop (v2sf)  }
0x2ba: {  	s1 =	smul.f32 s0, s0;
	_ =	sdelay $0x1  }
0x2bb: {  	s1 =	smul.f32 $-8.333333240e-05, s1  }
0x2bc: {  	s25 =	spop (v2sf)  }
0x2bd: {  	s1 =	sadd.f32 s1, s25;
	_ =	sdelay $0x1  }
0x2be: {  	s1 =	smul.f32 $8.334028090e-05, s1;
	_ =	sdelay $0x1  }
0x2bf: {  	s1 =	smax.f32 s1, $1.000000000e-30  }
0x2c0: {  	v0 =	vmov s1  }
0x2c1: {  	v13 =	vshra.s32 v0, $0x1;
	v0 =	vmul.f32 $5.000000000e-01, v0  }
0x2c2: {  	v13 =	vsub.s32 $0x5F3759DF, v13  }
0x2c3: {  	v17 =	vmul.f32 v13, v0;
	_ =	sdelay $0x1  }
0x2c4: {  	v17 =	vmul.f32 v13, v17;
	_ =	sdelay $0x1  }
0x2c5: {  	v17 =	vsub.f32 $1.500000000e+00, v17;
	_ =	sdelay $0x1  }
0x2c6: {  	v13 =	vmul.f32 v13, v17;
	_ =	sdelay $0x1  }
0x2c7: {  	v17 =	vmul.f32 v13, v0;
	_ =	sdelay $0x1  }
0x2c8: {  	v17 =	vmul.f32 v17, v13;
	_ =	sdelay $0x1  }
0x2c9: {  	v17 =	vsub.f32 $1.500000000e+00, v17;
	_ =	sdelay $0x1  }
0x2ca: {  	v13 =	vmul.f32 v17, v13;
	_ =	sdelay $0x1  }
0x2cb: {  	v0 =	vmul.f32 v13, v0;
	_ =	sdelay $0x1  }
0x2cc: {  	v0 =	vmul.f32 v0, v13;
	_ =	sdelay $0x1  }
0x2cd: {  	v0 =	vsub.f32 $1.500000000e+00, v0;
	_ =	sdelay $0x1  }
0x2ce: {  	v0 =	vmul.f32 v0, v13;
	_ =	sdelay $0x1  }
0x2cf: {  	v0 =	vmul.f32 s1, v0  }
0x2d0: {  	v13 =	vld [tilespmem:$0x6A00]  }
0x2d1: {  	v17 =	vld [tilespmem:$0x6A10];
	v0 =	vadd.f32 $9.999999930e-09, v0;
	_ =	sdelay $0x1  }
0x2d2: {  	v0 =	vmul.f32 $1.200000000e+01, v0;
	_ =	sdelay $0x1  }
0x2d3: {  	s0 =	smul.f32 $1.000000050e-03, s0;
	v13 =	vmul.f32 v0, v13  }
0x2d4: {  	v0 =	vmul.f32 v0, v17  }
0x2d5: {  	v13 =	vadd.f32 s0, v13  }
0x2d6: {  	[tilespmem:$0x61E0] =	vst v16;
	v0 =	vadd.f32 s0, v0  }
0x2d7: {  	[tilespmem:$0x6A80] =	vst v13  }
0x2d8: {  	[tilespmem:$0x6A90] =	vst v0  }
0x2d9: {  	s30 =	simm.s32 $0x5E30;
	v0 =	vld.idx.msk [tilespmem:v14+s15+$0x0], $0xffff  }
0x2da: {  	v23 =	vld [tilespmem:s30+$0x20];
	_ =	sdelay $0x1  }
0x2db: {  	v21 =	vld [tilespmem:s30+$0xFFFFFFE0]  }
0x2dc: {  	v20 =	vld [tilespmem:s30+$0xFFFFFFF0]  }
0x2dd: {  	v19 =	vld [tilespmem:s30+$0x0]  }
0x2de: {  	v22 =	vld [tilespmem:s30+$0xFFFFFFD0];
	vm9 =	vlt.f32 v0, v23  }
0x2df: {  	v18 =	vld [tilespmem:s30+$0x10];
	v13 =	vsel vm9, $0x10, v15  }
0x2e0: {  	vm9 =	vlt.f32 v0, v21;
	v16 =	vor.u32 $0x7, v13  }
0x2e1: {  	v17 =	vsel vm9, $0x10, v15;
	vm9 =	vlt.f32 v0, v20  }
0x2e2: {  	v24 =	vor.u32 $0x7, v17;
	v25 =	vsel vm9, $0x10, v15;
	vm9 =	vlt.f32 v0, v19  }
0x2e3: {  	v26 =	vor.u32 $0x7, v25;
	v27 =	vsel vm9, $0x10, v15;
	vm9 =	vlt.f32 v0, v22  }
0x2e4: {  	vm10 =	vlt.f32 v0, v18;
	v0 =	vsel vm9, $0x10, v15;
	v29 =	vor.u32 $0x7, v27  }
0x2e5: {  	v30 =	vsel vm10, $0x10, v15;
	v31 =	vor.u32 $0x7, v0;
	v16 =	vld.idx.msk [tilespmem:v16+s15+$0x0], $0xffff  }
0x2e6: {  	v32 =	vor.u32 $0x7, v30  }
0x2e7: {  	v24 =	vld.idx.msk [tilespmem:v24+s15+$0x0], $0xffff  }
0x2e8: {  	v26 =	vld.idx.msk [tilespmem:v26+s15+$0x0], $0xffff  }
0x2e9: {  	v29 =	vld.idx.msk [tilespmem:v29+s15+$0x0], $0xffff  }
0x2ea: {  	v36 =	vor.u32 $0x8, v30;
	v31 =	vld.idx.msk [tilespmem:v31+s15+$0x0], $0xffff;
	vm9 =	vlt.f32 v16, v23;
	v16 =	vor.u32 $0x8, v13  }
0x2eb: {  	v33 =	vor.u32 $0x8, v17;
	v35 =	vor.u32 $0x8, v25;
	v32 =	vld.idx.msk [tilespmem:v32+s15+$0x0], $0xffff;
	v13 =	vsel vm9, v16, v13  }
0x2ec: {  	v34 =	vor.u32 $0x8, v0;
	vm9 =	vlt.f32 v24, v21;
	v24 =	vor.u32 $0x3, v13  }
0x2ed: {  	v16 =	vor.u32 $0x8, v27;
	v17 =	vsel vm9, v33, v17;
	vm9 =	vlt.f32 v26, v20  }
0x2ee: {  	v26 =	vor.u32 $0x3, v17;
	v25 =	vsel vm9, v35, v25;
	vm9 =	vlt.f32 v29, v19  }
0x2ef: {  	v29 =	vor.u32 $0x3, v25;
	vm10 =	vlt.f32 v31, v22;
	v16 =	vsel vm9, v16, v27  }
0x2f0: {  	vm9 =	vlt.f32 v32, v18;
	v0 =	vsel vm10, v34, v0;
	v27 =	vor.u32 $0x3, v16  }
0x2f1: {  	v32 =	vsel vm9, v36, v30;
	v31 =	vor.u32 $0x3, v0;
	v24 =	vld.idx.msk [tilespmem:v24+s15+$0x0], $0xffff  }
0x2f2: {  	v30 =	vor.u32 $0x3, v32  }
0x2f3: {  	v26 =	vld.idx.msk [tilespmem:v26+s15+$0x0], $0xffff  }
0x2f4: {  	v29 =	vld.idx.msk [tilespmem:v29+s15+$0x0], $0xffff  }
0x2f5: {  	v27 =	vld.idx.msk [tilespmem:v27+s15+$0x0], $0xffff  }
0x2f6: {  	v33 =	vor.u32 $0x4, v17;
	v31 =	vld.idx.msk [tilespmem:v31+s15+$0x0], $0xffff;
	vm9 =	vlt.f32 v24, v23;
	v24 =	vor.u32 $0x4, v13  }
0x2f7: {  	s31 =	simm.s32 $0x5E90;
	v52 =	vor.u32 $0x4, v25;
	v38 =	vor.u32 $0x4, v16;
	v53 =	vld.idx.msk [tilespmem:v30+s15+$0x0], $0xffff;
	v13 =	vsel vm9, v24, v13  }
0x2f8: {  	v54 =	vor.u32 $0x4, v0;
	v30 =	vld [tilespmem:s31+$0x20];
	vm9 =	vlt.f32 v26, v21;
	v37 =	vor.u32 $0x1, v13  }
0x2f9: {  	v26 =	vld.idx.msk [tilespmem:v14+s15+$0x0], $0xffff;
	v33 =	vsel vm9, v33, v17;
	vm9 =	vlt.f32 v29, v20;
	v29 =	vor.u32 $0x4, v32  }
0x2fa: {  	v56 =	vor.u32 $0x2, v13;
	v39 =	vor.u32 $0x1, v33;
	v34 =	vsel vm9, v52, v25;
	v25 =	vld [tilespmem:s31+$0xFFFFFFE0]  }
0x2fb: {  	v24 =	vld [tilespmem:s31+$0xFFFFFFF0];
	v40 =	vor.u32 $0x2, v33;
	vm9 =	vlt.f32 v27, v19;
	v41 =	vor.u32 $0x1, v34  }
0x2fc: {  	v27 =	vor.u32 $0x2, v34;
	vm10 =	vlt.f32 v31, v22;
	v38 =	vsel vm9, v38, v16  }
0x2fd: {  	v17 =	vld [tilespmem:s31+$0x0];
	vm9 =	vlt.f32 v53, v18;
	v0 =	vsel vm10, v54, v0;
	v31 =	vor.u32 $0x1, v38  }
0x2fe: {  	v59 =	vor.u32 $0x2, v38;
	vm10 =	vlt.f32 v26, v30;
	v36 =	vor.u32 $0x1, v0;
	v55 =	vld.idx.msk [tilespmem:v37+s15+$0x0], $0xffff  }
0x2ff: {  	v37 =	vsel vm9, v29, v32;
	v29 =	vld [tilespmem:s31+$0xFFFFFFD0];
	v32 =	vsel vm10, $0x10, v15;
	vm9 =	vlt.f32 v26, v25  }
0x300: {  	v16 =	vld [tilespmem:s31+$0x10];
	v44 =	vor.u32 $0x7, v32;
	v43 =	vsel vm9, $0x10, v15;
	vm9 =	vlt.f32 v26, v24  }
0x301: {  	v58 =	vor.u32 $0x2, v0;
	v39 =	vld.idx.msk [tilespmem:v39+s15+$0x0], $0xffff;
	v45 =	vor.u32 $0x7, v43;
	v46 =	vsel vm9, $0x10, v15  }
0x302: {  	v42 =	vor.u32 $0x1, v37;
	v41 =	vld.idx.msk [tilespmem:v41+s15+$0x0], $0xffff;
	vm9 =	vlt.f32 v26, v17;
	v48 =	vor.u32 $0x7, v46  }
0x303: {  	v62 =	vor.u32 $0x8, v32;
	v47 =	vor.u32 $0x8, v43;
	v49 =	vsel vm9, $0x10, v15;
	v36 =	vld.idx.msk [tilespmem:v36+s15+$0x0], $0xffff  }
0x304: {  	v31 =	vld.idx.msk [tilespmem:v31+s15+$0x0], $0xffff;
	vm10 =	vlt.f32 v55, v23;
	vm11 =	vlt.f32 v26, v29;
	v50 =	vor.u32 $0x7, v49  }
0x305: {  	vm9 =	vlt.f32 v26, v16;
	v13 =	vsel vm10, v56, v13;
	v35 =	vsel vm11, $0x10, v15;
	v44 =	vld.idx.msk [tilespmem:v44+s15+$0x0], $0xffff  }
0x306: {  	v54 =	vor.u32 $0x8, v46;
	v26 =	vsel vm9, $0x10, v15;
	v52 =	vor.u32 $0x7, v35;
	v45 =	vld.idx.msk [tilespmem:v45+s15+$0x0], $0xffff  }
0x307: {  	v55 =	vor.u32 $0x8, v49;
	v51 =	vor.u32 $0x7, v26;
	v56 =	vor.u32 $0x8, v26;
	v48 =	vld.idx.msk [tilespmem:v48+s15+$0x0], $0xffff  }
0x308: {  	vm9 =	vlt.f32 v39, v21;
	v57 =	vld.idx.msk [tilespmem:v42+s15+$0x0], $0xffff;
	v53 =	vor.u32 $0x8, v35;
	vm11 =	vlt.f32 v36, v22  }
0x309: {  	vm10 =	vlt.f32 v41, v20;
	v40 =	vsel vm9, v40, v33;
	v0 =	vsel vm11, v58, v0;
	v61 =	vld.idx.msk [tilespmem:v50+s15+$0x0], $0xffff  }
0x30a: {  	vm12 =	vlt.f32 v31, v19;
	v31 =	vsel vm10, v27, v34;
	v60 =	vld.idx.msk [tilespmem:v13+s15+$0x0], $0xffff;
	vm9 =	vlt.f32 v44, v30  }
0x30b: {  	v63 =	vld.idx.msk [tilespmem:v52+s15+$0x0], $0xffff;
	v27 =	vsel vm9, v62, v32;
	v52 =	vor.u32 $0x2, v37;
	vm10 =	vlt.f32 v45, v25  }
0x30c: {  	v50 =	vld.idx.msk [tilespmem:v51+s15+$0x0], $0xffff;
	v51 =	vor.u32 $0x3, v27;
	v43 =	vsel vm10, v47, v43;
	vm9 =	vlt.f32 v48, v24  }
0x30d: {  	v32 =	vsel vm12, v59, v38;
	v47 =	vor.u32 $0x3, v43;
	v46 =	vsel vm9, v54, v46  }
0x30e: {  	vm9 =	vlt.f32 v57, v18;
	v57 =	vld.idx.msk [tilespmem:v0+s15+$0x0], $0xffff;
	vm11 =	vlt.f32 v61, v17;
	v54 =	vor.u32 $0x3, v46  }
0x30f: {  	vm10 =	vlt.f32 v60, v23;
	v23 =	vld.idx.msk [tilespmem:v40+s15+$0x0], $0xffff;
	v33 =	vsel vm9, v52, v37;
	v37 =	vsel vm11, v55, v49  }
0x310: {  	v41 =	vld.idx.msk [tilespmem:v31+s15+$0x0], $0xffff;
	vm9 =	vlt.f32 v63, v29;
	v58 =	vor.u32 $0x3, v37;
	v59 =	vsel vm10, $0x1, v15  }
0x311: {  	v35 =	vsel vm9, v53, v35;
	vm9 =	vlt.f32 v50, v16;
	v34 =	vld.idx.msk [tilespmem:v51+s15+$0x0], $0xffff;
	v13 =	vadd.s32 v59, v13  }
0x312: {  	v60 =	vor.u32 $0x3, v35;
	v26 =	vsel vm9, v56, v26;
	v47 =	vld.idx.msk [tilespmem:v47+s15+$0x0], $0xffff;
	[tilespmem:$0x1FEF0] =	vst v13  }
0x313: {  	v61 =	vor.u32 $0x3, v26;
	vm9 =	vlt.f32 v57, v22;
	v36 =	vld.idx.msk [tilespmem:v54+s15+$0x0], $0xffff  }
0x314: {  	v56 =	vld.idx.msk [tilespmem:v32+s15+$0x0], $0xffff;
	v22 =	vsel vm9, $0x1, v15;
	vm9 =	vlt.f32 v23, v21  }
0x315: {  	v21 =	vld.idx.msk [tilespmem:v33+s15+$0x0], $0xffff;
	v52 =	vadd.s32 v22, v0;
	v22 =	vsel vm9, $0x1, v15;
	vm9 =	vlt.f32 v41, v20  }
0x316: {  	v39 =	vor.u32 $0x4, v43;
	v48 =	vor.u32 $0x4, v46;
	v23 =	vld.idx.msk [tilespmem:v58+s15+$0x0], $0xffff;
	v0 =	vsel vm9, $0x1, v15  }
0x317: {  	v63 =	vor.u32 $0x4, v37;
	v20 =	vor.u32 $0x4, v27;
	vm10 =	vlt.f32 v34, v30;
	v58 =	vld.idx.msk [tilespmem:v60+s15+$0x0], $0xffff;
	[tilespmem:$0x1FF00] =	vst v0  }
0x318: {  	v62 =	vor.u32 $0x4, v35;
	v27 =	vsel vm10, v20, v27;
	vm9 =	vlt.f32 v47, v25;
	v59 =	vld.idx.msk [tilespmem:v61+s15+$0x0], $0xffff  }
0x319: {  	s25 =	simm.s32 $0x5EF0;
	v57 =	vor.u32 $0x4, v26;
	v42 =	vld.idx.msk [tilespmem:v14+s15+$0x0], $0xffff;
	v60 =	vor.u32 $0x1, v27;
	v39 =	vsel vm9, v39, v43  }
0x31a: {  	v40 =	vadd.s32 v22, v40;
	v20 =	vld [tilespmem:s25+$0x20];
	vm9 =	vlt.f32 v36, v24;
	v43 =	vor.u32 $0x1, v39  }
0x31b: {  	v22 =	vld [tilespmem:s25+$0xFFFFFFE0];
	v45 =	vsel vm9, v48, v46;
	vm9 =	vlt.f32 v56, v19;
	vm10 =	vlt.f32 v23, v17  }
0x31c: {  	v19 =	vld [tilespmem:s25+$0xFFFFFFF0];
	v46 =	vor.u32 $0x1, v45;
	v38 =	vsel vm9, $0x1, v15;
	vm9 =	vlt.f32 v21, v18  }
0x31d: {  	v23 =	vld [tilespmem:s25+$0xFFFFFFD0];
	v37 =	vsel vm10, v63, v37;
	vm11 =	vlt.f32 v58, v29;
	v48 =	vsel vm9, $0x1, v15  }
0x31e: {  	v61 =	vor.u32 $0x1, v37;
	v35 =	vsel vm11, v62, v35;
	vm9 =	vlt.f32 v59, v16;
	v62 =	vld.idx.msk [tilespmem:v60+s15+$0x0], $0xffff  }
0x31f: {  	v18 =	vld [tilespmem:s25+$0x0];
	vm10 =	vlt.f32 v42, v20;
	v63 =	vor.u32 $0x1, v35;
	v49 =	vsel vm9, v57, v26  }
0x320: {  	v21 =	vld [tilespmem:s25+$0x10];
	vm9 =	vlt.f32 v42, v22;
	v50 =	vsel vm10, $0x10, v15;
	v26 =	vor.u32 $0x1, v49  }
0x321: {  	v51 =	vsel vm9, $0x10, v15;
	vm9 =	vlt.f32 v42, v19;
	v53 =	vor.u32 $0x7, v50;
	v43 =	vld.idx.msk [tilespmem:v43+s15+$0x0], $0xffff  }
0x322: {  	v54 =	vor.u32 $0x7, v51;
	v55 =	vsel vm9, $0x10, v15;
	v46 =	vld.idx.msk [tilespmem:v46+s15+$0x0], $0xffff  }
0x323: {  	v60 =	vor.u32 $0x2, v27;
	v57 =	vor.u32 $0x7, v55;
	v41 =	vld.idx.msk [tilespmem:v61+s15+$0x0], $0xffff;
	vm10 =	vlt.f32 v62, v30  }
0x324: {  	vm9 =	vlt.f32 v42, v18;
	v36 =	vld.idx.msk [tilespmem:v63+s15+$0x0], $0xffff;
	v59 =	vsel vm10, v60, v27  }
0x325: {  	vm11 =	vlt.f32 v42, v23;
	v58 =	vsel vm9, $0x10, v15;
	v26 =	vld.idx.msk [tilespmem:v26+s15+$0x0], $0xffff  }
0x326: {  	vm9 =	vlt.f32 v42, v21;
	v60 =	vsel vm11, $0x10, v15;
	v27 =	vor.u32 $0x7, v58;
	v53 =	vld.idx.msk [tilespmem:v53+s15+$0x0], $0xffff  }
0x327: {  	v42 =	vsel vm9, $0x10, v15;
	v61 =	vor.u32 $0x7, v60;
	vm9 =	vlt.f32 v43, v25;
	v43 =	vld.idx.msk [tilespmem:v54+s15+$0x0], $0xffff  }
0x328: {  	v44 =	vor.u32 $0x2, v39;
	v47 =	vor.u32 $0x2, v45;
	v34 =	vor.u32 $0x7, v42;
	v57 =	vld.idx.msk [tilespmem:v57+s15+$0x0], $0xffff  }
0x329: {  	v56 =	vor.u32 $0x8, v51;
	v54 =	vor.u32 $0x8, v55;
	v13 =	vsel vm9, v44, v39;
	v44 =	vld.idx.msk [tilespmem:v59+s15+$0x0], $0xffff  }
0x32a: {  	vm11 =	vlt.f32 v41, v17;
	v41 =	vor.u32 $0x2, v35;
	vm12 =	vlt.f32 v36, v29  }
0x32b: {  	vm10 =	vlt.f32 v46, v24;
	v0 =	vld.idx.msk [tilespmem:v27+s15+$0x0], $0xffff;
	v27 =	vor.u32 $0x8, v50;
	v28 =	vsel vm12, v41, v35  }
0x32c: {  	vm9 =	vlt.f32 v26, v16;
	v26 =	vsel vm10, v47, v45;
	v45 =	vld.idx.msk [tilespmem:v61+s15+$0x0], $0xffff;
	vm10 =	vlt.f32 v43, v22  }
0x32d: {  	vm12 =	vlt.f32 v53, v20;
	v61 =	vld.idx.msk [tilespmem:v34+s15+$0x0], $0xffff;
	v36 =	vsel vm10, v56, v51;
	vm10 =	vlt.f32 v57, v19  }
0x32e: {  	v53 =	vsel vm12, v27, v50;
	v34 =	vsel vm10, v54, v55;
	vm10 =	vlt.f32 v44, v30;
	v30 =	vld [tilespmem:$0x1FEF0]  }
0x32f: {  	v32 =	vadd.s32 v38, v32;
	v50 =	vor.u32 $0x3, v53  }
0x330: {  	v63 =	vor.u32 $0x8, v42;
	v62 =	vor.u32 $0x8, v60;
	v51 =	vor.u32 $0x3, v36  }
0x331: {  	s28 =	simm.s32 $0x6630;
	v46 =	vor.u32 $0x8, v58;
	v39 =	vor.u32 $0x2, v49;
	v35 =	vor.u32 $0x2, v37;
	v55 =	vld.idx.msk [tilespmem:v28+s15+$0x0], $0xffff  }
0x332: {  	v27 =	vsel vm11, v35, v37;
	v54 =	vor.u32 $0x3, v34;
	vm11 =	vlt.f32 v0, v18;
	v0 =	vld.idx.msk [tilespmem:v13+s15+$0x0], $0xffff;
	[tilespmem:s28+$0xFFFFFFD0] =	vst v52  }
0x333: {  	v56 =	vld.idx.msk [tilespmem:v26+s15+$0x0], $0xffff;
	[tilespmem:s28+$0x20] =	vst v30;
	v30 =	vsel vm9, v39, v49;
	v49 =	vsel vm10, $0x1, v15;
	vm9 =	vlt.f32 v45, v23  }
0x334: {  	s26 =	simm.s32 $0x6690;
	v41 =	vor.u32 $0x4, v36;
	[tilespmem:s28+$0xFFFFFFE0] =	vst v40;
	v50 =	vld.idx.msk [tilespmem:v50+s15+$0x0], $0xffff;
	v39 =	vadd.s32 v49, v59;
	v43 =	vsel vm9, v62, v60  }
0x335: {  	v35 =	vsel vm11, v46, v58;
	v51 =	vld.idx.msk [tilespmem:v51+s15+$0x0], $0xffff;
	vm9 =	vlt.f32 v61, v21;
	v61 =	vor.u32 $0x3, v43;
	[tilespmem:s26+$0x20] =	vst v39  }
0x336: {  	v60 =	vor.u32 $0x3, v35;
	v42 =	vsel vm9, v63, v42;
	vm9 =	vlt.f32 v55, v29;
	v29 =	vld [tilespmem:$0x1FF00]  }
0x337: {  	v37 =	vor.u32 $0x4, v34;
	v47 =	vor.u32 $0x4, v35;
	v44 =	vld.idx.msk [tilespmem:v27+s15+$0x0], $0xffff;
	v62 =	vor.u32 $0x3, v42  }
0x338: {  	v49 =	vld.idx.msk [tilespmem:v54+s15+$0x0], $0xffff;
	v46 =	vor.u32 $0x4, v43;
	v63 =	vsel vm9, $0x1, v15;
	vm9 =	vlt.f32 v0, v25  }
0x339: {  	[tilespmem:s28+$0x0] =	vst v32;
	v0 =	vadd.s32 v63, v28;
	v25 =	vsel vm9, $0x1, v15;
	vm9 =	vlt.f32 v56, v24;
	v39 =	vld.idx.msk [tilespmem:v30+s15+$0x0], $0xffff  }
0x33a: {  	vm10 =	vlt.f32 v50, v20;
	v28 =	vor.u32 $0x4, v53;
	[tilespmem:s26+$0xFFFFFFD0] =	vst v0;
	v24 =	vsel vm9, $0x1, v15;
	v38 =	vld.idx.msk [tilespmem:v61+s15+$0x0], $0xffff  }
0x33b: {  	vm9 =	vlt.f32 v51, v22;
	v29 =	vadd.s32 v29, v31;
	v31 =	vadd.s32 v48, v33;
	v33 =	vld.idx.msk [tilespmem:v60+s15+$0x0], $0xffff  }
0x33c: {  	s0 =	simm.s32 $0xC;
	v45 =	vor.u32 $0x4, v42;
	v25 =	vadd.s32 v25, v13;
	v50 =	vld.idx.msk [tilespmem:v62+s15+$0x0], $0xffff;
	v48 =	vsel vm10, v28, v53;
	[tilespmem:s28+$0xFFFFFFF0] =	vst v29  }
.LBB2_15:
0x33d: {  	v0 =	vld.idx.msk [tilespmem:v14+s15+$0x0], $0xffff;
	s0 =	sadd.s32 $0x6, s0;
	v13 =	vsel vm9, v41, v36;
	vm9 =	vlt.f32 v49, v19;
	v28 =	vor.u32 $0x1, v48;
	s25 =	sadd.s32 $0x60, s25;
	[tilespmem:s26+$0xFFFFFFE0] =	vst v25  }
0x33e: {  	v29 =	vmovc v19;
	v49 =	vld [tilespmem:s25+$0x20];
	p0 =	slt.u32 s0, $0x36;
	v36 =	vor.u32 $0x1, v13;
	v41 =	vor.u32 $0x2, v13;
	v34 =	vsel vm9, v37, v34;
	[tilespmem:s28+$0x10] =	vst v31;
	v31 =	vmovc v23;
	s28 =	smov.u32 s26  }
0x33f: {  	v32 =	vmovc v26;
	vm9 =	vlt.f32 v44, v17;
	v17 =	vmovc v18;
	v25 =	vld [tilespmem:s25+$0xFFFFFFE0];
	v37 =	vor.u32 $0x1, v34;
	v51 =	vor.u32 $0x2, v34  }
0x340: {  	vm10 =	vlt.f32 v33, v17;
	v33 =	vsel vm9, $0x1, v15;
	vm9 =	vlt.f32 v39, v16;
	v16 =	vmovc v21;
	v39 =	vmovc v27;
	v19 =	vld [tilespmem:s25+$0xFFFFFFF0]  }
0x341: {  	v40 =	vmovc v30;
	vm11 =	vlt.f32 v38, v31;
	v27 =	vsel vm10, v47, v35;
	v38 =	vsel vm9, $0x1, v15;
	v18 =	vld [tilespmem:s25+$0x0]  }
0x342: {  	v26 =	vsel vm11, v46, v43;
	v30 =	vor.u32 $0x1, v27;
	vm9 =	vlt.f32 v50, v16;
	v28 =	vld.idx.msk [tilespmem:v28+s15+$0x0], $0xffff  }
0x343: {  	v35 =	vor.u32 $0x1, v26;
	v42 =	vsel vm9, v45, v42;
	v21 =	vld [tilespmem:s25+$0x10];
	vm10 =	vlt.f32 v0, v49  }
0x344: {  	v44 =	vor.u32 $0x1, v42;
	v23 =	vld [tilespmem:s25+$0xFFFFFFD0];
	vm9 =	vlt.f32 v0, v25;
	v43 =	vsel vm10, $0x10, v15  }
0x345: {  	v45 =	vsel vm9, $0x10, v15;
	vm9 =	vlt.f32 v0, v19;
	v46 =	vor.u32 $0x7, v43;
	v36 =	vld.idx.msk [tilespmem:v36+s15+$0x0], $0xffff  }
0x346: {  	v47 =	vor.u32 $0x7, v45;
	v50 =	vsel vm9, $0x10, v15;
	vm9 =	vlt.f32 v0, v18;
	v37 =	vld.idx.msk [tilespmem:v37+s15+$0x0], $0xffff  }
0x347: {  	v52 =	vor.u32 $0x8, v45;
	v53 =	vor.u32 $0x7, v50;
	v54 =	vsel vm9, $0x10, v15;
	v30 =	vld.idx.msk [tilespmem:v30+s15+$0x0], $0xffff  }
0x348: {  	vm10 =	vlt.f32 v28, v20;
	v28 =	vor.u32 $0x2, v48;
	vm9 =	vlt.f32 v0, v21;
	v35 =	vld.idx.msk [tilespmem:v35+s15+$0x0], $0xffff  }
0x349: {  	v28 =	vsel vm10, v28, v48;
	vm11 =	vlt.f32 v0, v23;
	v0 =	vsel vm9, $0x10, v15;
	v44 =	vld.idx.msk [tilespmem:v44+s15+$0x0], $0xffff  }
0x34a: {  	v55 =	vor.u32 $0x7, v54;
	v48 =	vsel vm11, $0x10, v15;
	v56 =	vor.u32 $0x7, v0;
	v46 =	vld.idx.msk [tilespmem:v46+s15+$0x0], $0xffff  }
0x34b: {  	v59 =	vor.u32 $0x8, v50;
	v57 =	vor.u32 $0x7, v48;
	v58 =	vor.u32 $0x8, v48;
	v47 =	vld.idx.msk [tilespmem:v47+s15+$0x0], $0xffff  }
0x34c: {  	v60 =	vor.u32 $0x8, v54;
	v61 =	vor.u32 $0x8, v0;
	vm9 =	vlt.f32 v36, v22;
	v53 =	vld.idx.msk [tilespmem:v53+s15+$0x0], $0xffff  }
0x34d: {  	v36 =	vor.u32 $0x2, v26;
	vm10 =	vlt.f32 v37, v29;
	vm11 =	vlt.f32 v30, v17  }
0x34e: {  	v30 =	vor.u32 $0x2, v27;
	vm12 =	vlt.f32 v35, v31;
	v35 =	vor.u32 $0x2, v42;
	v62 =	vld.idx.msk [tilespmem:v28+s15+$0x0], $0xffff  }
0x34f: {  	v13 =	vsel vm9, v41, v13;
	v63 =	vsel vm12, v36, v26;
	vm9 =	vlt.f32 v44, v16;
	v55 =	vld.idx.msk [tilespmem:v55+s15+$0x0], $0xffff  }
0x350: {  	v36 =	vor.u32 $0x8, v43;
	v26 =	vsel vm10, v51, v34;
	vm12 =	vlt.f32 v46, v49;
	v44 =	vld.idx.msk [tilespmem:v57+s15+$0x0], $0xffff  }
0x351: {  	v27 =	vsel vm11, v30, v27;
	vm10 =	vlt.f32 v47, v25;
	v51 =	vsel vm12, v36, v43;
	v46 =	vld.idx.msk [tilespmem:v56+s15+$0x0], $0xffff  }
0x352: {  	v36 =	vsel vm10, v52, v45;
	vm10 =	vlt.f32 v53, v19;
	v45 =	vor.u32 $0x3, v51  }
0x353: {  	v47 =	vor.u32 $0x3, v36;
	v41 =	vor.u32 $0x4, v36;
	v34 =	vsel vm10, v59, v50  }
0x354: {  	v50 =	vor.u32 $0x3, v34;
	v37 =	vor.u32 $0x4, v34;
	vm10 =	vlt.f32 v62, v20;
	v20 =	vmovc v49;
	v52 =	vld.idx.msk [tilespmem:v63+s15+$0x0], $0xffff  }
0x355: {  	v30 =	vsel vm9, v35, v42;
	vm11 =	vlt.f32 v55, v18;
	v42 =	vsel vm10, $0x1, v15;
	v53 =	vld.idx.msk [tilespmem:v13+s15+$0x0], $0xffff  }
0x356: {  	s26 =	sadd.s32 $0x60, s26;
	vm9 =	vlt.f32 v44, v23;
	v35 =	vsel vm11, v60, v54;
	v28 =	vadd.s32 v42, v28;
	v54 =	vld.idx.msk [tilespmem:v26+s15+$0x0], $0xffff  }
0x357: {  	v43 =	vsel vm9, v58, v48;
	v48 =	vor.u32 $0x3, v35;
	vm9 =	vlt.f32 v46, v21;
	v55 =	vld.idx.msk [tilespmem:v45+s15+$0x0], $0xffff;
	[tilespmem:s26+$0x20] =	vst v28  }
0x358: {  	v28 =	vor.u32 $0x3, v43;
	v46 =	vor.u32 $0x4, v43;
	v42 =	vsel vm9, v61, v0;
	v56 =	vld.idx.msk [tilespmem:v47+s15+$0x0], $0xffff  }
0x359: {  	v47 =	vor.u32 $0x4, v35;
	v0 =	vor.u32 $0x3, v42;
	v45 =	vor.u32 $0x4, v42;
	v49 =	vld.idx.msk [tilespmem:v50+s15+$0x0], $0xffff  }
.Ltmp6:
0x35a: {  	v24 =	vadd.s32 v24, v32;
	v32 =	vadd.s32 v33, v39;
	vm9 =	vlt.f32 v52, v31;
	v44 =	vld.idx.msk [tilespmem:v27+s15+$0x0], $0xffff;
	(pc) =	sbr.rel @p0 .LBB2_15-.Ltmp6, $4  }
0x35b: {  	v31 =	vadd.s32 v38, v40;
	v50 =	vsel vm9, $0x1, v15;
	vm9 =	vlt.f32 v53, v22;
	v39 =	vld.idx.msk [tilespmem:v30+s15+$0x0], $0xffff;
	[tilespmem:s28+$0xFFFFFFF0] =	vst v24  }
0x35c: {  	v40 =	vsel vm9, $0x1, v15;
	vm9 =	vlt.f32 v54, v29;
	v33 =	vld.idx.msk [tilespmem:v48+s15+$0x0], $0xffff;
	v48 =	vadd.s32 v50, v63;
	[tilespmem:s28+$0x0] =	vst v32  }
0x35d: {  	v22 =	vmovc v25;
	vm10 =	vlt.f32 v55, v20;
	v24 =	vsel vm9, $0x1, v15;
	v38 =	vld.idx.msk [tilespmem:v28+s15+$0x0], $0xffff;
	v28 =	vor.u32 $0x4, v51;
	[tilespmem:s26+$0xFFFFFFD0] =	vst v48  }
0x35e: {  	v25 =	vadd.s32 v40, v13;
	vm9 =	vlt.f32 v56, v22;
	v50 =	vld.idx.msk [tilespmem:v0+s15+$0x0], $0xffff;
	v48 =	vsel vm10, v28, v51  }
0x35f: {  	_ =	sdelay $0x1  }
0x360: {  	v0 =	vor.u32 $0x1, v48  }
0x361: {  	vm10 =	vlt.f32 v38, v23  }
0x362: {  	v13 =	vsel vm10, v46, v43  }
0x363: {  	v28 =	vsel vm9, v41, v36;
	v29 =	vor.u32 $0x1, v13  }
0x364: {  	vm9 =	vlt.f32 v49, v19;
	v32 =	vor.u32 $0x1, v28  }
0x365: {  	v34 =	vsel vm9, v37, v34;
	vm9 =	vlt.f32 v33, v18;
	v0 =	vld.idx.msk [tilespmem:v0+s15+$0x0], $0xffff  }
0x366: {  	v49 =	vor.u32 $0x1, v34;
	v35 =	vsel vm9, v47, v35;
	vm9 =	vlt.f32 v50, v21  }
0x367: {  	v50 =	vor.u32 $0x1, v35;
	v51 =	vsel vm9, v45, v42  }
0x368: {  	v52 =	vor.u32 $0x1, v51;
	v29 =	vld.idx.msk [tilespmem:v29+s15+$0x0], $0xffff  }
0x369: {  	v32 =	vld.idx.msk [tilespmem:v32+s15+$0x0], $0xffff  }
0x36a: {  	vm9 =	vlt.f32 v0, v20;
	v0 =	vor.u32 $0x2, v48  }
0x36b: {  	v33 =	vld.idx.msk [tilespmem:v49+s15+$0x0], $0xffff;
	v0 =	vsel vm9, v0, v48  }
0x36c: {  	v36 =	vld.idx.msk [tilespmem:v50+s15+$0x0], $0xffff  }
0x36d: {  	v40 =	vor.u32 $0x2, v13;
	v38 =	vld.idx.msk [tilespmem:v52+s15+$0x0], $0xffff;
	vm9 =	vlt.f32 v29, v23  }
0x36e: {  	v53 =	vor.u32 $0x2, v28;
	vm10 =	vlt.f32 v32, v22;
	v13 =	vsel vm9, v40, v13  }
0x36f: {  	v28 =	vsel vm10, v53, v28  }
0x370: {  	v54 =	vor.u32 $0x2, v34;
	vm9 =	vlt.f32 v33, v19;
	v55 =	vld.idx.msk [tilespmem:v0+s15+$0x0], $0xffff  }
0x371: {  	v56 =	vor.u32 $0x2, v35;
	vm10 =	vlt.f32 v36, v18;
	v29 =	vsel vm9, v54, v34  }
0x372: {  	v57 =	vor.u32 $0x2, v51;
	v33 =	vsel vm10, v56, v35;
	vm9 =	vlt.f32 v38, v21  }
0x373: {  	v34 =	vsel vm9, v57, v51;
	v58 =	vld.idx.msk [tilespmem:v13+s15+$0x0], $0xffff  }
0x374: {  	v59 =	vld.idx.msk [tilespmem:v28+s15+$0x0], $0xffff  }
0x375: {  	vm9 =	vlt.f32 v55, v20  }
0x376: {  	[tilespmem:s26+$0xFFFFFFE0] =	vst v25;
	v20 =	vsel vm9, $0x1, v15;
	v60 =	vld.idx.msk [tilespmem:v29+s15+$0x0], $0xffff  }
0x377: {  	[tilespmem:s28+$0x10] =	vst v31;
	s1 =	sadd.s32 $0x60, s26;
	vm9 =	vlt.f32 v44, v17;
	v17 =	vld.idx.msk [tilespmem:v33+s15+$0x0], $0xffff;
	v0 =	vadd.s32 v20, v0  }
0x378: {  	v61 =	vsel vm9, $0x1, v15;
	v62 =	vld.idx.msk [tilespmem:v34+s15+$0x0], $0xffff;
	[tilespmem:s1+$0x20] =	vst v0;
	v0 =	vadd.s32 v24, v26;
	vm9 =	vlt.f32 v58, v23  }
0x379: {  	v20 =	vadd.s32 v61, v27;
	[tilespmem:s26+$0xFFFFFFF0] =	vst v0;
	v63 =	vsel vm9, $0x1, v15;
	vm9 =	vlt.f32 v59, v22  }
0x37a: {  	vm10 =	vlt.f32 v39, v16;
	[tilespmem:s26+$0x0] =	vst v20;
	v0 =	vadd.s32 v63, v13;
	v13 =	vsel vm9, $0x1, v15  }
0x37b: {  	v16 =	vsel vm10, $0x1, v15;
	vm9 =	vlt.f32 v60, v19;
	[tilespmem:s1+$0xFFFFFFD0] =	vst v0;
	v0 =	vadd.s32 v13, v28  }
0x37c: {  	v13 =	vadd.s32 v16, v30;
	v16 =	vsel vm9, $0x1, v15;
	vm9 =	vlt.f32 v17, v18;
	[tilespmem:s1+$0xFFFFFFE0] =	vst v0  }
0x37d: {  	[tilespmem:s26+$0x10] =	vst v13;
	v0 =	vsel vm9, $0x1, v15;
	vm9 =	vlt.f32 v62, v21;
	v13 =	vadd.s32 v16, v29  }
0x37e: {  	v16 =	vsel vm9, $0x1, v15;
	v0 =	vadd.s32 v0, v33;
	[tilespmem:s1+$0xFFFFFFF0] =	vst v13  }
0x37f: {  	v13 =	vadd.s32 v16, v34;
	[tilespmem:s1+$0x0] =	vst v0  }
0x380: {  	s0 =	simm.s32 $0x0;
	[tilespmem:s1+$0x10] =	vst v13  }
.LBB2_17:
0x381: {  	s1 =	sshra.s32 s0, $0x2;
	v13 =	vld.idx.msk [tilespmem:v14+s15+$0x0], $0xffff  }
0x382: {  	v0 =	vld [tilespmem:s1+$0x61C0];
	_ =	sdelay $0x4  }
0x383: {  	vm9 =	vlt.f32 v13, v0  }
0x384: {  	v13 =	vsel vm9, $0x10, v15  }
0x385: {  	v16 =	vor.u32 $0x7, v13;
	_ =	sdelay $0x4  }
0x386: {  	v16 =	vld.idx.msk [tilespmem:v16+s15+$0x0], $0xffff;
	_ =	sdelay $0x4  }
0x387: {  	vm9 =	vlt.f32 v16, v0;
	v16 =	vor.u32 $0x8, v13  }
0x388: {  	v13 =	vsel vm9, v16, v13  }
0x389: {  	v16 =	vor.u32 $0x3, v13;
	_ =	sdelay $0x4  }
0x38a: {  	v16 =	vld.idx.msk [tilespmem:v16+s15+$0x0], $0xffff;
	_ =	sdelay $0x4  }
0x38b: {  	vm9 =	vlt.f32 v16, v0;
	v16 =	vor.u32 $0x4, v13  }
0x38c: {  	v13 =	vsel vm9, v16, v13  }
0x38d: {  	v16 =	vor.u32 $0x1, v13;
	_ =	sdelay $0x4  }
0x38e: {  	v16 =	vld.idx.msk [tilespmem:v16+s15+$0x0], $0xffff;
	_ =	sdelay $0x4  }
0x38f: {  	vm9 =	vlt.f32 v16, v0;
	v16 =	vor.u32 $0x2, v13  }
0x390: {  	v13 =	vsel vm9, v16, v13;
	_ =	sdelay $0x4  }
0x391: {  	v16 =	vld.idx.msk [tilespmem:v13+s15+$0x0], $0xffff;
	_ =	sdelay $0x2  }
0x392: {  	p0 =	sne.s32 s0, $0x40  }
.Ltmp7:
0x393: {  	_ = 	snop;
	(pc) =	sbr.rel @p0 .LBB2_17-.Ltmp7, $4  }
0x394: {  	vm9 =	vlt.f32 v16, v0  }
0x395: {  	v0 =	vsel vm9, $0x1, v15  }
0x396: {  	v0 =	vadd.s32 v0, v13  }
0x397: {  	s0 =	sadd.s32 $0x40, s0;
	[tilespmem:s1+$0x69C0] =	vst v0  }
0x398: {  	_ =	sdelay $0x2  }
0x399: {  	v0 =	vld [tilespmem:$0x61E0]  }
0x39a: {  	v13 =	vld.idx.msk [tilespmem:v14+s15+$0x0], $0xffff;
	_ =	sdelay $0x4  }
0x39b: {  	vm9 =	vlt.f32 v13, v0  }
0x39c: {  	v13 =	vsel vm9, $0x10, v15  }
0x39d: {  	v16 =	vor.u32 $0x7, v13;
	_ =	sdelay $0x4  }
0x39e: {  	v16 =	vld.idx.msk [tilespmem:v16+s15+$0x0], $0xffff;
	_ =	sdelay $0x4  }
0x39f: {  	vm9 =	vlt.f32 v16, v0;
	v16 =	vor.u32 $0x8, v13  }
0x3a0: {  	v13 =	vsel vm9, v16, v13  }
0x3a1: {  	v16 =	vor.u32 $0x3, v13;
	_ =	sdelay $0x4  }
0x3a2: {  	v16 =	vld.idx.msk [tilespmem:v16+s15+$0x0], $0xffff;
	_ =	sdelay $0x4  }
0x3a3: {  	vm9 =	vlt.f32 v16, v0;
	v16 =	vor.u32 $0x4, v13  }
0x3a4: {  	v13 =	vsel vm9, v16, v13  }
0x3a5: {  	v16 =	vor.u32 $0x1, v13;
	_ =	sdelay $0x4  }
0x3a6: {  	v16 =	vld.idx.msk [tilespmem:v16+s15+$0x0], $0xffff;
	_ =	sdelay $0x4  }
0x3a7: {  	vm9 =	vlt.f32 v16, v0;
	v16 =	vor.u32 $0x2, v13  }
0x3a8: {  	v13 =	vsel vm9, v16, v13;
	_ =	sdelay $0x4  }
0x3a9: {  	v16 =	vld.idx.msk [tilespmem:v13+s15+$0x0], $0xffff;
	_ =	sdelay $0x4  }
0x3aa: {  	vm9 =	vlt.f32 v16, v0  }
0x3ab: {  	v0 =	vsel vm9, $0x1, v15  }
0x3ac: {  	v0 =	vadd.s32 v0, v13;
	v13 =	vld [tilespmem:$0x1FF10];
	_ =	sdelay $0x2  }
0x3ad: {  	s22 =	sadd.s32 $0x1, s22  }
0x3ae: {  	p0 =	sne.s32 s22, $0x40  }
.Ltmp8:
0x3af: {  	_ = 	snop;
	(pc) =	sbr.rel @p0 .LBB2_2-.Ltmp8, $4  }
0x3b0: {  	s0 =	sshll.u32 s24, $0x7  }
0x3b1: {  	s1 =	sadd.s32 s6, s23;
	s0 =	sand.u32 $0x7FC00, s0  }
0x3b2: {  	s0 =	sadd.s32 s0, s1;
	[tilespmem:v13+s18+$0x0] =	vst.idx.msk $0xff, v0  }
0x3b3: {  	[hbm4b:s0+s9] =	stream.strided.scatter [tilespmem:s18], [sflag:$0x4], $0x400, s10, s9, $0x38;
	[tilespmem:$0x6B00] =	vst v63  }
0x3b4: {  	s21 =	sadd.s32 $0x1, s21  }
0x3b5: {  	_ =	swait.ge [sflag:s19], $0x400;
	p0 =	sne.s32 s21, s8  }
.Ltmp9:
0x3b6: {  	[sflag:s19] =	ssyncset.done $0x0;
	(pc) =	sbr.rel @p0 .LBB2_1-.Ltmp9, $4  }
0x3b7: {  	[sflag:s19] =	ssyncadd.s32 $0xFFFFFC00  }
0x3b8: {  	_ =	swait.ge [sflag:s20], $0x400  }
0x3b9: {  	[sflag:s20] =	ssyncset.done $0x0  }
0x3ba: {  	[sflag:s20] =	ssyncadd.s32 $0xFFFFFC00  }
0x3bb: {  	_ =	sfence.sel $0x180000  }
0x3bc: {  	[bflag:$0x0] =	sbarrier.arrive $0xFFFF  }
0x3bd: {  	_ =	strace $0x90000047  }
0x3be: {  	s0 =	stileid.u32;
	[bflag:$0x2] =	sbarrier.arrive $0xFFFF  }
0x3bf: {  	p0 =	sne.s32 s0, $0x0;
	s0 =	rddreg [dreg:$0x2]  }
0x3c0: {  	s0 =	sadd.s32 @!p0 $0x100000, s0  }
0x3c1: {  	[sflag:s0] =	ssyncadd.tile.s32 @!p0 $0x1;
	_ =	shalt  }
.Lfunc_end2:
_tile_overlayer_lowered:
.L_overlay_start_2:
0x3c2: {  	(tag) =	ssettag $0x2  }
0x3c3: {  	s0 =	rddreg [dreg:$0x0];
	s2 =	stileid.u32  }
0x3c4: {  	s1 =	rddreg [dreg:$0x1];
	p0 =	sne.s32 s2, $0x0  }
0x3c5: {  	s3 =	rddreg [dreg:$0x2];
	[bflag:$0x3] =	sbarrier.arrive $0xFFFF;
	s2 =	simm.s32 @!p0 $0x1C05  }
0x3c6: {  	[timem:s3], [sflag:s2] =	dma.local @!p0 [hbm:s0], s1  }
0x3c7: {  	s0 =	simm.s32 @!p0 $0x5  }
0x3c8: {  	_ =	swait.ge @!p0 [sflag:s0], s1  }
0x3c9: {  	s1 =	ssub.s32 @!p0 $0x0, s1;
	[sflag:s0] =	ssyncset.done @!p0 $0x0  }
0x3ca: {  	[sflag:s0] =	ssyncadd.s32 @!p0 s1  }
0x3cb: {  	[bflag:$0x3] =	sbarrier.arrive $0xFFFF  }
0x3cc: {  	_ =	shalt  }

</sc_bundles>
